<compile_context>
chip_gen: v7x
topology: tpu7x:2x2x1
jax: 0.10.2.dev20260603
libtpu: 0.0.44.dev20260713+nightly
codegen_flags: <defaults>
</compile_context>

<pallas_src>
import functools

import jax
import jax.numpy as jnp
from jax import lax
from jax.experimental import pallas as pl
from jax.experimental.pallas import tpu as pltpu
from jax.experimental.pallas import tpu_sc as plsc

N_ATOMS = 3_200_000
N_GRAPHS = 16384
N_ELEM_PAD = 128
MAX_ELEM = 118

NC = 2
NS = 16
NW = NC * NS
CHUNK = N_ATOMS // NW
BLK = 4000
HALO = 16
NBLK = CHUNK // BLK
STEPS = BLK // 16
GROUP = 5
NPAIR = (NBLK - 1) // 2

_mesh = plsc.VectorSubcoreMesh(core_axis_name="c", subcore_axis_name="s")


@functools.partial(
    pl.kernel,
    out_type=jax.ShapeDtypeStruct((NW, N_GRAPHS), jnp.float32),
    mesh=_mesh,
    scratch_types=[
        pltpu.VMEM((N_ELEM_PAD * 16,), jnp.float32),
        pltpu.VMEM((N_ELEM_PAD,), jnp.float32),
        pltpu.VMEM((BLK,), jnp.int32),
        pltpu.VMEM((BLK + HALO,), jnp.int32),
        pltpu.VMEM((BLK,), jnp.int32),
        pltpu.VMEM((BLK + HALO,), jnp.int32),
        pltpu.VMEM((N_GRAPHS,), jnp.float32),
        pltpu.VMEM((N_GRAPHS,), jnp.float32),
        pltpu.SemaphoreType.DMA,
        pltpu.SemaphoreType.DMA,
        pltpu.SemaphoreType.DMA,
    ],
    compiler_params=pltpu.CompilerParams(needs_layout_passes=False),
)
def _seg_kernel(lin_hbm, an_hbm, bid_hbm, out_hbm,
                lin_v, lin_s, an0, bid0, an1, bid1, s_acc, b_acc,
                sem0, sem1, seml):
    wid = lax.axis_index("s") * NC + lax.axis_index("c")
    base = wid * CHUNK

    lin_cp = pltpu.async_copy(lin_hbm, lin_s.at[pl.ds(0, MAX_ELEM)], seml)
    lane = lax.iota(jnp.int32, 16)

    zeros16 = jnp.zeros((16,), jnp.float32)

    @plsc.parallel_loop(0, N_GRAPHS // 128, 1, unroll=2)
    def _zero(i):
        o = i * 128
        for k in range(8):
            s_acc[pl.ds(o + k * 16, 16)] = zeros16
            b_acc[pl.ds(o + k * 16, 16)] = zeros16

    def _start(blk_idx, an_b, bid_b, sem):
        start = pl.multiple_of(base + blk_idx * BLK, 8)
        hstart = pl.multiple_of(jnp.maximum(start - HALO, 0), 8)
        pltpu.async_copy(an_hbm.at[pl.ds(start, BLK)], an_b, sem)
        pltpu.async_copy(bid_hbm.at[pl.ds(hstart, HALO)],
                         bid_b.at[pl.ds(0, HALO)], sem)
        pltpu.async_copy(bid_hbm.at[pl.ds(start, BLK)],
                         bid_b.at[pl.ds(HALO, BLK)], sem)

    def _wait(an_b, bid_b, sem):
        pltpu.make_async_copy(an_hbm.at[pl.ds(0, BLK)], an_b, sem).wait()
        pltpu.make_async_copy(bid_hbm.at[pl.ds(0, HALO)],
                              bid_b.at[pl.ds(0, HALO)], sem).wait()
        pltpu.make_async_copy(bid_hbm.at[pl.ds(0, BLK)],
                              bid_b.at[pl.ds(HALO, BLK)], sem).wait()

    def _process(an_b, bid_b, run):
        @plsc.parallel_loop(0, STEPS // GROUP, 1, unroll=2, carry=run)
        def _group(g, run):
            o0 = g * (16 * GROUP)
            bids, prevs, vs, csums = [], [], [], []
            for j in range(GROUP):
                o = o0 + j * 16
                an = an_b[pl.ds(o, 16)]
                bids.append(bid_b[pl.ds(HALO + o, 16)])
                prevs.append(bid_b[pl.ds(HALO + o - 1, 16)])
                v = plsc.load_gather(lin_v, [an * 16 + lane])
                vs.append(v)
                csums.append(plsc.cumsum(v))
            for j in range(GROUP):
                excl = (csums[j] - vs[j]) + run
                is_start = bids[j] != prevs[j]
                plsc.store_scatter(b_acc, [bids[j]], excl, mask=is_start)
                plsc.store_scatter(s_acc, [prevs[j]], excl, mask=is_start)
                run = run + csums[j][15]
            return run

        return _group

    _start(0, an0, bid0, sem0)

    lin_cp.wait()

    @plsc.parallel_loop(0, N_ELEM_PAD // 16, 1)
    def _rep(b):
        for k in range(16):
            lin_v[pl.ds((b * 16 + k) * 16, 16)] = plsc.load_gather(
                lin_s, [jnp.full((16,), b * 16 + k, jnp.int32)])

    run = jnp.float32(0.0)

    def _pair(p, run):
        _start(2 * p + 1, an1, bid1, sem1)
        _wait(an0, bid0, sem0)

        @pl.when(jnp.logical_and(p == 0, wid == 0))
        def _fix_first_halo():
            first = bid0[pl.ds(HALO, 16)][0]
            bid0[pl.ds(0, HALO)] = jnp.full((HALO,), first, jnp.int32)

        run = _process(an0, bid0, run)
        _start(2 * p + 2, an0, bid0, sem0)
        _wait(an1, bid1, sem1)
        run = _process(an1, bid1, run)
        return run

    run = lax.fori_loop(0, NPAIR, _pair, run)

    _wait(an0, bid0, sem0)
    run = _process(an0, bid0, run)

    last_bid = bid0[pl.ds(HALO + BLK - 16, 16)][15]
    lane0 = lax.iota(jnp.int32, 16) == 0
    plsc.store_scatter(
        s_acc,
        [jnp.full((16,), last_bid, jnp.int32)],
        jnp.full((16,), run, jnp.float32),
        mask=lane0,
    )

    @plsc.parallel_loop(0, N_GRAPHS // 128, 1, unroll=2)
    def _diff(i):
        o = i * 128
        for k in range(8):
            ok = o + k * 16
            b_acc[pl.ds(ok, 16)] = s_acc[pl.ds(ok, 16)] - b_acc[pl.ds(ok, 16)]

    pltpu.sync_copy(b_acc, out_hbm.at[wid])


def _merge(p_ref, o_ref):
    o_ref[...] = jnp.sum(p_ref[...], axis=0, keepdims=True)


@jax.jit
def kernel(lin_ref, atomic_numbers, batch_ids):
    partials = _seg_kernel(lin_ref, atomic_numbers, batch_ids)
    out = pl.pallas_call(
        _merge,
        out_shape=jax.ShapeDtypeStruct((1, N_GRAPHS), jnp.float32),
    )(partials)
    return out.reshape(N_GRAPHS)

# --- scband reference (transcript-rebuilt; emitter-appended) ---
"""Pipeline reference for scband-linear-reference-15977278341792 (READ-ONLY COPY).

The authoritative reference and input builder live on the scoring server;
editing this copy changes nothing except your own understanding.
"""

import jax, jax.numpy as jnp
import numpy as np

N_ATOMS = 3_200_000
N_GRAPHS = 16384
MAX_ELEM = 118


def setup_inputs(seed: int = 0) -> dict:
    key = jax.random.key(seed)
    k1, k2, k3 = jax.random.split(key, 3)
    atomic_numbers = jax.random.randint(k1, (N_ATOMS,), 0, MAX_ELEM, dtype=jnp.int64 if jax.config.jax_enable_x64 else jnp.int32)
    batch_ids = jnp.sort(jax.random.randint(k2, (N_ATOMS,), 0, N_GRAPHS, dtype=jnp.int64 if jax.config.jax_enable_x64 else jnp.int32))
    lin_ref = jax.random.normal(k3, (MAX_ELEM,), dtype=jnp.float32)
    return {"lin_ref": lin_ref, "atomic_numbers": atomic_numbers, "batch_ids": batch_ids}


def reference(lin_ref, atomic_numbers, batch_ids):
    # offset = zeros(len(batch)).index_add(0, batch.batch, lin_ref[batch.atomic_numbers])
    per_atom_ref = jnp.take(lin_ref, atomic_numbers, axis=0)
    offset = jax.ops.segment_sum(per_atom_ref, batch_ids, num_segments=N_GRAPHS)
    return offset

if __name__ == "__main__":
    import jax
    _d = setup_inputs()
    print(jax.jit(kernel)(*tuple(_d.values())))

</pallas_src>

<mosaic_0001>
#map = affine_map<(d0, d1) -> (0)>
#map1 = affine_map<(d0, d1) -> (0, 0)>
module attributes {stable_mosaic.version = 14 : i64} {
  func.func @_seg_kernel(%arg0: i32, %arg1: i32, %arg2: memref<118xf32, #tpu.memory_space<hbm>>, %arg3: memref<3200000xi32, #tpu.memory_space<hbm>>, %arg4: memref<3200000xi32, #tpu.memory_space<hbm>>, %arg5: memref<32x16384xf32, #tpu.memory_space<hbm>>, %arg6: memref<2048xf32, #tpu.memory_space<vmem>>, %arg7: memref<128xf32, #tpu.memory_space<vmem>>, %arg8: memref<4000xi32, #tpu.memory_space<vmem>>, %arg9: memref<4016xi32, #tpu.memory_space<vmem>>, %arg10: memref<4000xi32, #tpu.memory_space<vmem>>, %arg11: memref<4016xi32, #tpu.memory_space<vmem>>, %arg12: memref<16384xf32, #tpu.memory_space<vmem>>, %arg13: memref<16384xf32, #tpu.memory_space<vmem>>, %arg14: memref<!tpu.dma_semaphore, #tpu.memory_space<semaphore_mem>>, %arg15: memref<!tpu.dma_semaphore, #tpu.memory_space<semaphore_mem>>, %arg16: memref<!tpu.dma_semaphore, #tpu.memory_space<semaphore_mem>>) attributes {dimension_semantics = [#tpu.dimension_semantics<core_parallel>, #tpu.dimension_semantics<subcore_parallel>], iteration_bounds = array<i64: 2, 16>, scalar_prefetch = 0 : i64, scratch_operands = 11 : i64, tpu.core_type = #tpu.core_type<sc_vector_subcore>, window_params = [{transform_indices = #map}, {transform_indices = #map}, {transform_indices = #map}, {transform_indices = #map1}]} {
    %mul3A = arith.constant 2 : i32
    %mul3A_0 = arith.muli %arg1, %mul3A : i32
    %add3A = arith.addi %mul3A_0, %arg0 : i32
    %mul3A_1 = arith.constant 100000 : i32
    %mul3A_2 = arith.muli %add3A, %mul3A_1 : i32
    %dma_start3A = arith.constant 0 : i32
    %dma_start3A_3 = tpu.memref_slice %arg7[%dma_start3A] : memref<128xf32, #tpu.memory_space<vmem>> -> memref<118xf32, #tpu.memory_space<vmem>>
    %dma_start3A_4 = arith.constant 0 : i32
    %dma_start3A_5 = tpu.memref_slice %arg7[%dma_start3A_4] : memref<128xf32, #tpu.memory_space<vmem>> -> memref<118xf32, #tpu.memory_space<vmem>>
    tpu.enqueue_dma source(%arg2 : memref<118xf32, #tpu.memory_space<hbm>>) target(%dma_start3A_5 : memref<118xf32, #tpu.memory_space<vmem>>) target_semaphore(%arg16 : memref<!tpu.dma_semaphore, #tpu.memory_space<semaphore_mem>>)
    %iota3A = tpu.iota {dimensions = array<i32: 0>} : vector<16xi32>
    %broadcast_in_dim3A = arith.constant 0.000000e+00 : f32
    %broadcast_in_dim3A_6 = vector.broadcast %broadcast_in_dim3A : f32 to vector<16xf32>
    %parallel_loop3A = arith.constant 0 : i32
    %parallel_loop3A_7 = arith.constant 128 : i32
    %parallel_loop3A_8 = arith.constant 1 : i32
    scf.for %parallel_loop3A_73 = %parallel_loop3A to %parallel_loop3A_7 step %parallel_loop3A_8  : i32 {
      %parallel_loop3A_74 = arith.constant 128 : i32
      %parallel_loop3A_75 = arith.muli %parallel_loop3A_73, %parallel_loop3A_74 : i32
      %parallel_loop3A_76 = arith.constant 0 : i32
      %parallel_loop3A_77 = arith.addi %parallel_loop3A_75, %parallel_loop3A_76 : i32
      %parallel_loop3A_78 = arith.index_cast %parallel_loop3A_77 : i32 to index
      %parallel_loop3A_79 = tpu.vector_load %arg12[%parallel_loop3A_78] {strides = array<i32>} : memref<16384xf32, #tpu.memory_space<vmem>>, vector<16xf32>,
      tpu.vector_store %arg12[%parallel_loop3A_78], %broadcast_in_dim3A_6 {strides = array<i32>} : memref<16384xf32, #tpu.memory_space<vmem>>, vector<16xf32>,
      %parallel_loop3A_80 = arith.constant 0 : i32
      %parallel_loop3A_81 = arith.addi %parallel_loop3A_75, %parallel_loop3A_80 : i32
      %parallel_loop3A_82 = arith.index_cast %parallel_loop3A_81 : i32 to index
      %parallel_loop3A_83 = tpu.vector_load %arg13[%parallel_loop3A_82] {strides = array<i32>} : memref<16384xf32, #tpu.memory_space<vmem>>, vector<16xf32>,
      tpu.vector_store %arg13[%parallel_loop3A_82], %broadcast_in_dim3A_6 {strides = array<i32>} : memref<16384xf32, #tpu.memory_space<vmem>>, vector<16xf32>,
      %parallel_loop3A_84 = arith.constant 16 : i32
      %parallel_loop3A_85 = arith.addi %parallel_loop3A_75, %parallel_loop3A_84 : i32
      %parallel_loop3A_86 = arith.index_cast %parallel_loop3A_85 : i32 to index
      %parallel_loop3A_87 = tpu.vector_load %arg12[%parallel_loop3A_86] {strides = array<i32>} : memref<16384xf32, #tpu.memory_space<vmem>>, vector<16xf32>,
      tpu.vector_store %arg12[%parallel_loop3A_86], %broadcast_in_dim3A_6 {strides = array<i32>} : memref<16384xf32, #tpu.memory_space<vmem>>, vector<16xf32>,
      %parallel_loop3A_88 = arith.constant 16 : i32
      %parallel_loop3A_89 = arith.addi %parallel_loop3A_75, %parallel_loop3A_88 : i32
      %parallel_loop3A_90 = arith.index_cast %parallel_loop3A_89 : i32 to index
      %parallel_loop3A_91 = tpu.vector_load %arg13[%parallel_loop3A_90] {strides = array<i32>} : memref<16384xf32, #tpu.memory_space<vmem>>, vector<16xf32>,
      tpu.vector_store %arg13[%parallel_loop3A_90], %broadcast_in_dim3A_6 {strides = array<i32>} : memref<16384xf32, #tpu.memory_space<vmem>>, vector<16xf32>,
      %parallel_loop3A_92 = arith.constant 32 : i32
      %parallel_loop3A_93 = arith.addi %parallel_loop3A_75, %parallel_loop3A_92 : i32
      %parallel_loop3A_94 = arith.index_cast %parallel_loop3A_93 : i32 to index
      %parallel_loop3A_95 = tpu.vector_load %arg12[%parallel_loop3A_94] {strides = array<i32>} : memref<16384xf32, #tpu.memory_space<vmem>>, vector<16xf32>,
      tpu.vector_store %arg12[%parallel_loop3A_94], %broadcast_in_dim3A_6 {strides = array<i32>} : memref<16384xf32, #tpu.memory_space<vmem>>, vector<16xf32>,
      %parallel_loop3A_96 = arith.constant 32 : i32
      %parallel_loop3A_97 = arith.addi %parallel_loop3A_75, %parallel_loop3A_96 : i32
      %parallel_loop3A_98 = arith.index_cast %parallel_loop3A_97 : i32 to index
      %parallel_loop3A_99 = tpu.vector_load %arg13[%parallel_loop3A_98] {strides = array<i32>} : memref<16384xf32, #tpu.memory_space<vmem>>, vector<16xf32>,
      tpu.vector_store %arg13[%parallel_loop3A_98], %broadcast_in_dim3A_6 {strides = array<i32>} : memref<16384xf32, #tpu.memory_space<vmem>>, vector<16xf32>,
      %parallel_loop3A_100 = arith.constant 48 : i32
      %parallel_loop3A_101 = arith.addi %parallel_loop3A_75, %parallel_loop3A_100 : i32
      %parallel_loop3A_102 = arith.index_cast %parallel_loop3A_101 : i32 to index
      %parallel_loop3A_103 = tpu.vector_load %arg12[%parallel_loop3A_102] {strides = array<i32>} : memref<16384xf32, #tpu.memory_space<vmem>>, vector<16xf32>,
      tpu.vector_store %arg12[%parallel_loop3A_102], %broadcast_in_dim3A_6 {strides = array<i32>} : memref<16384xf32, #tpu.memory_space<vmem>>, vector<16xf32>,
      %parallel_loop3A_104 = arith.constant 48 : i32
      %parallel_loop3A_105 = arith.addi %parallel_loop3A_75, %parallel_loop3A_104 : i32
      %parallel_loop3A_106 = arith.index_cast %parallel_loop3A_105 : i32 to index
      %parallel_loop3A_107 = tpu.vector_load %arg13[%parallel_loop3A_106] {strides = array<i32>} : memref<16384xf32, #tpu.memory_space<vmem>>, vector<16xf32>,
      tpu.vector_store %arg13[%parallel_loop3A_106], %broadcast_in_dim3A_6 {strides = array<i32>} : memref<16384xf32, #tpu.memory_space<vmem>>, vector<16xf32>,
      %parallel_loop3A_108 = arith.constant 64 : i32
      %parallel_loop3A_109 = arith.addi %parallel_loop3A_75, %parallel_loop3A_108 : i32
      %parallel_loop3A_110 = arith.index_cast %parallel_loop3A_109 : i32 to index
      %parallel_loop3A_111 = tpu.vector_load %arg12[%parallel_loop3A_110] {strides = array<i32>} : memref<16384xf32, #tpu.memory_space<vmem>>, vector<16xf32>,
      tpu.vector_store %arg12[%parallel_loop3A_110], %broadcast_in_dim3A_6 {strides = array<i32>} : memref<16384xf32, #tpu.memory_space<vmem>>, vector<16xf32>,
      %parallel_loop3A_112 = arith.constant 64 : i32
      %parallel_loop3A_113 = arith.addi %parallel_loop3A_75, %parallel_loop3A_112 : i32
      %parallel_loop3A_114 = arith.index_cast %parallel_loop3A_113 : i32 to index
      %parallel_loop3A_115 = tpu.vector_load %arg13[%parallel_loop3A_114] {strides = array<i32>} : memref<16384xf32, #tpu.memory_space<vmem>>, vector<16xf32>,
      tpu.vector_store %arg13[%parallel_loop3A_114], %broadcast_in_dim3A_6 {strides = array<i32>} : memref<16384xf32, #tpu.memory_space<vmem>>, vector<16xf32>,
      %parallel_loop3A_116 = arith.constant 80 : i32
      %parallel_loop3A_117 = arith.addi %parallel_loop3A_75, %parallel_loop3A_116 : i32
      %parallel_loop3A_118 = arith.index_cast %parallel_loop3A_117 : i32 to index
      %parallel_loop3A_119 = tpu.vector_load %arg12[%parallel_loop3A_118] {strides = array<i32>} : memref<16384xf32, #tpu.memory_space<vmem>>, vector<16xf32>,
      tpu.vector_store %arg12[%parallel_loop3A_118], %broadcast_in_dim3A_6 {strides = array<i32>} : memref<16384xf32, #tpu.memory_space<vmem>>, vector<16xf32>,
      %parallel_loop3A_120 = arith.constant 80 : i32
      %parallel_loop3A_121 = arith.addi %parallel_loop3A_75, %parallel_loop3A_120 : i32
      %parallel_loop3A_122 = arith.index_cast %parallel_loop3A_121 : i32 to index
      %parallel_loop3A_123 = tpu.vector_load %arg13[%parallel_loop3A_122] {strides = array<i32>} : memref<16384xf32, #tpu.memory_space<vmem>>, vector<16xf32>,
      tpu.vector_store %arg13[%parallel_loop3A_122], %broadcast_in_dim3A_6 {strides = array<i32>} : memref<16384xf32, #tpu.memory_space<vmem>>, vector<16xf32>,
      %parallel_loop3A_124 = arith.constant 96 : i32
      %parallel_loop3A_125 = arith.addi %parallel_loop3A_75, %parallel_loop3A_124 : i32
      %parallel_loop3A_126 = arith.index_cast %parallel_loop3A_125 : i32 to index
      %parallel_loop3A_127 = tpu.vector_load %arg12[%parallel_loop3A_126] {strides = array<i32>} : memref<16384xf32, #tpu.memory_space<vmem>>, vector<16xf32>,
      tpu.vector_store %arg12[%parallel_loop3A_126], %broadcast_in_dim3A_6 {strides = array<i32>} : memref<16384xf32, #tpu.memory_space<vmem>>, vector<16xf32>,
      %parallel_loop3A_128 = arith.constant 96 : i32
      %parallel_loop3A_129 = arith.addi %parallel_loop3A_75, %parallel_loop3A_128 : i32
      %parallel_loop3A_130 = arith.index_cast %parallel_loop3A_129 : i32 to index
      %parallel_loop3A_131 = tpu.vector_load %arg13[%parallel_loop3A_130] {strides = array<i32>} : memref<16384xf32, #tpu.memory_space<vmem>>, vector<16xf32>,
      tpu.vector_store %arg13[%parallel_loop3A_130], %broadcast_in_dim3A_6 {strides = array<i32>} : memref<16384xf32, #tpu.memory_space<vmem>>, vector<16xf32>,
      %parallel_loop3A_132 = arith.constant 112 : i32
      %parallel_loop3A_133 = arith.addi %parallel_loop3A_75, %parallel_loop3A_132 : i32
      %parallel_loop3A_134 = arith.index_cast %parallel_loop3A_133 : i32 to index
      %parallel_loop3A_135 = tpu.vector_load %arg12[%parallel_loop3A_134] {strides = array<i32>} : memref<16384xf32, #tpu.memory_space<vmem>>, vector<16xf32>,
      tpu.vector_store %arg12[%parallel_loop3A_134], %broadcast_in_dim3A_6 {strides = array<i32>} : memref<16384xf32, #tpu.memory_space<vmem>>, vector<16xf32>,
      %parallel_loop3A_136 = arith.constant 112 : i32
      %parallel_loop3A_137 = arith.addi %parallel_loop3A_75, %parallel_loop3A_136 : i32
      %parallel_loop3A_138 = arith.index_cast %parallel_loop3A_137 : i32 to index
      %parallel_loop3A_139 = tpu.vector_load %arg13[%parallel_loop3A_138] {strides = array<i32>} : memref<16384xf32, #tpu.memory_space<vmem>>, vector<16xf32>,
      tpu.vector_store %arg13[%parallel_loop3A_138], %broadcast_in_dim3A_6 {strides = array<i32>} : memref<16384xf32, #tpu.memory_space<vmem>>, vector<16xf32>,
    } {sc.loop_unroll_factor = 2 : i64, sc.parallel_access}
    %add3A_9 = arith.constant 0 : i32
    %add3A_10 = arith.addi %mul3A_2, %add3A_9 : i32
    %multiple_of3A = tpu.assume_multiple %add3A_10, 8 : i32
    %sub3A = arith.constant 16 : i32
    %sub3A_11 = arith.subi %multiple_of3A, %sub3A : i32
    %max3A = arith.constant 0 : i32
    %max3A_12 = arith.maxsi %sub3A_11, %max3A : i32
    %multiple_of3A_13 = tpu.assume_multiple %max3A_12, 8 : i32
    %dma_start3A_14 = tpu.memref_slice %arg3[%multiple_of3A] : memref<3200000xi32, #tpu.memory_space<hbm>> -> memref<4000xi32, #tpu.memory_space<hbm>>
    %dma_start3A_15 = tpu.memref_slice %arg3[%multiple_of3A] : memref<3200000xi32, #tpu.memory_space<hbm>> -> memref<4000xi32, #tpu.memory_space<hbm>>
    tpu.enqueue_dma source(%dma_start3A_15 : memref<4000xi32, #tpu.memory_space<hbm>>) target(%arg8 : memref<4000xi32, #tpu.memory_space<vmem>>) target_semaphore(%arg14 : memref<!tpu.dma_semaphore, #tpu.memory_space<semaphore_mem>>)
    %dma_start3A_16 = arith.constant 0 : i32
    %dma_start3A_17 = tpu.memref_slice %arg9[%dma_start3A_16] : memref<4016xi32, #tpu.memory_space<vmem>> -> memref<16xi32, #tpu.memory_space<vmem>>
    %dma_start3A_18 = tpu.memref_slice %arg4[%multiple_of3A_13] : memref<3200000xi32, #tpu.memory_space<hbm>> -> memref<16xi32, #tpu.memory_space<hbm>>
    %dma_start3A_19 = arith.constant 0 : i32
    %dma_start3A_20 = tpu.memref_slice %arg9[%dma_start3A_19] : memref<4016xi32, #tpu.memory_space<vmem>> -> memref<16xi32, #tpu.memory_space<vmem>>
    %dma_start3A_21 = tpu.memref_slice %arg4[%multiple_of3A_13] : memref<3200000xi32, #tpu.memory_space<hbm>> -> memref<16xi32, #tpu.memory_space<hbm>>
    tpu.enqueue_dma source(%dma_start3A_21 : memref<16xi32, #tpu.memory_space<hbm>>) target(%dma_start3A_20 : memref<16xi32, #tpu.memory_space<vmem>>) target_semaphore(%arg14 : memref<!tpu.dma_semaphore, #tpu.memory_space<semaphore_mem>>)
    %dma_start3A_22 = arith.constant 16 : i32
    %dma_start3A_23 = tpu.memref_slice %arg9[%dma_start3A_22] : memref<4016xi32, #tpu.memory_space<vmem>> -> memref<4000xi32, #tpu.memory_space<vmem>>
    %dma_start3A_24 = tpu.memref_slice %arg4[%multiple_of3A] : memref<3200000xi32, #tpu.memory_space<hbm>> -> memref<4000xi32, #tpu.memory_space<hbm>>
    %dma_start3A_25 = arith.constant 16 : i32
    %dma_start3A_26 = tpu.memref_slice %arg9[%dma_start3A_25] : memref<4016xi32, #tpu.memory_space<vmem>> -> memref<4000xi32, #tpu.memory_space<vmem>>
    %dma_start3A_27 = tpu.memref_slice %arg4[%multiple_of3A] : memref<3200000xi32, #tpu.memory_space<hbm>> -> memref<4000xi32, #tpu.memory_space<hbm>>
    tpu.enqueue_dma source(%dma_start3A_27 : memref<4000xi32, #tpu.memory_space<hbm>>) target(%dma_start3A_26 : memref<4000xi32, #tpu.memory_space<vmem>>) target_semaphore(%arg14 : memref<!tpu.dma_semaphore, #tpu.memory_space<semaphore_mem>>)
    %dma_wait3A = arith.constant 0 : i32
    %dma_wait3A_28 = tpu.memref_slice %arg7[%dma_wait3A] : memref<128xf32, #tpu.memory_space<vmem>> -> memref<118xf32, #tpu.memory_space<vmem>>
    %dma_wait3A_29 = arith.constant 0 : i32
    %dma_wait3A_30 = tpu.memref_slice %arg7[%dma_wait3A_29] : memref<128xf32, #tpu.memory_space<vmem>> -> memref<118xf32, #tpu.memory_space<vmem>>
    tpu.wait_dma2 semaphore(%arg16 : memref<!tpu.dma_semaphore, #tpu.memory_space<semaphore_mem>>) src(%arg2 : memref<118xf32, #tpu.memory_space<hbm>>) dst(%dma_wait3A_30 : memref<118xf32, #tpu.memory_space<vmem>>)
    %parallel_loop3A_31 = arith.constant 0 : i32
    %parallel_loop3A_32 = arith.constant 8 : i32
    %parallel_loop3A_33 = arith.constant 1 : i32
    scf.for %parallel_loop3A_73 = %parallel_loop3A_31 to %parallel_loop3A_32 step %parallel_loop3A_33  : i32 {
      %parallel_loop3A_74 = arith.constant 16 : i32
      %parallel_loop3A_75 = arith.muli %parallel_loop3A_73, %parallel_loop3A_74 : i32
      %parallel_loop3A_76 = arith.constant 0 : i32
      %parallel_loop3A_77 = arith.addi %parallel_loop3A_75, %parallel_loop3A_76 : i32
      %parallel_loop3A_78 = vector.broadcast %parallel_loop3A_77 : i32 to vector<16xi32>
      %parallel_loop3A_79 = tpu.vector_load_idx %arg7[%parallel_loop3A_78] : memref<128xf32, #tpu.memory_space<vmem>>[vector<16xi32>], vector<16xf32>,
      %parallel_loop3A_80 = arith.constant 16 : i32
      %parallel_loop3A_81 = arith.muli %parallel_loop3A_73, %parallel_loop3A_80 : i32
      %parallel_loop3A_82 = arith.constant 0 : i32
      %parallel_loop3A_83 = arith.addi %parallel_loop3A_81, %parallel_loop3A_82 : i32
      %parallel_loop3A_84 = arith.constant 16 : i32
      %parallel_loop3A_85 = arith.muli %parallel_loop3A_83, %parallel_loop3A_84 : i32
      %parallel_loop3A_86 = arith.index_cast %parallel_loop3A_85 : i32 to index
      %parallel_loop3A_87 = tpu.vector_load %arg6[%parallel_loop3A_86] {strides = array<i32>} : memref<2048xf32, #tpu.memory_space<vmem>>, vector<16xf32>,
      tpu.vector_store %arg6[%parallel_loop3A_86], %parallel_loop3A_79 {strides = array<i32>} : memref<2048xf32, #tpu.memory_space<vmem>>, vector<16xf32>,
      %parallel_loop3A_88 = arith.constant 16 : i32
      %parallel_loop3A_89 = arith.muli %parallel_loop3A_73, %parallel_loop3A_88 : i32
      %parallel_loop3A_90 = arith.constant 1 : i32
      %parallel_loop3A_91 = arith.addi %parallel_loop3A_89, %parallel_loop3A_90 : i32
      %parallel_loop3A_92 = vector.broadcast %parallel_loop3A_91 : i32 to vector<16xi32>
      %parallel_loop3A_93 = tpu.vector_load_idx %arg7[%parallel_loop3A_92] : memref<128xf32, #tpu.memory_space<vmem>>[vector<16xi32>], vector<16xf32>,
      %parallel_loop3A_94 = arith.constant 16 : i32
      %parallel_loop3A_95 = arith.muli %parallel_loop3A_73, %parallel_loop3A_94 : i32
      %parallel_loop3A_96 = arith.constant 1 : i32
      %parallel_loop3A_97 = arith.addi %parallel_loop3A_95, %parallel_loop3A_96 : i32
      %parallel_loop3A_98 = arith.constant 16 : i32
      %parallel_loop3A_99 = arith.muli %parallel_loop3A_97, %parallel_loop3A_98 : i32
      %parallel_loop3A_100 = arith.index_cast %parallel_loop3A_99 : i32 to index
      %parallel_loop3A_101 = tpu.vector_load %arg6[%parallel_loop3A_100] {strides = array<i32>} : memref<2048xf32, #tpu.memory_space<vmem>>, vector<16xf32>,
      tpu.vector_store %arg6[%parallel_loop3A_100], %parallel_loop3A_93 {strides = array<i32>} : memref<2048xf32, #tpu.memory_space<vmem>>, vector<16xf32>,
      %parallel_loop3A_102 = arith.constant 16 : i32
      %parallel_loop3A_103 = arith.muli %parallel_loop3A_73, %parallel_loop3A_102 : i32
      %parallel_loop3A_104 = arith.constant 2 : i32
      %parallel_loop3A_105 = arith.addi %parallel_loop3A_103, %parallel_loop3A_104 : i32
      %parallel_loop3A_106 = vector.broadcast %parallel_loop3A_105 : i32 to vector<16xi32>
      %parallel_loop3A_107 = tpu.vector_load_idx %arg7[%parallel_loop3A_106] : memref<128xf32, #tpu.memory_space<vmem>>[vector<16xi32>], vector<16xf32>,
      %parallel_loop3A_108 = arith.constant 16 : i32
      %parallel_loop3A_109 = arith.muli %parallel_loop3A_73, %parallel_loop3A_108 : i32
      %parallel_loop3A_110 = arith.constant 2 : i32
      %parallel_loop3A_111 = arith.addi %parallel_loop3A_109, %parallel_loop3A_110 : i32
      %parallel_loop3A_112 = arith.constant 16 : i32
      %parallel_loop3A_113 = arith.muli %parallel_loop3A_111, %parallel_loop3A_112 : i32
      %parallel_loop3A_114 = arith.index_cast %parallel_loop3A_113 : i32 to index
      %parallel_loop3A_115 = tpu.vector_load %arg6[%parallel_loop3A_114] {strides = array<i32>} : memref<2048xf32, #tpu.memory_space<vmem>>, vector<16xf32>,
      tpu.vector_store %arg6[%parallel_loop3A_114], %parallel_loop3A_107 {strides = array<i32>} : memref<2048xf32, #tpu.memory_space<vmem>>, vector<16xf32>,
      %parallel_loop3A_116 = arith.constant 16 : i32
      %parallel_loop3A_117 = arith.muli %parallel_loop3A_73, %parallel_loop3A_116 : i32
      %parallel_loop3A_118 = arith.constant 3 : i32
      %parallel_loop3A_119 = arith.addi %parallel_loop3A_117, %parallel_loop3A_118 : i32
      %parallel_loop3A_120 = vector.broadcast %parallel_loop3A_119 : i32 to vector<16xi32>
      %parallel_loop3A_121 = tpu.vector_load_idx %arg7[%parallel_loop3A_120] : memref<128xf32, #tpu.memory_space<vmem>>[vector<16xi32>], vector<16xf32>,
      %parallel_loop3A_122 = arith.constant 16 : i32
      %parallel_loop3A_123 = arith.muli %parallel_loop3A_73, %parallel_loop3A_122 : i32
      %parallel_loop3A_124 = arith.constant 3 : i32
      %parallel_loop3A_125 = arith.addi %parallel_loop3A_123, %parallel_loop3A_124 : i32
      %parallel_loop3A_126 = arith.constant 16 : i32
      %parallel_loop3A_127 = arith.muli %parallel_loop3A_125, %parallel_loop3A_126 : i32
      %parallel_loop3A_128 = arith.index_cast %parallel_loop3A_127 : i32 to index
      %parallel_loop3A_129 = tpu.vector_load %arg6[%parallel_loop3A_128] {strides = array<i32>} : memref<2048xf32, #tpu.memory_space<vmem>>, vector<16xf32>,
      tpu.vector_store %arg6[%parallel_loop3A_128], %parallel_loop3A_121 {strides = array<i32>} : memref<2048xf32, #tpu.memory_space<vmem>>, vector<16xf32>,
      %parallel_loop3A_130 = arith.constant 16 : i32
      %parallel_loop3A_131 = arith.muli %parallel_loop3A_73, %parallel_loop3A_130 : i32
      %parallel_loop3A_132 = arith.constant 4 : i32
      %parallel_loop3A_133 = arith.addi %parallel_loop3A_131, %parallel_loop3A_132 : i32
      %parallel_loop3A_134 = vector.broadcast %parallel_loop3A_133 : i32 to vector<16xi32>
      %parallel_loop3A_135 = tpu.vector_load_idx %arg7[%parallel_loop3A_134] : memref<128xf32, #tpu.memory_space<vmem>>[vector<16xi32>], vector<16xf32>,
      %parallel_loop3A_136 = arith.constant 16 : i32
      %parallel_loop3A_137 = arith.muli %parallel_loop3A_73, %parallel_loop3A_136 : i32
      %parallel_loop3A_138 = arith.constant 4 : i32
      %parallel_loop3A_139 = arith.addi %parallel_loop3A_137, %parallel_loop3A_138 : i32
      %parallel_loop3A_140 = arith.constant 16 : i32
      %parallel_loop3A_141 = arith.muli %parallel_loop3A_139, %parallel_loop3A_140 : i32
      %parallel_loop3A_142 = arith.index_cast %parallel_loop3A_141 : i32 to index
      %parallel_loop3A_143 = tpu.vector_load %arg6[%parallel_loop3A_142] {strides = array<i32>} : memref<2048xf32, #tpu.memory_space<vmem>>, vector<16xf32>,
      tpu.vector_store %arg6[%parallel_loop3A_142], %parallel_loop3A_135 {strides = array<i32>} : memref<2048xf32, #tpu.memory_space<vmem>>, vector<16xf32>,
      %parallel_loop3A_144 = arith.constant 16 : i32
      %parallel_loop3A_145 = arith.muli %parallel_loop3A_73, %parallel_loop3A_144 : i32
      %parallel_loop3A_146 = arith.constant 5 : i32
      %parallel_loop3A_147 = arith.addi %parallel_loop3A_145, %parallel_loop3A_146 : i32
      %parallel_loop3A_148 = vector.broadcast %parallel_loop3A_147 : i32 to vector<16xi32>
      %parallel_loop3A_149 = tpu.vector_load_idx %arg7[%parallel_loop3A_148] : memref<128xf32, #tpu.memory_space<vmem>>[vector<16xi32>], vector<16xf32>,
      %parallel_loop3A_150 = arith.constant 16 : i32
      %parallel_loop3A_151 = arith.muli %parallel_loop3A_73, %parallel_loop3A_150 : i32
      %parallel_loop3A_152 = arith.constant 5 : i32
      %parallel_loop3A_153 = arith.addi %parallel_loop3A_151, %parallel_loop3A_152 : i32
      %parallel_loop3A_154 = arith.constant 16 : i32
      %parallel_loop3A_155 = arith.muli %parallel_loop3A_153, %parallel_loop3A_154 : i32
      %parallel_loop3A_156 = arith.index_cast %parallel_loop3A_155 : i32 to index
      %parallel_loop3A_157 = tpu.vector_load %arg6[%parallel_loop3A_156] {strides = array<i32>} : memref<2048xf32, #tpu.memory_space<vmem>>, vector<16xf32>,
      tpu.vector_store %arg6[%parallel_loop3A_156], %parallel_loop3A_149 {strides = array<i32>} : memref<2048xf32, #tpu.memory_space<vmem>>, vector<16xf32>,
      %parallel_loop3A_158 = arith.constant 16 : i32
      %parallel_loop3A_159 = arith.muli %parallel_loop3A_73, %parallel_loop3A_158 : i32
      %parallel_loop3A_160 = arith.constant 6 : i32
      %parallel_loop3A_161 = arith.addi %parallel_loop3A_159, %parallel_loop3A_160 : i32
      %parallel_loop3A_162 = vector.broadcast %parallel_loop3A_161 : i32 to vector<16xi32>
      %parallel_loop3A_163 = tpu.vector_load_idx %arg7[%parallel_loop3A_162] : memref<128xf32, #tpu.memory_space<vmem>>[vector<16xi32>], vector<16xf32>,
      %parallel_loop3A_164 = arith.constant 16 : i32
      %parallel_loop3A_165 = arith.muli %parallel_loop3A_73, %parallel_loop3A_164 : i32
      %parallel_loop3A_166 = arith.constant 6 : i32
      %parallel_loop3A_167 = arith.addi %parallel_loop3A_165, %parallel_loop3A_166 : i32
      %parallel_loop3A_168 = arith.constant 16 : i32
      %parallel_loop3A_169 = arith.muli %parallel_loop3A_167, %parallel_loop3A_168 : i32
      %parallel_loop3A_170 = arith.index_cast %parallel_loop3A_169 : i32 to index
      %parallel_loop3A_171 = tpu.vector_load %arg6[%parallel_loop3A_170] {strides = array<i32>} : memref<2048xf32, #tpu.memory_space<vmem>>, vector<16xf32>,
      tpu.vector_store %arg6[%parallel_loop3A_170], %parallel_loop3A_163 {strides = array<i32>} : memref<2048xf32, #tpu.memory_space<vmem>>, vector<16xf32>,
      %parallel_loop3A_172 = arith.constant 16 : i32
      %parallel_loop3A_173 = arith.muli %parallel_loop3A_73, %parallel_loop3A_172 : i32
      %parallel_loop3A_174 = arith.constant 7 : i32
      %parallel_loop3A_175 = arith.addi %parallel_loop3A_173, %parallel_loop3A_174 : i32
      %parallel_loop3A_176 = vector.broadcast %parallel_loop3A_175 : i32 to vector<16xi32>
      %parallel_loop3A_177 = tpu.vector_load_idx %arg7[%parallel_loop3A_176] : memref<128xf32, #tpu.memory_space<vmem>>[vector<16xi32>], vector<16xf32>,
      %parallel_loop3A_178 = arith.constant 16 : i32
      %parallel_loop3A_179 = arith.muli %parallel_loop3A_73, %parallel_loop3A_178 : i32
      %parallel_loop3A_180 = arith.constant 7 : i32
      %parallel_loop3A_181 = arith.addi %parallel_loop3A_179, %parallel_loop3A_180 : i32
      %parallel_loop3A_182 = arith.constant 16 : i32
      %parallel_loop3A_183 = arith.muli %parallel_loop3A_181, %parallel_loop3A_182 : i32
      %parallel_loop3A_184 = arith.index_cast %parallel_loop3A_183 : i32 to index
      %parallel_loop3A_185 = tpu.vector_load %arg6[%parallel_loop3A_184] {strides = array<i32>} : memref<2048xf32, #tpu.memory_space<vmem>>, vector<16xf32>,
      tpu.vector_store %arg6[%parallel_loop3A_184], %parallel_loop3A_177 {strides = array<i32>} : memref<2048xf32, #tpu.memory_space<vmem>>, vector<16xf32>,
      %parallel_loop3A_186 = arith.constant 16 : i32
      %parallel_loop3A_187 = arith.muli %parallel_loop3A_73, %parallel_loop3A_186 : i32
      %parallel_loop3A_188 = arith.constant 8 : i32
      %parallel_loop3A_189 = arith.addi %parallel_loop3A_187, %parallel_loop3A_188 : i32
      %parallel_loop3A_190 = vector.broadcast %parallel_loop3A_189 : i32 to vector<16xi32>
      %parallel_loop3A_191 = tpu.vector_load_idx %arg7[%parallel_loop3A_190] : memref<128xf32, #tpu.memory_space<vmem>>[vector<16xi32>], vector<16xf32>,
      %parallel_loop3A_192 = arith.constant 16 : i32
      %parallel_loop3A_193 = arith.muli %parallel_loop3A_73, %parallel_loop3A_192 : i32
      %parallel_loop3A_194 = arith.constant 8 : i32
      %parallel_loop3A_195 = arith.addi %parallel_loop3A_193, %parallel_loop3A_194 : i32
      %parallel_loop3A_196 = arith.constant 16 : i32
      %parallel_loop3A_197 = arith.muli %parallel_loop3A_195, %parallel_loop3A_196 : i32
      %parallel_loop3A_198 = arith.index_cast %parallel_loop3A_197 : i32 to index
      %parallel_loop3A_199 = tpu.vector_load %arg6[%parallel_loop3A_198] {strides = array<i32>} : memref<2048xf32, #tpu.memory_space<vmem>>, vector<16xf32>,
      tpu.vector_store %arg6[%parallel_loop3A_198], %parallel_loop3A_191 {strides = array<i32>} : memref<2048xf32, #tpu.memory_space<vmem>>, vector<16xf32>,
      %parallel_loop3A_200 = arith.constant 16 : i32
      %parallel_loop3A_201 = arith.muli %parallel_loop3A_73, %parallel_loop3A_200 : i32
      %parallel_loop3A_202 = arith.constant 9 : i32
      %parallel_loop3A_203 = arith.addi %parallel_loop3A_201, %parallel_loop3A_202 : i32
      %parallel_loop3A_204 = vector.broadcast %parallel_loop3A_203 : i32 to vector<16xi32>
      %parallel_loop3A_205 = tpu.vector_load_idx %arg7[%parallel_loop3A_204] : memref<128xf32, #tpu.memory_space<vmem>>[vector<16xi32>], vector<16xf32>,
      %parallel_loop3A_206 = arith.constant 16 : i32
      %parallel_loop3A_207 = arith.muli %parallel_loop3A_73, %parallel_loop3A_206 : i32
      %parallel_loop3A_208 = arith.constant 9 : i32
      %parallel_loop3A_209 = arith.addi %parallel_loop3A_207, %parallel_loop3A_208 : i32
      %parallel_loop3A_210 = arith.constant 16 : i32
      %parallel_loop3A_211 = arith.muli %parallel_loop3A_209, %parallel_loop3A_210 : i32
      %parallel_loop3A_212 = arith.index_cast %parallel_loop3A_211 : i32 to index
      %parallel_loop3A_213 = tpu.vector_load %arg6[%parallel_loop3A_212] {strides = array<i32>} : memref<2048xf32, #tpu.memory_space<vmem>>, vector<16xf32>,
      tpu.vector_store %arg6[%parallel_loop3A_212], %parallel_loop3A_205 {strides = array<i32>} : memref<2048xf32, #tpu.memory_space<vmem>>, vector<16xf32>,
      %parallel_loop3A_214 = arith.constant 16 : i32
      %parallel_loop3A_215 = arith.muli %parallel_loop3A_73, %parallel_loop3A_214 : i32
      %parallel_loop3A_216 = arith.constant 10 : i32
      %parallel_loop3A_217 = arith.addi %parallel_loop3A_215, %parallel_loop3A_216 : i32
      %parallel_loop3A_218 = vector.broadcast %parallel_loop3A_217 : i32 to vector<16xi32>
      %parallel_loop3A_219 = tpu.vector_load_idx %arg7[%parallel_loop3A_218] : memref<128xf32, #tpu.memory_space<vmem>>[vector<16xi32>], vector<16xf32>,
      %parallel_loop3A_220 = arith.constant 16 : i32
      %parallel_loop3A_221 = arith.muli %parallel_loop3A_73, %parallel_loop3A_220 : i32
      %parallel_loop3A_222 = arith.constant 10 : i32
      %parallel_loop3A_223 = arith.addi %parallel_loop3A_221, %parallel_loop3A_222 : i32
      %parallel_loop3A_224 = arith.constant 16 : i32
      %parallel_loop3A_225 = arith.muli %parallel_loop3A_223, %parallel_loop3A_224 : i32
      %parallel_loop3A_226 = arith.index_cast %parallel_loop3A_225 : i32 to index
      %parallel_loop3A_227 = tpu.vector_load %arg6[%parallel_loop3A_226] {strides = array<i32>} : memref<2048xf32, #tpu.memory_space<vmem>>, vector<16xf32>,
      tpu.vector_store %arg6[%parallel_loop3A_226], %parallel_loop3A_219 {strides = array<i32>} : memref<2048xf32, #tpu.memory_space<vmem>>, vector<16xf32>,
      %parallel_loop3A_228 = arith.constant 16 : i32
      %parallel_loop3A_229 = arith.muli %parallel_loop3A_73, %parallel_loop3A_228 : i32
      %parallel_loop3A_230 = arith.constant 11 : i32
      %parallel_loop3A_231 = arith.addi %parallel_loop3A_229, %parallel_loop3A_230 : i32
      %parallel_loop3A_232 = vector.broadcast %parallel_loop3A_231 : i32 to vector<16xi32>
      %parallel_loop3A_233 = tpu.vector_load_idx %arg7[%parallel_loop3A_232] : memref<128xf32, #tpu.memory_space<vmem>>[vector<16xi32>], vector<16xf32>,
      %parallel_loop3A_234 = arith.constant 16 : i32
      %parallel_loop3A_235 = arith.muli %parallel_loop3A_73, %parallel_loop3A_234 : i32
      %parallel_loop3A_236 = arith.constant 11 : i32
      %parallel_loop3A_237 = arith.addi %parallel_loop3A_235, %parallel_loop3A_236 : i32
      %parallel_loop3A_238 = arith.constant 16 : i32
      %parallel_loop3A_239 = arith.muli %parallel_loop3A_237, %parallel_loop3A_238 : i32
      %parallel_loop3A_240 = arith.index_cast %parallel_loop3A_239 : i32 to index
      %parallel_loop3A_241 = tpu.vector_load %arg6[%parallel_loop3A_240] {strides = array<i32>} : memref<2048xf32, #tpu.memory_space<vmem>>, vector<16xf32>,
      tpu.vector_store %arg6[%parallel_loop3A_240], %parallel_loop3A_233 {strides = array<i32>} : memref<2048xf32, #tpu.memory_space<vmem>>, vector<16xf32>,
      %parallel_loop3A_242 = arith.constant 16 : i32
      %parallel_loop3A_243 = arith.muli %parallel_loop3A_73, %parallel_loop3A_242 : i32
      %parallel_loop3A_244 = arith.constant 12 : i32
      %parallel_loop3A_245 = arith.addi %parallel_loop3A_243, %parallel_loop3A_244 : i32
      %parallel_loop3A_246 = vector.broadcast %parallel_loop3A_245 : i32 to vector<16xi32>
      %parallel_loop3A_247 = tpu.vector_load_idx %arg7[%parallel_loop3A_246] : memref<128xf32, #tpu.memory_space<vmem>>[vector<16xi32>], vector<16xf32>,
      %parallel_loop3A_248 = arith.constant 16 : i32
      %parallel_loop3A_249 = arith.muli %parallel_loop3A_73, %parallel_loop3A_248 : i32
      %parallel_loop3A_250 = arith.constant 12 : i32
      %parallel_loop3A_251 = arith.addi %parallel_loop3A_249, %parallel_loop3A_250 : i32
      %parallel_loop3A_252 = arith.constant 16 : i32
      %parallel_loop3A_253 = arith.muli %parallel_loop3A_251, %parallel_loop3A_252 : i32
      %parallel_loop3A_254 = arith.index_cast %parallel_loop3A_253 : i32 to index
      %parallel_loop3A_255 = tpu.vector_load %arg6[%parallel_loop3A_254] {strides = array<i32>} : memref<2048xf32, #tpu.memory_space<vmem>>, vector<16xf32>,
      tpu.vector_store %arg6[%parallel_loop3A_254], %parallel_loop3A_247 {strides = array<i32>} : memref<2048xf32, #tpu.memory_space<vmem>>, vector<16xf32>,
      %parallel_loop3A_256 = arith.constant 16 : i32
      %parallel_loop3A_257 = arith.muli %parallel_loop3A_73, %parallel_loop3A_256 : i32
      %parallel_loop3A_258 = arith.constant 13 : i32
      %parallel_loop3A_259 = arith.addi %parallel_loop3A_257, %parallel_loop3A_258 : i32
      %parallel_loop3A_260 = vector.broadcast %parallel_loop3A_259 : i32 to vector<16xi32>
      %parallel_loop3A_261 = tpu.vector_load_idx %arg7[%parallel_loop3A_260] : memref<128xf32, #tpu.memory_space<vmem>>[vector<16xi32>], vector<16xf32>,
      %parallel_loop3A_262 = arith.constant 16 : i32
      %parallel_loop3A_263 = arith.muli %parallel_loop3A_73, %parallel_loop3A_262 : i32
      %parallel_loop3A_264 = arith.constant 13 : i32
      %parallel_loop3A_265 = arith.addi %parallel_loop3A_263, %parallel_loop3A_264 : i32
      %parallel_loop3A_266 = arith.constant 16 : i32
      %parallel_loop3A_267 = arith.muli %parallel_loop3A_265, %parallel_loop3A_266 : i32
      %parallel_loop3A_268 = arith.index_cast %parallel_loop3A_267 : i32 to index
      %parallel_loop3A_269 = tpu.vector_load %arg6[%parallel_loop3A_268] {strides = array<i32>} : memref<2048xf32, #tpu.memory_space<vmem>>, vector<16xf32>,
      tpu.vector_store %arg6[%parallel_loop3A_268], %parallel_loop3A_261 {strides = array<i32>} : memref<2048xf32, #tpu.memory_space<vmem>>, vector<16xf32>,
      %parallel_loop3A_270 = arith.constant 16 : i32
      %parallel_loop3A_271 = arith.muli %parallel_loop3A_73, %parallel_loop3A_270 : i32
      %parallel_loop3A_272 = arith.constant 14 : i32
      %parallel_loop3A_273 = arith.addi %parallel_loop3A_271, %parallel_loop3A_272 : i32
      %parallel_loop3A_274 = vector.broadcast %parallel_loop3A_273 : i32 to vector<16xi32>
      %parallel_loop3A_275 = tpu.vector_load_idx %arg7[%parallel_loop3A_274] : memref<128xf32, #tpu.memory_space<vmem>>[vector<16xi32>], vector<16xf32>,
      %parallel_loop3A_276 = arith.constant 16 : i32
      %parallel_loop3A_277 = arith.muli %parallel_loop3A_73, %parallel_loop3A_276 : i32
      %parallel_loop3A_278 = arith.constant 14 : i32
      %parallel_loop3A_279 = arith.addi %parallel_loop3A_277, %parallel_loop3A_278 : i32
      %parallel_loop3A_280 = arith.constant 16 : i32
      %parallel_loop3A_281 = arith.muli %parallel_loop3A_279, %parallel_loop3A_280 : i32
      %parallel_loop3A_282 = arith.index_cast %parallel_loop3A_281 : i32 to index
      %parallel_loop3A_283 = tpu.vector_load %arg6[%parallel_loop3A_282] {strides = array<i32>} : memref<2048xf32, #tpu.memory_space<vmem>>, vector<16xf32>,
      tpu.vector_store %arg6[%parallel_loop3A_282], %parallel_loop3A_275 {strides = array<i32>} : memref<2048xf32, #tpu.memory_space<vmem>>, vector<16xf32>,
      %parallel_loop3A_284 = arith.constant 16 : i32
      %parallel_loop3A_285 = arith.muli %parallel_loop3A_73, %parallel_loop3A_284 : i32
      %parallel_loop3A_286 = arith.constant 15 : i32
      %parallel_loop3A_287 = arith.addi %parallel_loop3A_285, %parallel_loop3A_286 : i32
      %parallel_loop3A_288 = vector.broadcast %parallel_loop3A_287 : i32 to vector<16xi32>
      %parallel_loop3A_289 = tpu.vector_load_idx %arg7[%parallel_loop3A_288] : memref<128xf32, #tpu.memory_space<vmem>>[vector<16xi32>], vector<16xf32>,
      %parallel_loop3A_290 = arith.constant 16 : i32
      %parallel_loop3A_291 = arith.muli %parallel_loop3A_73, %parallel_loop3A_290 : i32
      %parallel_loop3A_292 = arith.constant 15 : i32
      %parallel_loop3A_293 = arith.addi %parallel_loop3A_291, %parallel_loop3A_292 : i32
      %parallel_loop3A_294 = arith.constant 16 : i32
      %parallel_loop3A_295 = arith.muli %parallel_loop3A_293, %parallel_loop3A_294 : i32
      %parallel_loop3A_296 = arith.index_cast %parallel_loop3A_295 : i32 to index
      %parallel_loop3A_297 = tpu.vector_load %arg6[%parallel_loop3A_296] {strides = array<i32>} : memref<2048xf32, #tpu.memory_space<vmem>>, vector<16xf32>,
      tpu.vector_store %arg6[%parallel_loop3A_296], %parallel_loop3A_289 {strides = array<i32>} : memref<2048xf32, #tpu.memory_space<vmem>>, vector<16xf32>,
    } {sc.loop_unroll_factor = 1 : i64, sc.parallel_access}
    %scan3A = arith.constant 0.000000e+00 : f32
    %scan3A_34 = arith.constant 0 : i32
    %scan3A_35 = arith.constant 12 : i32
    %scan3A_36 = arith.addi %scan3A_34, %scan3A_35 : i32
    %scan3A_37 = arith.constant 1 : i32
    %scan3A_38 = scf.for %scan3A_73 = %scan3A_34 to %scan3A_36 step %scan3A_37 iter_args(%scan3A_74 = %scan3A) -> (f32)  : i32 {
      %mul3A_75 = arith.constant 2 : i32
      %mul3A_76 = arith.muli %mul3A_75, %scan3A_73 : i32
      %add3A_77 = arith.constant 1 : i32
      %add3A_78 = arith.addi %mul3A_76, %add3A_77 : i32
      %mul3A_79 = arith.constant 4000 : i32
      %mul3A_80 = arith.muli %add3A_78, %mul3A_79 : i32
      %add3A_81 = arith.addi %mul3A_2, %mul3A_80 : i32
      %multiple_of3A_82 = tpu.assume_multiple %add3A_81, 8 : i32
      %sub3A_83 = arith.constant 16 : i32
      %sub3A_84 = arith.subi %multiple_of3A_82, %sub3A_83 : i32
      %max3A_85 = arith.constant 0 : i32
      %max3A_86 = arith.maxsi %sub3A_84, %max3A_85 : i32
      %multiple_of3A_87 = tpu.assume_multiple %max3A_86, 8 : i32
      %dma_start3A_88 = tpu.memref_slice %arg3[%multiple_of3A_82] : memref<3200000xi32, #tpu.memory_space<hbm>> -> memref<4000xi32, #tpu.memory_space<hbm>>
      %dma_start3A_89 = tpu.memref_slice %arg3[%multiple_of3A_82] : memref<3200000xi32, #tpu.memory_space<hbm>> -> memref<4000xi32, #tpu.memory_space<hbm>>
      tpu.enqueue_dma source(%dma_start3A_89 : memref<4000xi32, #tpu.memory_space<hbm>>) target(%arg10 : memref<4000xi32, #tpu.memory_space<vmem>>) target_semaphore(%arg15 : memref<!tpu.dma_semaphore, #tpu.memory_space<semaphore_mem>>)
      %dma_start3A_90 = arith.constant 0 : i32
      %dma_start3A_91 = tpu.memref_slice %arg11[%dma_start3A_90] : memref<4016xi32, #tpu.memory_space<vmem>> -> memref<16xi32, #tpu.memory_space<vmem>>
      %dma_start3A_92 = tpu.memref_slice %arg4[%multiple_of3A_87] : memref<3200000xi32, #tpu.memory_space<hbm>> -> memref<16xi32, #tpu.memory_space<hbm>>
      %dma_start3A_93 = arith.constant 0 : i32
      %dma_start3A_94 = tpu.memref_slice %arg11[%dma_start3A_93] : memref<4016xi32, #tpu.memory_space<vmem>> -> memref<16xi32, #tpu.memory_space<vmem>>
      %dma_start3A_95 = tpu.memref_slice %arg4[%multiple_of3A_87] : memref<3200000xi32, #tpu.memory_space<hbm>> -> memref<16xi32, #tpu.memory_space<hbm>>
      tpu.enqueue_dma source(%dma_start3A_95 : memref<16xi32, #tpu.memory_space<hbm>>) target(%dma_start3A_94 : memref<16xi32, #tpu.memory_space<vmem>>) target_semaphore(%arg15 : memref<!tpu.dma_semaphore, #tpu.memory_space<semaphore_mem>>)
      %dma_start3A_96 = arith.constant 16 : i32
      %dma_start3A_97 = tpu.memref_slice %arg11[%dma_start3A_96] : memref<4016xi32, #tpu.memory_space<vmem>> -> memref<4000xi32, #tpu.memory_space<vmem>>
      %dma_start3A_98 = tpu.memref_slice %arg4[%multiple_of3A_82] : memref<3200000xi32, #tpu.memory_space<hbm>> -> memref<4000xi32, #tpu.memory_space<hbm>>
      %dma_start3A_99 = arith.constant 16 : i32
      %dma_start3A_100 = tpu.memref_slice %arg11[%dma_start3A_99] : memref<4016xi32, #tpu.memory_space<vmem>> -> memref<4000xi32, #tpu.memory_space<vmem>>
      %dma_start3A_101 = tpu.memref_slice %arg4[%multiple_of3A_82] : memref<3200000xi32, #tpu.memory_space<hbm>> -> memref<4000xi32, #tpu.memory_space<hbm>>
      tpu.enqueue_dma source(%dma_start3A_101 : memref<4000xi32, #tpu.memory_space<hbm>>) target(%dma_start3A_100 : memref<4000xi32, #tpu.memory_space<vmem>>) target_semaphore(%arg15 : memref<!tpu.dma_semaphore, #tpu.memory_space<semaphore_mem>>)
      %dma_wait3A_102 = arith.constant 0 : i32
      %dma_wait3A_103 = tpu.memref_slice %arg3[%dma_wait3A_102] : memref<3200000xi32, #tpu.memory_space<hbm>> -> memref<4000xi32, #tpu.memory_space<hbm>>
      %dma_wait3A_104 = arith.constant 0 : i32
      %dma_wait3A_105 = tpu.memref_slice %arg3[%dma_wait3A_104] : memref<3200000xi32, #tpu.memory_space<hbm>> -> memref<4000xi32, #tpu.memory_space<hbm>>
      tpu.wait_dma2 semaphore(%arg14 : memref<!tpu.dma_semaphore, #tpu.memory_space<semaphore_mem>>) src(%dma_wait3A_105 : memref<4000xi32, #tpu.memory_space<hbm>>) dst(%arg8 : memref<4000xi32, #tpu.memory_space<vmem>>)
      %dma_wait3A_106 = arith.constant 0 : i32
      %dma_wait3A_107 = tpu.memref_slice %arg9[%dma_wait3A_106] : memref<4016xi32, #tpu.memory_space<vmem>> -> memref<16xi32, #tpu.memory_space<vmem>>
      %dma_wait3A_108 = arith.constant 0 : i32
      %dma_wait3A_109 = tpu.memref_slice %arg4[%dma_wait3A_108] : memref<3200000xi32, #tpu.memory_space<hbm>> -> memref<16xi32, #tpu.memory_space<hbm>>
      %dma_wait3A_110 = arith.constant 0 : i32
      %dma_wait3A_111 = tpu.memref_slice %arg9[%dma_wait3A_110] : memref<4016xi32, #tpu.memory_space<vmem>> -> memref<16xi32, #tpu.memory_space<vmem>>
      %dma_wait3A_112 = arith.constant 0 : i32
      %dma_wait3A_113 = tpu.memref_slice %arg4[%dma_wait3A_112] : memref<3200000xi32, #tpu.memory_space<hbm>> -> memref<16xi32, #tpu.memory_space<hbm>>
      tpu.wait_dma2 semaphore(%arg14 : memref<!tpu.dma_semaphore, #tpu.memory_space<semaphore_mem>>) src(%dma_wait3A_113 : memref<16xi32, #tpu.memory_space<hbm>>) dst(%dma_wait3A_111 : memref<16xi32, #tpu.memory_space<vmem>>)
      %dma_wait3A_114 = arith.constant 16 : i32
      %dma_wait3A_115 = tpu.memref_slice %arg9[%dma_wait3A_114] : memref<4016xi32, #tpu.memory_space<vmem>> -> memref<4000xi32, #tpu.memory_space<vmem>>
      %dma_wait3A_116 = arith.constant 0 : i32
      %dma_wait3A_117 = tpu.memref_slice %arg4[%dma_wait3A_116] : memref<3200000xi32, #tpu.memory_space<hbm>> -> memref<4000xi32, #tpu.memory_space<hbm>>
      %dma_wait3A_118 = arith.constant 16 : i32
      %dma_wait3A_119 = tpu.memref_slice %arg9[%dma_wait3A_118] : memref<4016xi32, #tpu.memory_space<vmem>> -> memref<4000xi32, #tpu.memory_space<vmem>>
      %dma_wait3A_120 = arith.constant 0 : i32
      %dma_wait3A_121 = tpu.memref_slice %arg4[%dma_wait3A_120] : memref<3200000xi32, #tpu.memory_space<hbm>> -> memref<4000xi32, #tpu.memory_space<hbm>>
      tpu.wait_dma2 semaphore(%arg14 : memref<!tpu.dma_semaphore, #tpu.memory_space<semaphore_mem>>) src(%dma_wait3A_121 : memref<4000xi32, #tpu.memory_space<hbm>>) dst(%dma_wait3A_119 : memref<4000xi32, #tpu.memory_space<vmem>>)
      %eq3A_122 = arith.constant 0 : i32
      %eq3A_123 = arith.cmpi eq, %scan3A_73, %eq3A_122 : i32
      %eq3A_124 = arith.constant 0 : i32
      %eq3A_125 = arith.cmpi eq, %add3A, %eq3A_124 : i32
      %and3A = arith.andi %eq3A_123, %eq3A_125 : i1
      %convert_element_type3A = arith.extui %and3A : i1 to i32
      %cond3A = arith.constant 0 : i32
      %cond3A_126 = arith.cmpi ne, %convert_element_type3A, %cond3A : i32
      scf.if %cond3A_126 {
        %get3A_182 = arith.constant 16 : index
        %get3A_183 = tpu.vector_load %arg9[%get3A_182] {strides = array<i32>} : memref<4016xi32, #tpu.memory_space<vmem>>, vector<16xi32>,
        %slice3A_184 = vector.extract_strided_slice %get3A_183 {offsets = [0], sizes = [1], strides = [1]} : vector<16xi32> to vector<1xi32>
        %squeeze3A_185 = vector.extract %slice3A_184[0] : i32 from vector<1xi32>
        %broadcast_in_dim3A_186 = vector.broadcast %squeeze3A_185 : i32 to vector<16xi32>
        %swap3A = arith.constant 0 : index
        %swap3A_187 = tpu.vector_load %arg9[%swap3A] {strides = array<i32>} : memref<4016xi32, #tpu.memory_space<vmem>>, vector<16xi32>,
        tpu.vector_store %arg9[%swap3A], %broadcast_in_dim3A_186 {strides = array<i32>} : memref<4016xi32, #tpu.memory_space<vmem>>, vector<16xi32>,
      } else {
      }
      %parallel_loop3A_127 = arith.constant 0 : i32
      %parallel_loop3A_128 = arith.constant 50 : i32
      %parallel_loop3A_129 = arith.constant 1 : i32
      %parallel_loop3A_130 = scf.for %parallel_loop3A_182 = %parallel_loop3A_127 to %parallel_loop3A_128 step %parallel_loop3A_129 iter_args(%parallel_loop3A_183 = %scan3A_74) -> (f32)  : i32 {
        %parallel_loop3A_184 = arith.constant 80 : i32
        %parallel_loop3A_185 = arith.muli %parallel_loop3A_182, %parallel_loop3A_184 : i32
        %parallel_loop3A_186 = arith.constant 0 : i32
        %parallel_loop3A_187 = arith.addi %parallel_loop3A_185, %parallel_loop3A_186 : i32
        %parallel_loop3A_188 = arith.index_cast %parallel_loop3A_187 : i32 to index
        %parallel_loop3A_189 = tpu.vector_load %arg8[%parallel_loop3A_188] {strides = array<i32>} : memref<4000xi32, #tpu.memory_space<vmem>>, vector<16xi32>,
        %parallel_loop3A_190 = arith.constant 16 : i32
        %parallel_loop3A_191 = arith.addi %parallel_loop3A_190, %parallel_loop3A_187 : i32
        %parallel_loop3A_192 = arith.index_cast %parallel_loop3A_191 : i32 to index
        %parallel_loop3A_193 = tpu.vector_load %arg9[%parallel_loop3A_192] {strides = array<i32>} : memref<4016xi32, #tpu.memory_space<vmem>>, vector<16xi32>,
        %parallel_loop3A_194 = arith.constant 16 : i32
        %parallel_loop3A_195 = arith.addi %parallel_loop3A_194, %parallel_loop3A_187 : i32
        %parallel_loop3A_196 = arith.constant 1 : i32
        %parallel_loop3A_197 = arith.subi %parallel_loop3A_195, %parallel_loop3A_196 : i32
        %parallel_loop3A_198 = arith.index_cast %parallel_loop3A_197 : i32 to index
        %parallel_loop3A_199 = tpu.vector_load %arg9[%parallel_loop3A_198] {strides = array<i32>} : memref<4016xi32, #tpu.memory_space<vmem>>, vector<16xi32>,
        %parallel_loop3A_200 = arith.constant 16 : i32
        %parallel_loop3A_201 = vector.broadcast %parallel_loop3A_200 : i32 to vector<16xi32>
        %parallel_loop3A_202 = arith.muli %parallel_loop3A_189, %parallel_loop3A_201 : vector<16xi32>
        %parallel_loop3A_203 = arith.addi %parallel_loop3A_202, %iota3A : vector<16xi32>
        %parallel_loop3A_204 = tpu.vector_load_idx %arg6[%parallel_loop3A_203] : memref<2048xf32, #tpu.memory_space<vmem>>[vector<16xi32>], vector<16xf32>,
        %parallel_loop3A_205 = arith.constant true
        %parallel_loop3A_206 = vector.broadcast %parallel_loop3A_205 : i1 to vector<16xi1>
        %parallel_loop3A_207 = tpu.scan <sum>, %parallel_loop3A_204 masked %parallel_loop3A_206 : vector<16xf32>, vector<16xi1> -> vector<16xf32>
        %parallel_loop3A_208 = arith.constant 16 : i32
        %parallel_loop3A_209 = arith.addi %parallel_loop3A_185, %parallel_loop3A_208 : i32
        %parallel_loop3A_210 = arith.index_cast %parallel_loop3A_209 : i32 to index
        %parallel_loop3A_211 = tpu.vector_load %arg8[%parallel_loop3A_210] {strides = array<i32>} : memref<4000xi32, #tpu.memory_space<vmem>>, vector<16xi32>,
        %parallel_loop3A_212 = arith.constant 16 : i32
        %parallel_loop3A_213 = arith.addi %parallel_loop3A_212, %parallel_loop3A_209 : i32
        %parallel_loop3A_214 = arith.index_cast %parallel_loop3A_213 : i32 to index
        %parallel_loop3A_215 = tpu.vector_load %arg9[%parallel_loop3A_214] {strides = array<i32>} : memref<4016xi32, #tpu.memory_space<vmem>>, vector<16xi32>,
        %parallel_loop3A_216 = arith.constant 16 : i32
        %parallel_loop3A_217 = arith.addi %parallel_loop3A_216, %parallel_loop3A_209 : i32
        %parallel_loop3A_218 = arith.constant 1 : i32
        %parallel_loop3A_219 = arith.subi %parallel_loop3A_217, %parallel_loop3A_218 : i32
        %parallel_loop3A_220 = arith.index_cast %parallel_loop3A_219 : i32 to index
        %parallel_loop3A_221 = tpu.vector_load %arg9[%parallel_loop3A_220] {strides = array<i32>} : memref<4016xi32, #tpu.memory_space<vmem>>, vector<16xi32>,
        %parallel_loop3A_222 = arith.constant 16 : i32
        %parallel_loop3A_223 = vector.broadcast %parallel_loop3A_222 : i32 to vector<16xi32>
        %parallel_loop3A_224 = arith.muli %parallel_loop3A_211, %parallel_loop3A_223 : vector<16xi32>
        %parallel_loop3A_225 = arith.addi %parallel_loop3A_224, %iota3A : vector<16xi32>
        %parallel_loop3A_226 = tpu.vector_load_idx %arg6[%parallel_loop3A_225] : memref<2048xf32, #tpu.memory_space<vmem>>[vector<16xi32>], vector<16xf32>,
        %parallel_loop3A_227 = arith.constant true
        %parallel_loop3A_228 = vector.broadcast %parallel_loop3A_227 : i1 to vector<16xi1>
        %parallel_loop3A_229 = tpu.scan <sum>, %parallel_loop3A_226 masked %parallel_loop3A_228 : vector<16xf32>, vector<16xi1> -> vector<16xf32>
        %parallel_loop3A_230 = arith.constant 32 : i32
        %parallel_loop3A_231 = arith.addi %parallel_loop3A_185, %parallel_loop3A_230 : i32
        %parallel_loop3A_232 = arith.index_cast %parallel_loop3A_231 : i32 to index
        %parallel_loop3A_233 = tpu.vector_load %arg8[%parallel_loop3A_232] {strides = array<i32>} : memref<4000xi32, #tpu.memory_space<vmem>>, vector<16xi32>,
        %parallel_loop3A_234 = arith.constant 16 : i32
        %parallel_loop3A_235 = arith.addi %parallel_loop3A_234, %parallel_loop3A_231 : i32
        %parallel_loop3A_236 = arith.index_cast %parallel_loop3A_235 : i32 to index
        %parallel_loop3A_237 = tpu.vector_load %arg9[%parallel_loop3A_236] {strides = array<i32>} : memref<4016xi32, #tpu.memory_space<vmem>>, vector<16xi32>,
        %parallel_loop3A_238 = arith.constant 16 : i32
        %parallel_loop3A_239 = arith.addi %parallel_loop3A_238, %parallel_loop3A_231 : i32
        %parallel_loop3A_240 = arith.constant 1 : i32
        %parallel_loop3A_241 = arith.subi %parallel_loop3A_239, %parallel_loop3A_240 : i32
        %parallel_loop3A_242 = arith.index_cast %parallel_loop3A_241 : i32 to index
        %parallel_loop3A_243 = tpu.vector_load %arg9[%parallel_loop3A_242] {strides = array<i32>} : memref<4016xi32, #tpu.memory_space<vmem>>, vector<16xi32>,
        %parallel_loop3A_244 = arith.constant 16 : i32
        %parallel_loop3A_245 = vector.broadcast %parallel_loop3A_244 : i32 to vector<16xi32>
        %parallel_loop3A_246 = arith.muli %parallel_loop3A_233, %parallel_loop3A_245 : vector<16xi32>
        %parallel_loop3A_247 = arith.addi %parallel_loop3A_246, %iota3A : vector<16xi32>
        %parallel_loop3A_248 = tpu.vector_load_idx %arg6[%parallel_loop3A_247] : memref<2048xf32, #tpu.memory_space<vmem>>[vector<16xi32>], vector<16xf32>,
        %parallel_loop3A_249 = arith.constant true
        %parallel_loop3A_250 = vector.broadcast %parallel_loop3A_249 : i1 to vector<16xi1>
        %parallel_loop3A_251 = tpu.scan <sum>, %parallel_loop3A_248 masked %parallel_loop3A_250 : vector<16xf32>, vector<16xi1> -> vector<16xf32>
        %parallel_loop3A_252 = arith.constant 48 : i32
        %parallel_loop3A_253 = arith.addi %parallel_loop3A_185, %parallel_loop3A_252 : i32
        %parallel_loop3A_254 = arith.index_cast %parallel_loop3A_253 : i32 to index
        %parallel_loop3A_255 = tpu.vector_load %arg8[%parallel_loop3A_254] {strides = array<i32>} : memref<4000xi32, #tpu.memory_space<vmem>>, vector<16xi32>,
        %parallel_loop3A_256 = arith.constant 16 : i32
        %parallel_loop3A_257 = arith.addi %parallel_loop3A_256, %parallel_loop3A_253 : i32
        %parallel_loop3A_258 = arith.index_cast %parallel_loop3A_257 : i32 to index
        %parallel_loop3A_259 = tpu.vector_load %arg9[%parallel_loop3A_258] {strides = array<i32>} : memref<4016xi32, #tpu.memory_space<vmem>>, vector<16xi32>,
        %parallel_loop3A_260 = arith.constant 16 : i32
        %parallel_loop3A_261 = arith.addi %parallel_loop3A_260, %parallel_loop3A_253 : i32
        %parallel_loop3A_262 = arith.constant 1 : i32
        %parallel_loop3A_263 = arith.subi %parallel_loop3A_261, %parallel_loop3A_262 : i32
        %parallel_loop3A_264 = arith.index_cast %parallel_loop3A_263 : i32 to index
        %parallel_loop3A_265 = tpu.vector_load %arg9[%parallel_loop3A_264] {strides = array<i32>} : memref<4016xi32, #tpu.memory_space<vmem>>, vector<16xi32>,
        %parallel_loop3A_266 = arith.constant 16 : i32
        %parallel_loop3A_267 = vector.broadcast %parallel_loop3A_266 : i32 to vector<16xi32>
        %parallel_loop3A_268 = arith.muli %parallel_loop3A_255, %parallel_loop3A_267 : vector<16xi32>
        %parallel_loop3A_269 = arith.addi %parallel_loop3A_268, %iota3A : vector<16xi32>
        %parallel_loop3A_270 = tpu.vector_load_idx %arg6[%parallel_loop3A_269] : memref<2048xf32, #tpu.memory_space<vmem>>[vector<16xi32>], vector<16xf32>,
        %parallel_loop3A_271 = arith.constant true
        %parallel_loop3A_272 = vector.broadcast %parallel_loop3A_271 : i1 to vector<16xi1>
        %parallel_loop3A_273 = tpu.scan <sum>, %parallel_loop3A_270 masked %parallel_loop3A_272 : vector<16xf32>, vector<16xi1> -> vector<16xf32>
        %parallel_loop3A_274 = arith.constant 64 : i32
        %parallel_loop3A_275 = arith.addi %parallel_loop3A_185, %parallel_loop3A_274 : i32
        %parallel_loop3A_276 = arith.index_cast %parallel_loop3A_275 : i32 to index
        %parallel_loop3A_277 = tpu.vector_load %arg8[%parallel_loop3A_276] {strides = array<i32>} : memref<4000xi32, #tpu.memory_space<vmem>>, vector<16xi32>,
        %parallel_loop3A_278 = arith.constant 16 : i32
        %parallel_loop3A_279 = arith.addi %parallel_loop3A_278, %parallel_loop3A_275 : i32
        %parallel_loop3A_280 = arith.index_cast %parallel_loop3A_279 : i32 to index
        %parallel_loop3A_281 = tpu.vector_load %arg9[%parallel_loop3A_280] {strides = array<i32>} : memref<4016xi32, #tpu.memory_space<vmem>>, vector<16xi32>,
        %parallel_loop3A_282 = arith.constant 16 : i32
        %parallel_loop3A_283 = arith.addi %parallel_loop3A_282, %parallel_loop3A_275 : i32
        %parallel_loop3A_284 = arith.constant 1 : i32
        %parallel_loop3A_285 = arith.subi %parallel_loop3A_283, %parallel_loop3A_284 : i32
        %parallel_loop3A_286 = arith.index_cast %parallel_loop3A_285 : i32 to index
        %parallel_loop3A_287 = tpu.vector_load %arg9[%parallel_loop3A_286] {strides = array<i32>} : memref<4016xi32, #tpu.memory_space<vmem>>, vector<16xi32>,
        %parallel_loop3A_288 = arith.constant 16 : i32
        %parallel_loop3A_289 = vector.broadcast %parallel_loop3A_288 : i32 to vector<16xi32>
        %parallel_loop3A_290 = arith.muli %parallel_loop3A_277, %parallel_loop3A_289 : vector<16xi32>
        %parallel_loop3A_291 = arith.addi %parallel_loop3A_290, %iota3A : vector<16xi32>
        %parallel_loop3A_292 = tpu.vector_load_idx %arg6[%parallel_loop3A_291] : memref<2048xf32, #tpu.memory_space<vmem>>[vector<16xi32>], vector<16xf32>,
        %parallel_loop3A_293 = arith.constant true
        %parallel_loop3A_294 = vector.broadcast %parallel_loop3A_293 : i1 to vector<16xi1>
        %parallel_loop3A_295 = tpu.scan <sum>, %parallel_loop3A_292 masked %parallel_loop3A_294 : vector<16xf32>, vector<16xi1> -> vector<16xf32>
        %parallel_loop3A_296 = arith.subf %parallel_loop3A_207, %parallel_loop3A_204 : vector<16xf32>
        %parallel_loop3A_297 = vector.broadcast %parallel_loop3A_183 : f32 to vector<16xf32>
        %parallel_loop3A_298 = arith.addf %parallel_loop3A_296, %parallel_loop3A_297 : vector<16xf32>
        %parallel_loop3A_299 = arith.cmpi ne, %parallel_loop3A_193, %parallel_loop3A_199 : vector<16xi32>
        tpu.vector_store_idx %arg13[%parallel_loop3A_193], %parallel_loop3A_298 masked %parallel_loop3A_299 : memref<16384xf32, #tpu.memory_space<vmem>>[vector<16xi32>], vector<16xf32>, vector<16xi1>
        tpu.vector_store_idx %arg12[%parallel_loop3A_199], %parallel_loop3A_298 masked %parallel_loop3A_299 : memref<16384xf32, #tpu.memory_space<vmem>>[vector<16xi32>], vector<16xf32>, vector<16xi1>
        %parallel_loop3A_300 = vector.extract_strided_slice %parallel_loop3A_207 {offsets = [15], sizes = [1], strides = [1]} : vector<16xf32> to vector<1xf32>
        %parallel_loop3A_301 = vector.extract %parallel_loop3A_300[0] : f32 from vector<1xf32>
        %parallel_loop3A_302 = arith.addf %parallel_loop3A_183, %parallel_loop3A_301 : f32
        %parallel_loop3A_303 = arith.subf %parallel_loop3A_229, %parallel_loop3A_226 : vector<16xf32>
        %parallel_loop3A_304 = vector.broadcast %parallel_loop3A_302 : f32 to vector<16xf32>
        %parallel_loop3A_305 = arith.addf %parallel_loop3A_303, %parallel_loop3A_304 : vector<16xf32>
        %parallel_loop3A_306 = arith.cmpi ne, %parallel_loop3A_215, %parallel_loop3A_221 : vector<16xi32>
        tpu.vector_store_idx %arg13[%parallel_loop3A_215], %parallel_loop3A_305 masked %parallel_loop3A_306 : memref<16384xf32, #tpu.memory_space<vmem>>[vector<16xi32>], vector<16xf32>, vector<16xi1>
        tpu.vector_store_idx %arg12[%parallel_loop3A_221], %parallel_loop3A_305 masked %parallel_loop3A_306 : memref<16384xf32, #tpu.memory_space<vmem>>[vector<16xi32>], vector<16xf32>, vector<16xi1>
        %parallel_loop3A_307 = vector.extract_strided_slice %parallel_loop3A_229 {offsets = [15], sizes = [1], strides = [1]} : vector<16xf32> to vector<1xf32>
        %parallel_loop3A_308 = vector.extract %parallel_loop3A_307[0] : f32 from vector<1xf32>
        %parallel_loop3A_309 = arith.addf %parallel_loop3A_302, %parallel_loop3A_308 : f32
        %parallel_loop3A_310 = arith.subf %parallel_loop3A_251, %parallel_loop3A_248 : vector<16xf32>
        %parallel_loop3A_311 = vector.broadcast %parallel_loop3A_309 : f32 to vector<16xf32>
        %parallel_loop3A_312 = arith.addf %parallel_loop3A_310, %parallel_loop3A_311 : vector<16xf32>
        %parallel_loop3A_313 = arith.cmpi ne, %parallel_loop3A_237, %parallel_loop3A_243 : vector<16xi32>
        tpu.vector_store_idx %arg13[%parallel_loop3A_237], %parallel_loop3A_312 masked %parallel_loop3A_313 : memref<16384xf32, #tpu.memory_space<vmem>>[vector<16xi32>], vector<16xf32>, vector<16xi1>
        tpu.vector_store_idx %arg12[%parallel_loop3A_243], %parallel_loop3A_312 masked %parallel_loop3A_313 : memref<16384xf32, #tpu.memory_space<vmem>>[vector<16xi32>], vector<16xf32>, vector<16xi1>
        %parallel_loop3A_314 = vector.extract_strided_slice %parallel_loop3A_251 {offsets = [15], sizes = [1], strides = [1]} : vector<16xf32> to vector<1xf32>
        %parallel_loop3A_315 = vector.extract %parallel_loop3A_314[0] : f32 from vector<1xf32>
        %parallel_loop3A_316 = arith.addf %parallel_loop3A_309, %parallel_loop3A_315 : f32
        %parallel_loop3A_317 = arith.subf %parallel_loop3A_273, %parallel_loop3A_270 : vector<16xf32>
        %parallel_loop3A_318 = vector.broadcast %parallel_loop3A_316 : f32 to vector<16xf32>
        %parallel_loop3A_319 = arith.addf %parallel_loop3A_317, %parallel_loop3A_318 : vector<16xf32>
        %parallel_loop3A_320 = arith.cmpi ne, %parallel_loop3A_259, %parallel_loop3A_265 : vector<16xi32>
        tpu.vector_store_idx %arg13[%parallel_loop3A_259], %parallel_loop3A_319 masked %parallel_loop3A_320 : memref<16384xf32, #tpu.memory_space<vmem>>[vector<16xi32>], vector<16xf32>, vector<16xi1>
        tpu.vector_store_idx %arg12[%parallel_loop3A_265], %parallel_loop3A_319 masked %parallel_loop3A_320 : memref<16384xf32, #tpu.memory_space<vmem>>[vector<16xi32>], vector<16xf32>, vector<16xi1>
        %parallel_loop3A_321 = vector.extract_strided_slice %parallel_loop3A_273 {offsets = [15], sizes = [1], strides = [1]} : vector<16xf32> to vector<1xf32>
        %parallel_loop3A_322 = vector.extract %parallel_loop3A_321[0] : f32 from vector<1xf32>
        %parallel_loop3A_323 = arith.addf %parallel_loop3A_316, %parallel_loop3A_322 : f32
        %parallel_loop3A_324 = arith.subf %parallel_loop3A_295, %parallel_loop3A_292 : vector<16xf32>
        %parallel_loop3A_325 = vector.broadcast %parallel_loop3A_323 : f32 to vector<16xf32>
        %parallel_loop3A_326 = arith.addf %parallel_loop3A_324, %parallel_loop3A_325 : vector<16xf32>
        %parallel_loop3A_327 = arith.cmpi ne, %parallel_loop3A_281, %parallel_loop3A_287 : vector<16xi32>
        tpu.vector_store_idx %arg13[%parallel_loop3A_281], %parallel_loop3A_326 masked %parallel_loop3A_327 : memref<16384xf32, #tpu.memory_space<vmem>>[vector<16xi32>], vector<16xf32>, vector<16xi1>
        tpu.vector_store_idx %arg12[%parallel_loop3A_287], %parallel_loop3A_326 masked %parallel_loop3A_327 : memref<16384xf32, #tpu.memory_space<vmem>>[vector<16xi32>], vector<16xf32>, vector<16xi1>
        %parallel_loop3A_328 = vector.extract_strided_slice %parallel_loop3A_295 {offsets = [15], sizes = [1], strides = [1]} : vector<16xf32> to vector<1xf32>
        %parallel_loop3A_329 = vector.extract %parallel_loop3A_328[0] : f32 from vector<1xf32>
        %parallel_loop3A_330 = arith.addf %parallel_loop3A_323, %parallel_loop3A_329 : f32
        scf.yield %parallel_loop3A_330 : f32
      } {sc.loop_unroll_factor = 2 : i64, sc.parallel_access}
      %mul3A_131 = arith.constant 2 : i32
      %mul3A_132 = arith.muli %mul3A_131, %scan3A_73 : i32
      %add3A_133 = arith.constant 2 : i32
      %add3A_134 = arith.addi %mul3A_132, %add3A_133 : i32
      %mul3A_135 = arith.constant 4000 : i32
      %mul3A_136 = arith.muli %add3A_134, %mul3A_135 : i32
      %add3A_137 = arith.addi %mul3A_2, %mul3A_136 : i32
      %multiple_of3A_138 = tpu.assume_multiple %add3A_137, 8 : i32
      %sub3A_139 = arith.constant 16 : i32
      %sub3A_140 = arith.subi %multiple_of3A_138, %sub3A_139 : i32
      %max3A_141 = arith.constant 0 : i32
      %max3A_142 = arith.maxsi %sub3A_140, %max3A_141 : i32
      %multiple_of3A_143 = tpu.assume_multiple %max3A_142, 8 : i32
      %dma_start3A_144 = tpu.memref_slice %arg3[%multiple_of3A_138] : memref<3200000xi32, #tpu.memory_space<hbm>> -> memref<4000xi32, #tpu.memory_space<hbm>>
      %dma_start3A_145 = tpu.memref_slice %arg3[%multiple_of3A_138] : memref<3200000xi32, #tpu.memory_space<hbm>> -> memref<4000xi32, #tpu.memory_space<hbm>>
      tpu.enqueue_dma source(%dma_start3A_145 : memref<4000xi32, #tpu.memory_space<hbm>>) target(%arg8 : memref<4000xi32, #tpu.memory_space<vmem>>) target_semaphore(%arg14 : memref<!tpu.dma_semaphore, #tpu.memory_space<semaphore_mem>>)
      %dma_start3A_146 = arith.constant 0 : i32
      %dma_start3A_147 = tpu.memref_slice %arg9[%dma_start3A_146] : memref<4016xi32, #tpu.memory_space<vmem>> -> memref<16xi32, #tpu.memory_space<vmem>>
      %dma_start3A_148 = tpu.memref_slice %arg4[%multiple_of3A_143] : memref<3200000xi32, #tpu.memory_space<hbm>> -> memref<16xi32, #tpu.memory_space<hbm>>
      %dma_start3A_149 = arith.constant 0 : i32
      %dma_start3A_150 = tpu.memref_slice %arg9[%dma_start3A_149] : memref<4016xi32, #tpu.memory_space<vmem>> -> memref<16xi32, #tpu.memory_space<vmem>>
      %dma_start3A_151 = tpu.memref_slice %arg4[%multiple_of3A_143] : memref<3200000xi32, #tpu.memory_space<hbm>> -> memref<16xi32, #tpu.memory_space<hbm>>
      tpu.enqueue_dma source(%dma_start3A_151 : memref<16xi32, #tpu.memory_space<hbm>>) target(%dma_start3A_150 : memref<16xi32, #tpu.memory_space<vmem>>) target_semaphore(%arg14 : memref<!tpu.dma_semaphore, #tpu.memory_space<semaphore_mem>>)
      %dma_start3A_152 = arith.constant 16 : i32
      %dma_start3A_153 = tpu.memref_slice %arg9[%dma_start3A_152] : memref<4016xi32, #tpu.memory_space<vmem>> -> memref<4000xi32, #tpu.memory_space<vmem>>
      %dma_start3A_154 = tpu.memref_slice %arg4[%multiple_of3A_138] : memref<3200000xi32, #tpu.memory_space<hbm>> -> memref<4000xi32, #tpu.memory_space<hbm>>
      %dma_start3A_155 = arith.constant 16 : i32
      %dma_start3A_156 = tpu.memref_slice %arg9[%dma_start3A_155] : memref<4016xi32, #tpu.memory_space<vmem>> -> memref<4000xi32, #tpu.memory_space<vmem>>
      %dma_start3A_157 = tpu.memref_slice %arg4[%multiple_of3A_138] : memref<3200000xi32, #tpu.memory_space<hbm>> -> memref<4000xi32, #tpu.memory_space<hbm>>
      tpu.enqueue_dma source(%dma_start3A_157 : memref<4000xi32, #tpu.memory_space<hbm>>) target(%dma_start3A_156 : memref<4000xi32, #tpu.memory_space<vmem>>) target_semaphore(%arg14 : memref<!tpu.dma_semaphore, #tpu.memory_space<semaphore_mem>>)
      %dma_wait3A_158 = arith.constant 0 : i32
      %dma_wait3A_159 = tpu.memref_slice %arg3[%dma_wait3A_158] : memref<3200000xi32, #tpu.memory_space<hbm>> -> memref<4000xi32, #tpu.memory_space<hbm>>
      %dma_wait3A_160 = arith.constant 0 : i32
      %dma_wait3A_161 = tpu.memref_slice %arg3[%dma_wait3A_160] : memref<3200000xi32, #tpu.memory_space<hbm>> -> memref<4000xi32, #tpu.memory_space<hbm>>
      tpu.wait_dma2 semaphore(%arg15 : memref<!tpu.dma_semaphore, #tpu.memory_space<semaphore_mem>>) src(%dma_wait3A_161 : memref<4000xi32, #tpu.memory_space<hbm>>) dst(%arg10 : memref<4000xi32, #tpu.memory_space<vmem>>)
      %dma_wait3A_162 = arith.constant 0 : i32
      %dma_wait3A_163 = tpu.memref_slice %arg11[%dma_wait3A_162] : memref<4016xi32, #tpu.memory_space<vmem>> -> memref<16xi32, #tpu.memory_space<vmem>>
      %dma_wait3A_164 = arith.constant 0 : i32
      %dma_wait3A_165 = tpu.memref_slice %arg4[%dma_wait3A_164] : memref<3200000xi32, #tpu.memory_space<hbm>> -> memref<16xi32, #tpu.memory_space<hbm>>
      %dma_wait3A_166 = arith.constant 0 : i32
      %dma_wait3A_167 = tpu.memref_slice %arg11[%dma_wait3A_166] : memref<4016xi32, #tpu.memory_space<vmem>> -> memref<16xi32, #tpu.memory_space<vmem>>
      %dma_wait3A_168 = arith.constant 0 : i32
      %dma_wait3A_169 = tpu.memref_slice %arg4[%dma_wait3A_168] : memref<3200000xi32, #tpu.memory_space<hbm>> -> memref<16xi32, #tpu.memory_space<hbm>>
      tpu.wait_dma2 semaphore(%arg15 : memref<!tpu.dma_semaphore, #tpu.memory_space<semaphore_mem>>) src(%dma_wait3A_169 : memref<16xi32, #tpu.memory_space<hbm>>) dst(%dma_wait3A_167 : memref<16xi32, #tpu.memory_space<vmem>>)
      %dma_wait3A_170 = arith.constant 16 : i32
      %dma_wait3A_171 = tpu.memref_slice %arg11[%dma_wait3A_170] : memref<4016xi32, #tpu.memory_space<vmem>> -> memref<4000xi32, #tpu.memory_space<vmem>>
      %dma_wait3A_172 = arith.constant 0 : i32
      %dma_wait3A_173 = tpu.memref_slice %arg4[%dma_wait3A_172] : memref<3200000xi32, #tpu.memory_space<hbm>> -> memref<4000xi32, #tpu.memory_space<hbm>>
      %dma_wait3A_174 = arith.constant 16 : i32
      %dma_wait3A_175 = tpu.memref_slice %arg11[%dma_wait3A_174] : memref<4016xi32, #tpu.memory_space<vmem>> -> memref<4000xi32, #tpu.memory_space<vmem>>
      %dma_wait3A_176 = arith.constant 0 : i32
      %dma_wait3A_177 = tpu.memref_slice %arg4[%dma_wait3A_176] : memref<3200000xi32, #tpu.memory_space<hbm>> -> memref<4000xi32, #tpu.memory_space<hbm>>
      tpu.wait_dma2 semaphore(%arg15 : memref<!tpu.dma_semaphore, #tpu.memory_space<semaphore_mem>>) src(%dma_wait3A_177 : memref<4000xi32, #tpu.memory_space<hbm>>) dst(%dma_wait3A_175 : memref<4000xi32, #tpu.memory_space<vmem>>)
      %parallel_loop3A_178 = arith.constant 0 : i32
      %parallel_loop3A_179 = arith.constant 50 : i32
      %parallel_loop3A_180 = arith.constant 1 : i32
      %parallel_loop3A_181 = scf.for %parallel_loop3A_182 = %parallel_loop3A_178 to %parallel_loop3A_179 step %parallel_loop3A_180 iter_args(%parallel_loop3A_183 = %parallel_loop3A_130) -> (f32)  : i32 {
        %parallel_loop3A_184 = arith.constant 80 : i32
        %parallel_loop3A_185 = arith.muli %parallel_loop3A_182, %parallel_loop3A_184 : i32
        %parallel_loop3A_186 = arith.constant 0 : i32
        %parallel_loop3A_187 = arith.addi %parallel_loop3A_185, %parallel_loop3A_186 : i32
        %parallel_loop3A_188 = arith.index_cast %parallel_loop3A_187 : i32 to index
        %parallel_loop3A_189 = tpu.vector_load %arg10[%parallel_loop3A_188] {strides = array<i32>} : memref<4000xi32, #tpu.memory_space<vmem>>, vector<16xi32>,
        %parallel_loop3A_190 = arith.constant 16 : i32
        %parallel_loop3A_191 = arith.addi %parallel_loop3A_190, %parallel_loop3A_187 : i32
        %parallel_loop3A_192 = arith.index_cast %parallel_loop3A_191 : i32 to index
        %parallel_loop3A_193 = tpu.vector_load %arg11[%parallel_loop3A_192] {strides = array<i32>} : memref<4016xi32, #tpu.memory_space<vmem>>, vector<16xi32>,
        %parallel_loop3A_194 = arith.constant 16 : i32
        %parallel_loop3A_195 = arith.addi %parallel_loop3A_194, %parallel_loop3A_187 : i32
        %parallel_loop3A_196 = arith.constant 1 : i32
        %parallel_loop3A_197 = arith.subi %parallel_loop3A_195, %parallel_loop3A_196 : i32
        %parallel_loop3A_198 = arith.index_cast %parallel_loop3A_197 : i32 to index
        %parallel_loop3A_199 = tpu.vector_load %arg11[%parallel_loop3A_198] {strides = array<i32>} : memref<4016xi32, #tpu.memory_space<vmem>>, vector<16xi32>,
        %parallel_loop3A_200 = arith.constant 16 : i32
        %parallel_loop3A_201 = vector.broadcast %parallel_loop3A_200 : i32 to vector<16xi32>
        %parallel_loop3A_202 = arith.muli %parallel_loop3A_189, %parallel_loop3A_201 : vector<16xi32>
        %parallel_loop3A_203 = arith.addi %parallel_loop3A_202, %iota3A : vector<16xi32>
        %parallel_loop3A_204 = tpu.vector_load_idx %arg6[%parallel_loop3A_203] : memref<2048xf32, #tpu.memory_space<vmem>>[vector<16xi32>], vector<16xf32>,
        %parallel_loop3A_205 = arith.constant true
        %parallel_loop3A_206 = vector.broadcast %parallel_loop3A_205 : i1 to vector<16xi1>
        %parallel_loop3A_207 = tpu.scan <sum>, %parallel_loop3A_204 masked %parallel_loop3A_206 : vector<16xf32>, vector<16xi1> -> vector<16xf32>
        %parallel_loop3A_208 = arith.constant 16 : i32
        %parallel_loop3A_209 = arith.addi %parallel_loop3A_185, %parallel_loop3A_208 : i32
        %parallel_loop3A_210 = arith.index_cast %parallel_loop3A_209 : i32 to index
        %parallel_loop3A_211 = tpu.vector_load %arg10[%parallel_loop3A_210] {strides = array<i32>} : memref<4000xi32, #tpu.memory_space<vmem>>, vector<16xi32>,
        %parallel_loop3A_212 = arith.constant 16 : i32
        %parallel_loop3A_213 = arith.addi %parallel_loop3A_212, %parallel_loop3A_209 : i32
        %parallel_loop3A_214 = arith.index_cast %parallel_loop3A_213 : i32 to index
        %parallel_loop3A_215 = tpu.vector_load %arg11[%parallel_loop3A_214] {strides = array<i32>} : memref<4016xi32, #tpu.memory_space<vmem>>, vector<16xi32>,
        %parallel_loop3A_216 = arith.constant 16 : i32
        %parallel_loop3A_217 = arith.addi %parallel_loop3A_216, %parallel_loop3A_209 : i32
        %parallel_loop3A_218 = arith.constant 1 : i32
        %parallel_loop3A_219 = arith.subi %parallel_loop3A_217, %parallel_loop3A_218 : i32
        %parallel_loop3A_220 = arith.index_cast %parallel_loop3A_219 : i32 to index
        %parallel_loop3A_221 = tpu.vector_load %arg11[%parallel_loop3A_220] {strides = array<i32>} : memref<4016xi32, #tpu.memory_space<vmem>>, vector<16xi32>,
        %parallel_loop3A_222 = arith.constant 16 : i32
        %parallel_loop3A_223 = vector.broadcast %parallel_loop3A_222 : i32 to vector<16xi32>
        %parallel_loop3A_224 = arith.muli %parallel_loop3A_211, %parallel_loop3A_223 : vector<16xi32>
        %parallel_loop3A_225 = arith.addi %parallel_loop3A_224, %iota3A : vector<16xi32>
        %parallel_loop3A_226 = tpu.vector_load_idx %arg6[%parallel_loop3A_225] : memref<2048xf32, #tpu.memory_space<vmem>>[vector<16xi32>], vector<16xf32>,
        %parallel_loop3A_227 = arith.constant true
        %parallel_loop3A_228 = vector.broadcast %parallel_loop3A_227 : i1 to vector<16xi1>
        %parallel_loop3A_229 = tpu.scan <sum>, %parallel_loop3A_226 masked %parallel_loop3A_228 : vector<16xf32>, vector<16xi1> -> vector<16xf32>
        %parallel_loop3A_230 = arith.constant 32 : i32
        %parallel_loop3A_231 = arith.addi %parallel_loop3A_185, %parallel_loop3A_230 : i32
        %parallel_loop3A_232 = arith.index_cast %parallel_loop3A_231 : i32 to index
        %parallel_loop3A_233 = tpu.vector_load %arg10[%parallel_loop3A_232] {strides = array<i32>} : memref<4000xi32, #tpu.memory_space<vmem>>, vector<16xi32>,
        %parallel_loop3A_234 = arith.constant 16 : i32
        %parallel_loop3A_235 = arith.addi %parallel_loop3A_234, %parallel_loop3A_231 : i32
        %parallel_loop3A_236 = arith.index_cast %parallel_loop3A_235 : i32 to index
        %parallel_loop3A_237 = tpu.vector_load %arg11[%parallel_loop3A_236] {strides = array<i32>} : memref<4016xi32, #tpu.memory_space<vmem>>, vector<16xi32>,
        %parallel_loop3A_238 = arith.constant 16 : i32
        %parallel_loop3A_239 = arith.addi %parallel_loop3A_238, %parallel_loop3A_231 : i32
        %parallel_loop3A_240 = arith.constant 1 : i32
        %parallel_loop3A_241 = arith.subi %parallel_loop3A_239, %parallel_loop3A_240 : i32
        %parallel_loop3A_242 = arith.index_cast %parallel_loop3A_241 : i32 to index
        %parallel_loop3A_243 = tpu.vector_load %arg11[%parallel_loop3A_242] {strides = array<i32>} : memref<4016xi32, #tpu.memory_space<vmem>>, vector<16xi32>,
        %parallel_loop3A_244 = arith.constant 16 : i32
        %parallel_loop3A_245 = vector.broadcast %parallel_loop3A_244 : i32 to vector<16xi32>
        %parallel_loop3A_246 = arith.muli %parallel_loop3A_233, %parallel_loop3A_245 : vector<16xi32>
        %parallel_loop3A_247 = arith.addi %parallel_loop3A_246, %iota3A : vector<16xi32>
        %parallel_loop3A_248 = tpu.vector_load_idx %arg6[%parallel_loop3A_247] : memref<2048xf32, #tpu.memory_space<vmem>>[vector<16xi32>], vector<16xf32>,
        %parallel_loop3A_249 = arith.constant true
        %parallel_loop3A_250 = vector.broadcast %parallel_loop3A_249 : i1 to vector<16xi1>
        %parallel_loop3A_251 = tpu.scan <sum>, %parallel_loop3A_248 masked %parallel_loop3A_250 : vector<16xf32>, vector<16xi1> -> vector<16xf32>
        %parallel_loop3A_252 = arith.constant 48 : i32
        %parallel_loop3A_253 = arith.addi %parallel_loop3A_185, %parallel_loop3A_252 : i32
        %parallel_loop3A_254 = arith.index_cast %parallel_loop3A_253 : i32 to index
        %parallel_loop3A_255 = tpu.vector_load %arg10[%parallel_loop3A_254] {strides = array<i32>} : memref<4000xi32, #tpu.memory_space<vmem>>, vector<16xi32>,
        %parallel_loop3A_256 = arith.constant 16 : i32
        %parallel_loop3A_257 = arith.addi %parallel_loop3A_256, %parallel_loop3A_253 : i32
        %parallel_loop3A_258 = arith.index_cast %parallel_loop3A_257 : i32 to index
        %parallel_loop3A_259 = tpu.vector_load %arg11[%parallel_loop3A_258] {strides = array<i32>} : memref<4016xi32, #tpu.memory_space<vmem>>, vector<16xi32>,
        %parallel_loop3A_260 = arith.constant 16 : i32
        %parallel_loop3A_261 = arith.addi %parallel_loop3A_260, %parallel_loop3A_253 : i32
        %parallel_loop3A_262 = arith.constant 1 : i32
        %parallel_loop3A_263 = arith.subi %parallel_loop3A_261, %parallel_loop3A_262 : i32
        %parallel_loop3A_264 = arith.index_cast %parallel_loop3A_263 : i32 to index
        %parallel_loop3A_265 = tpu.vector_load %arg11[%parallel_loop3A_264] {strides = array<i32>} : memref<4016xi32, #tpu.memory_space<vmem>>, vector<16xi32>,
        %parallel_loop3A_266 = arith.constant 16 : i32
        %parallel_loop3A_267 = vector.broadcast %parallel_loop3A_266 : i32 to vector<16xi32>
        %parallel_loop3A_268 = arith.muli %parallel_loop3A_255, %parallel_loop3A_267 : vector<16xi32>
        %parallel_loop3A_269 = arith.addi %parallel_loop3A_268, %iota3A : vector<16xi32>
        %parallel_loop3A_270 = tpu.vector_load_idx %arg6[%parallel_loop3A_269] : memref<2048xf32, #tpu.memory_space<vmem>>[vector<16xi32>], vector<16xf32>,
        %parallel_loop3A_271 = arith.constant true
        %parallel_loop3A_272 = vector.broadcast %parallel_loop3A_271 : i1 to vector<16xi1>
        %parallel_loop3A_273 = tpu.scan <sum>, %parallel_loop3A_270 masked %parallel_loop3A_272 : vector<16xf32>, vector<16xi1> -> vector<16xf32>
        %parallel_loop3A_274 = arith.constant 64 : i32
        %parallel_loop3A_275 = arith.addi %parallel_loop3A_185, %parallel_loop3A_274 : i32
        %parallel_loop3A_276 = arith.index_cast %parallel_loop3A_275 : i32 to index
        %parallel_loop3A_277 = tpu.vector_load %arg10[%parallel_loop3A_276] {strides = array<i32>} : memref<4000xi32, #tpu.memory_space<vmem>>, vector<16xi32>,
        %parallel_loop3A_278 = arith.constant 16 : i32
        %parallel_loop3A_279 = arith.addi %parallel_loop3A_278, %parallel_loop3A_275 : i32
        %parallel_loop3A_280 = arith.index_cast %parallel_loop3A_279 : i32 to index
        %parallel_loop3A_281 = tpu.vector_load %arg11[%parallel_loop3A_280] {strides = array<i32>} : memref<4016xi32, #tpu.memory_space<vmem>>, vector<16xi32>,
        %parallel_loop3A_282 = arith.constant 16 : i32
        %parallel_loop3A_283 = arith.addi %parallel_loop3A_282, %parallel_loop3A_275 : i32
        %parallel_loop3A_284 = arith.constant 1 : i32
        %parallel_loop3A_285 = arith.subi %parallel_loop3A_283, %parallel_loop3A_284 : i32
        %parallel_loop3A_286 = arith.index_cast %parallel_loop3A_285 : i32 to index
        %parallel_loop3A_287 = tpu.vector_load %arg11[%parallel_loop3A_286] {strides = array<i32>} : memref<4016xi32, #tpu.memory_space<vmem>>, vector<16xi32>,
        %parallel_loop3A_288 = arith.constant 16 : i32
        %parallel_loop3A_289 = vector.broadcast %parallel_loop3A_288 : i32 to vector<16xi32>
        %parallel_loop3A_290 = arith.muli %parallel_loop3A_277, %parallel_loop3A_289 : vector<16xi32>
        %parallel_loop3A_291 = arith.addi %parallel_loop3A_290, %iota3A : vector<16xi32>
        %parallel_loop3A_292 = tpu.vector_load_idx %arg6[%parallel_loop3A_291] : memref<2048xf32, #tpu.memory_space<vmem>>[vector<16xi32>], vector<16xf32>,
        %parallel_loop3A_293 = arith.constant true
        %parallel_loop3A_294 = vector.broadcast %parallel_loop3A_293 : i1 to vector<16xi1>
        %parallel_loop3A_295 = tpu.scan <sum>, %parallel_loop3A_292 masked %parallel_loop3A_294 : vector<16xf32>, vector<16xi1> -> vector<16xf32>
        %parallel_loop3A_296 = arith.subf %parallel_loop3A_207, %parallel_loop3A_204 : vector<16xf32>
        %parallel_loop3A_297 = vector.broadcast %parallel_loop3A_183 : f32 to vector<16xf32>
        %parallel_loop3A_298 = arith.addf %parallel_loop3A_296, %parallel_loop3A_297 : vector<16xf32>
        %parallel_loop3A_299 = arith.cmpi ne, %parallel_loop3A_193, %parallel_loop3A_199 : vector<16xi32>
        tpu.vector_store_idx %arg13[%parallel_loop3A_193], %parallel_loop3A_298 masked %parallel_loop3A_299 : memref<16384xf32, #tpu.memory_space<vmem>>[vector<16xi32>], vector<16xf32>, vector<16xi1>
        tpu.vector_store_idx %arg12[%parallel_loop3A_199], %parallel_loop3A_298 masked %parallel_loop3A_299 : memref<16384xf32, #tpu.memory_space<vmem>>[vector<16xi32>], vector<16xf32>, vector<16xi1>
        %parallel_loop3A_300 = vector.extract_strided_slice %parallel_loop3A_207 {offsets = [15], sizes = [1], strides = [1]} : vector<16xf32> to vector<1xf32>
        %parallel_loop3A_301 = vector.extract %parallel_loop3A_300[0] : f32 from vector<1xf32>
        %parallel_loop3A_302 = arith.addf %parallel_loop3A_183, %parallel_loop3A_301 : f32
        %parallel_loop3A_303 = arith.subf %parallel_loop3A_229, %parallel_loop3A_226 : vector<16xf32>
        %parallel_loop3A_304 = vector.broadcast %parallel_loop3A_302 : f32 to vector<16xf32>
        %parallel_loop3A_305 = arith.addf %parallel_loop3A_303, %parallel_loop3A_304 : vector<16xf32>
        %parallel_loop3A_306 = arith.cmpi ne, %parallel_loop3A_215, %parallel_loop3A_221 : vector<16xi32>
        tpu.vector_store_idx %arg13[%parallel_loop3A_215], %parallel_loop3A_305 masked %parallel_loop3A_306 : memref<16384xf32, #tpu.memory_space<vmem>>[vector<16xi32>], vector<16xf32>, vector<16xi1>
        tpu.vector_store_idx %arg12[%parallel_loop3A_221], %parallel_loop3A_305 masked %parallel_loop3A_306 : memref<16384xf32, #tpu.memory_space<vmem>>[vector<16xi32>], vector<16xf32>, vector<16xi1>
        %parallel_loop3A_307 = vector.extract_strided_slice %parallel_loop3A_229 {offsets = [15], sizes = [1], strides = [1]} : vector<16xf32> to vector<1xf32>
        %parallel_loop3A_308 = vector.extract %parallel_loop3A_307[0] : f32 from vector<1xf32>
        %parallel_loop3A_309 = arith.addf %parallel_loop3A_302, %parallel_loop3A_308 : f32
        %parallel_loop3A_310 = arith.subf %parallel_loop3A_251, %parallel_loop3A_248 : vector<16xf32>
        %parallel_loop3A_311 = vector.broadcast %parallel_loop3A_309 : f32 to vector<16xf32>
        %parallel_loop3A_312 = arith.addf %parallel_loop3A_310, %parallel_loop3A_311 : vector<16xf32>
        %parallel_loop3A_313 = arith.cmpi ne, %parallel_loop3A_237, %parallel_loop3A_243 : vector<16xi32>
        tpu.vector_store_idx %arg13[%parallel_loop3A_237], %parallel_loop3A_312 masked %parallel_loop3A_313 : memref<16384xf32, #tpu.memory_space<vmem>>[vector<16xi32>], vector<16xf32>, vector<16xi1>
        tpu.vector_store_idx %arg12[%parallel_loop3A_243], %parallel_loop3A_312 masked %parallel_loop3A_313 : memref<16384xf32, #tpu.memory_space<vmem>>[vector<16xi32>], vector<16xf32>, vector<16xi1>
        %parallel_loop3A_314 = vector.extract_strided_slice %parallel_loop3A_251 {offsets = [15], sizes = [1], strides = [1]} : vector<16xf32> to vector<1xf32>
        %parallel_loop3A_315 = vector.extract %parallel_loop3A_314[0] : f32 from vector<1xf32>
        %parallel_loop3A_316 = arith.addf %parallel_loop3A_309, %parallel_loop3A_315 : f32
        %parallel_loop3A_317 = arith.subf %parallel_loop3A_273, %parallel_loop3A_270 : vector<16xf32>
        %parallel_loop3A_318 = vector.broadcast %parallel_loop3A_316 : f32 to vector<16xf32>
        %parallel_loop3A_319 = arith.addf %parallel_loop3A_317, %parallel_loop3A_318 : vector<16xf32>
        %parallel_loop3A_320 = arith.cmpi ne, %parallel_loop3A_259, %parallel_loop3A_265 : vector<16xi32>
        tpu.vector_store_idx %arg13[%parallel_loop3A_259], %parallel_loop3A_319 masked %parallel_loop3A_320 : memref<16384xf32, #tpu.memory_space<vmem>>[vector<16xi32>], vector<16xf32>, vector<16xi1>
        tpu.vector_store_idx %arg12[%parallel_loop3A_265], %parallel_loop3A_319 masked %parallel_loop3A_320 : memref<16384xf32, #tpu.memory_space<vmem>>[vector<16xi32>], vector<16xf32>, vector<16xi1>
        %parallel_loop3A_321 = vector.extract_strided_slice %parallel_loop3A_273 {offsets = [15], sizes = [1], strides = [1]} : vector<16xf32> to vector<1xf32>
        %parallel_loop3A_322 = vector.extract %parallel_loop3A_321[0] : f32 from vector<1xf32>
        %parallel_loop3A_323 = arith.addf %parallel_loop3A_316, %parallel_loop3A_322 : f32
        %parallel_loop3A_324 = arith.subf %parallel_loop3A_295, %parallel_loop3A_292 : vector<16xf32>
        %parallel_loop3A_325 = vector.broadcast %parallel_loop3A_323 : f32 to vector<16xf32>
        %parallel_loop3A_326 = arith.addf %parallel_loop3A_324, %parallel_loop3A_325 : vector<16xf32>
        %parallel_loop3A_327 = arith.cmpi ne, %parallel_loop3A_281, %parallel_loop3A_287 : vector<16xi32>
        tpu.vector_store_idx %arg13[%parallel_loop3A_281], %parallel_loop3A_326 masked %parallel_loop3A_327 : memref<16384xf32, #tpu.memory_space<vmem>>[vector<16xi32>], vector<16xf32>, vector<16xi1>
        tpu.vector_store_idx %arg12[%parallel_loop3A_287], %parallel_loop3A_326 masked %parallel_loop3A_327 : memref<16384xf32, #tpu.memory_space<vmem>>[vector<16xi32>], vector<16xf32>, vector<16xi1>
        %parallel_loop3A_328 = vector.extract_strided_slice %parallel_loop3A_295 {offsets = [15], sizes = [1], strides = [1]} : vector<16xf32> to vector<1xf32>
        %parallel_loop3A_329 = vector.extract %parallel_loop3A_328[0] : f32 from vector<1xf32>
        %parallel_loop3A_330 = arith.addf %parallel_loop3A_323, %parallel_loop3A_329 : f32
        scf.yield %parallel_loop3A_330 : f32
      } {sc.loop_unroll_factor = 2 : i64, sc.parallel_access}
      scf.yield %parallel_loop3A_181 : f32
    }
    %scan3A_39 = arith.constant 12 : i32
    %dma_wait3A_40 = arith.constant 0 : i32
    %dma_wait3A_41 = tpu.memref_slice %arg3[%dma_wait3A_40] : memref<3200000xi32, #tpu.memory_space<hbm>> -> memref<4000xi32, #tpu.memory_space<hbm>>
    %dma_wait3A_42 = arith.constant 0 : i32
    %dma_wait3A_43 = tpu.memref_slice %arg3[%dma_wait3A_42] : memref<3200000xi32, #tpu.memory_space<hbm>> -> memref<4000xi32, #tpu.memory_space<hbm>>
    tpu.wait_dma2 semaphore(%arg14 : memref<!tpu.dma_semaphore, #tpu.memory_space<semaphore_mem>>) src(%dma_wait3A_43 : memref<4000xi32, #tpu.memory_space<hbm>>) dst(%arg8 : memref<4000xi32, #tpu.memory_space<vmem>>)
    %dma_wait3A_44 = arith.constant 0 : i32
    %dma_wait3A_45 = tpu.memref_slice %arg9[%dma_wait3A_44] : memref<4016xi32, #tpu.memory_space<vmem>> -> memref<16xi32, #tpu.memory_space<vmem>>
    %dma_wait3A_46 = arith.constant 0 : i32
    %dma_wait3A_47 = tpu.memref_slice %arg4[%dma_wait3A_46] : memref<3200000xi32, #tpu.memory_space<hbm>> -> memref<16xi32, #tpu.memory_space<hbm>>
    %dma_wait3A_48 = arith.constant 0 : i32
    %dma_wait3A_49 = tpu.memref_slice %arg9[%dma_wait3A_48] : memref<4016xi32, #tpu.memory_space<vmem>> -> memref<16xi32, #tpu.memory_space<vmem>>
    %dma_wait3A_50 = arith.constant 0 : i32
    %dma_wait3A_51 = tpu.memref_slice %arg4[%dma_wait3A_50] : memref<3200000xi32, #tpu.memory_space<hbm>> -> memref<16xi32, #tpu.memory_space<hbm>>
    tpu.wait_dma2 semaphore(%arg14 : memref<!tpu.dma_semaphore, #tpu.memory_space<semaphore_mem>>) src(%dma_wait3A_51 : memref<16xi32, #tpu.memory_space<hbm>>) dst(%dma_wait3A_49 : memref<16xi32, #tpu.memory_space<vmem>>)
    %dma_wait3A_52 = arith.constant 16 : i32
    %dma_wait3A_53 = tpu.memref_slice %arg9[%dma_wait3A_52] : memref<4016xi32, #tpu.memory_space<vmem>> -> memref<4000xi32, #tpu.memory_space<vmem>>
    %dma_wait3A_54 = arith.constant 0 : i32
    %dma_wait3A_55 = tpu.memref_slice %arg4[%dma_wait3A_54] : memref<3200000xi32, #tpu.memory_space<hbm>> -> memref<4000xi32, #tpu.memory_space<hbm>>
    %dma_wait3A_56 = arith.constant 16 : i32
    %dma_wait3A_57 = tpu.memref_slice %arg9[%dma_wait3A_56] : memref<4016xi32, #tpu.memory_space<vmem>> -> memref<4000xi32, #tpu.memory_space<vmem>>
    %dma_wait3A_58 = arith.constant 0 : i32
    %dma_wait3A_59 = tpu.memref_slice %arg4[%dma_wait3A_58] : memref<3200000xi32, #tpu.memory_space<hbm>> -> memref<4000xi32, #tpu.memory_space<hbm>>
    tpu.wait_dma2 semaphore(%arg14 : memref<!tpu.dma_semaphore, #tpu.memory_space<semaphore_mem>>) src(%dma_wait3A_59 : memref<4000xi32, #tpu.memory_space<hbm>>) dst(%dma_wait3A_57 : memref<4000xi32, #tpu.memory_space<vmem>>)
    %parallel_loop3A_60 = arith.constant 0 : i32
    %parallel_loop3A_61 = arith.constant 50 : i32
    %parallel_loop3A_62 = arith.constant 1 : i32
    %parallel_loop3A_63 = scf.for %parallel_loop3A_73 = %parallel_loop3A_60 to %parallel_loop3A_61 step %parallel_loop3A_62 iter_args(%parallel_loop3A_74 = %scan3A_38) -> (f32)  : i32 {
      %parallel_loop3A_75 = arith.constant 80 : i32
      %parallel_loop3A_76 = arith.muli %parallel_loop3A_73, %parallel_loop3A_75 : i32
      %parallel_loop3A_77 = arith.constant 0 : i32
      %parallel_loop3A_78 = arith.addi %parallel_loop3A_76, %parallel_loop3A_77 : i32
      %parallel_loop3A_79 = arith.index_cast %parallel_loop3A_78 : i32 to index
      %parallel_loop3A_80 = tpu.vector_load %arg8[%parallel_loop3A_79] {strides = array<i32>} : memref<4000xi32, #tpu.memory_space<vmem>>, vector<16xi32>,
      %parallel_loop3A_81 = arith.constant 16 : i32
      %parallel_loop3A_82 = arith.addi %parallel_loop3A_81, %parallel_loop3A_78 : i32
      %parallel_loop3A_83 = arith.index_cast %parallel_loop3A_82 : i32 to index
      %parallel_loop3A_84 = tpu.vector_load %arg9[%parallel_loop3A_83] {strides = array<i32>} : memref<4016xi32, #tpu.memory_space<vmem>>, vector<16xi32>,
      %parallel_loop3A_85 = arith.constant 16 : i32
      %parallel_loop3A_86 = arith.addi %parallel_loop3A_85, %parallel_loop3A_78 : i32
      %parallel_loop3A_87 = arith.constant 1 : i32
      %parallel_loop3A_88 = arith.subi %parallel_loop3A_86, %parallel_loop3A_87 : i32
      %parallel_loop3A_89 = arith.index_cast %parallel_loop3A_88 : i32 to index
      %parallel_loop3A_90 = tpu.vector_load %arg9[%parallel_loop3A_89] {strides = array<i32>} : memref<4016xi32, #tpu.memory_space<vmem>>, vector<16xi32>,
      %parallel_loop3A_91 = arith.constant 16 : i32
      %parallel_loop3A_92 = vector.broadcast %parallel_loop3A_91 : i32 to vector<16xi32>
      %parallel_loop3A_93 = arith.muli %parallel_loop3A_80, %parallel_loop3A_92 : vector<16xi32>
      %parallel_loop3A_94 = arith.addi %parallel_loop3A_93, %iota3A : vector<16xi32>
      %parallel_loop3A_95 = tpu.vector_load_idx %arg6[%parallel_loop3A_94] : memref<2048xf32, #tpu.memory_space<vmem>>[vector<16xi32>], vector<16xf32>,
      %parallel_loop3A_96 = arith.constant true
      %parallel_loop3A_97 = vector.broadcast %parallel_loop3A_96 : i1 to vector<16xi1>
      %parallel_loop3A_98 = tpu.scan <sum>, %parallel_loop3A_95 masked %parallel_loop3A_97 : vector<16xf32>, vector<16xi1> -> vector<16xf32>
      %parallel_loop3A_99 = arith.constant 16 : i32
      %parallel_loop3A_100 = arith.addi %parallel_loop3A_76, %parallel_loop3A_99 : i32
      %parallel_loop3A_101 = arith.index_cast %parallel_loop3A_100 : i32 to index
      %parallel_loop3A_102 = tpu.vector_load %arg8[%parallel_loop3A_101] {strides = array<i32>} : memref<4000xi32, #tpu.memory_space<vmem>>, vector<16xi32>,
      %parallel_loop3A_103 = arith.constant 16 : i32
      %parallel_loop3A_104 = arith.addi %parallel_loop3A_103, %parallel_loop3A_100 : i32
      %parallel_loop3A_105 = arith.index_cast %parallel_loop3A_104 : i32 to index
      %parallel_loop3A_106 = tpu.vector_load %arg9[%parallel_loop3A_105] {strides = array<i32>} : memref<4016xi32, #tpu.memory_space<vmem>>, vector<16xi32>,
      %parallel_loop3A_107 = arith.constant 16 : i32
      %parallel_loop3A_108 = arith.addi %parallel_loop3A_107, %parallel_loop3A_100 : i32
      %parallel_loop3A_109 = arith.constant 1 : i32
      %parallel_loop3A_110 = arith.subi %parallel_loop3A_108, %parallel_loop3A_109 : i32
      %parallel_loop3A_111 = arith.index_cast %parallel_loop3A_110 : i32 to index
      %parallel_loop3A_112 = tpu.vector_load %arg9[%parallel_loop3A_111] {strides = array<i32>} : memref<4016xi32, #tpu.memory_space<vmem>>, vector<16xi32>,
      %parallel_loop3A_113 = arith.constant 16 : i32
      %parallel_loop3A_114 = vector.broadcast %parallel_loop3A_113 : i32 to vector<16xi32>
      %parallel_loop3A_115 = arith.muli %parallel_loop3A_102, %parallel_loop3A_114 : vector<16xi32>
      %parallel_loop3A_116 = arith.addi %parallel_loop3A_115, %iota3A : vector<16xi32>
      %parallel_loop3A_117 = tpu.vector_load_idx %arg6[%parallel_loop3A_116] : memref<2048xf32, #tpu.memory_space<vmem>>[vector<16xi32>], vector<16xf32>,
      %parallel_loop3A_118 = arith.constant true
      %parallel_loop3A_119 = vector.broadcast %parallel_loop3A_118 : i1 to vector<16xi1>
      %parallel_loop3A_120 = tpu.scan <sum>, %parallel_loop3A_117 masked %parallel_loop3A_119 : vector<16xf32>, vector<16xi1> -> vector<16xf32>
      %parallel_loop3A_121 = arith.constant 32 : i32
      %parallel_loop3A_122 = arith.addi %parallel_loop3A_76, %parallel_loop3A_121 : i32
      %parallel_loop3A_123 = arith.index_cast %parallel_loop3A_122 : i32 to index
      %parallel_loop3A_124 = tpu.vector_load %arg8[%parallel_loop3A_123] {strides = array<i32>} : memref<4000xi32, #tpu.memory_space<vmem>>, vector<16xi32>,
      %parallel_loop3A_125 = arith.constant 16 : i32
      %parallel_loop3A_126 = arith.addi %parallel_loop3A_125, %parallel_loop3A_122 : i32
      %parallel_loop3A_127 = arith.index_cast %parallel_loop3A_126 : i32 to index
      %parallel_loop3A_128 = tpu.vector_load %arg9[%parallel_loop3A_127] {strides = array<i32>} : memref<4016xi32, #tpu.memory_space<vmem>>, vector<16xi32>,
      %parallel_loop3A_129 = arith.constant 16 : i32
      %parallel_loop3A_130 = arith.addi %parallel_loop3A_129, %parallel_loop3A_122 : i32
      %parallel_loop3A_131 = arith.constant 1 : i32
      %parallel_loop3A_132 = arith.subi %parallel_loop3A_130, %parallel_loop3A_131 : i32
      %parallel_loop3A_133 = arith.index_cast %parallel_loop3A_132 : i32 to index
      %parallel_loop3A_134 = tpu.vector_load %arg9[%parallel_loop3A_133] {strides = array<i32>} : memref<4016xi32, #tpu.memory_space<vmem>>, vector<16xi32>,
      %parallel_loop3A_135 = arith.constant 16 : i32
      %parallel_loop3A_136 = vector.broadcast %parallel_loop3A_135 : i32 to vector<16xi32>
      %parallel_loop3A_137 = arith.muli %parallel_loop3A_124, %parallel_loop3A_136 : vector<16xi32>
      %parallel_loop3A_138 = arith.addi %parallel_loop3A_137, %iota3A : vector<16xi32>
      %parallel_loop3A_139 = tpu.vector_load_idx %arg6[%parallel_loop3A_138] : memref<2048xf32, #tpu.memory_space<vmem>>[vector<16xi32>], vector<16xf32>,
      %parallel_loop3A_140 = arith.constant true
      %parallel_loop3A_141 = vector.broadcast %parallel_loop3A_140 : i1 to vector<16xi1>
      %parallel_loop3A_142 = tpu.scan <sum>, %parallel_loop3A_139 masked %parallel_loop3A_141 : vector<16xf32>, vector<16xi1> -> vector<16xf32>
      %parallel_loop3A_143 = arith.constant 48 : i32
      %parallel_loop3A_144 = arith.addi %parallel_loop3A_76, %parallel_loop3A_143 : i32
      %parallel_loop3A_145 = arith.index_cast %parallel_loop3A_144 : i32 to index
      %parallel_loop3A_146 = tpu.vector_load %arg8[%parallel_loop3A_145] {strides = array<i32>} : memref<4000xi32, #tpu.memory_space<vmem>>, vector<16xi32>,
      %parallel_loop3A_147 = arith.constant 16 : i32
      %parallel_loop3A_148 = arith.addi %parallel_loop3A_147, %parallel_loop3A_144 : i32
      %parallel_loop3A_149 = arith.index_cast %parallel_loop3A_148 : i32 to index
      %parallel_loop3A_150 = tpu.vector_load %arg9[%parallel_loop3A_149] {strides = array<i32>} : memref<4016xi32, #tpu.memory_space<vmem>>, vector<16xi32>,
      %parallel_loop3A_151 = arith.constant 16 : i32
      %parallel_loop3A_152 = arith.addi %parallel_loop3A_151, %parallel_loop3A_144 : i32
      %parallel_loop3A_153 = arith.constant 1 : i32
      %parallel_loop3A_154 = arith.subi %parallel_loop3A_152, %parallel_loop3A_153 : i32
      %parallel_loop3A_155 = arith.index_cast %parallel_loop3A_154 : i32 to index
      %parallel_loop3A_156 = tpu.vector_load %arg9[%parallel_loop3A_155] {strides = array<i32>} : memref<4016xi32, #tpu.memory_space<vmem>>, vector<16xi32>,
      %parallel_loop3A_157 = arith.constant 16 : i32
      %parallel_loop3A_158 = vector.broadcast %parallel_loop3A_157 : i32 to vector<16xi32>
      %parallel_loop3A_159 = arith.muli %parallel_loop3A_146, %parallel_loop3A_158 : vector<16xi32>
      %parallel_loop3A_160 = arith.addi %parallel_loop3A_159, %iota3A : vector<16xi32>
      %parallel_loop3A_161 = tpu.vector_load_idx %arg6[%parallel_loop3A_160] : memref<2048xf32, #tpu.memory_space<vmem>>[vector<16xi32>], vector<16xf32>,
      %parallel_loop3A_162 = arith.constant true
      %parallel_loop3A_163 = vector.broadcast %parallel_loop3A_162 : i1 to vector<16xi1>
      %parallel_loop3A_164 = tpu.scan <sum>, %parallel_loop3A_161 masked %parallel_loop3A_163 : vector<16xf32>, vector<16xi1> -> vector<16xf32>
      %parallel_loop3A_165 = arith.constant 64 : i32
      %parallel_loop3A_166 = arith.addi %parallel_loop3A_76, %parallel_loop3A_165 : i32
      %parallel_loop3A_167 = arith.index_cast %parallel_loop3A_166 : i32 to index
      %parallel_loop3A_168 = tpu.vector_load %arg8[%parallel_loop3A_167] {strides = array<i32>} : memref<4000xi32, #tpu.memory_space<vmem>>, vector<16xi32>,
      %parallel_loop3A_169 = arith.constant 16 : i32
      %parallel_loop3A_170 = arith.addi %parallel_loop3A_169, %parallel_loop3A_166 : i32
      %parallel_loop3A_171 = arith.index_cast %parallel_loop3A_170 : i32 to index
      %parallel_loop3A_172 = tpu.vector_load %arg9[%parallel_loop3A_171] {strides = array<i32>} : memref<4016xi32, #tpu.memory_space<vmem>>, vector<16xi32>,
      %parallel_loop3A_173 = arith.constant 16 : i32
      %parallel_loop3A_174 = arith.addi %parallel_loop3A_173, %parallel_loop3A_166 : i32
      %parallel_loop3A_175 = arith.constant 1 : i32
      %parallel_loop3A_176 = arith.subi %parallel_loop3A_174, %parallel_loop3A_175 : i32
      %parallel_loop3A_177 = arith.index_cast %parallel_loop3A_176 : i32 to index
      %parallel_loop3A_178 = tpu.vector_load %arg9[%parallel_loop3A_177] {strides = array<i32>} : memref<4016xi32, #tpu.memory_space<vmem>>, vector<16xi32>,
      %parallel_loop3A_179 = arith.constant 16 : i32
      %parallel_loop3A_180 = vector.broadcast %parallel_loop3A_179 : i32 to vector<16xi32>
      %parallel_loop3A_181 = arith.muli %parallel_loop3A_168, %parallel_loop3A_180 : vector<16xi32>
      %parallel_loop3A_182 = arith.addi %parallel_loop3A_181, %iota3A : vector<16xi32>
      %parallel_loop3A_183 = tpu.vector_load_idx %arg6[%parallel_loop3A_182] : memref<2048xf32, #tpu.memory_space<vmem>>[vector<16xi32>], vector<16xf32>,
      %parallel_loop3A_184 = arith.constant true
      %parallel_loop3A_185 = vector.broadcast %parallel_loop3A_184 : i1 to vector<16xi1>
      %parallel_loop3A_186 = tpu.scan <sum>, %parallel_loop3A_183 masked %parallel_loop3A_185 : vector<16xf32>, vector<16xi1> -> vector<16xf32>
      %parallel_loop3A_187 = arith.subf %parallel_loop3A_98, %parallel_loop3A_95 : vector<16xf32>
      %parallel_loop3A_188 = vector.broadcast %parallel_loop3A_74 : f32 to vector<16xf32>
      %parallel_loop3A_189 = arith.addf %parallel_loop3A_187, %parallel_loop3A_188 : vector<16xf32>
      %parallel_loop3A_190 = arith.cmpi ne, %parallel_loop3A_84, %parallel_loop3A_90 : vector<16xi32>
      tpu.vector_store_idx %arg13[%parallel_loop3A_84], %parallel_loop3A_189 masked %parallel_loop3A_190 : memref<16384xf32, #tpu.memory_space<vmem>>[vector<16xi32>], vector<16xf32>, vector<16xi1>
      tpu.vector_store_idx %arg12[%parallel_loop3A_90], %parallel_loop3A_189 masked %parallel_loop3A_190 : memref<16384xf32, #tpu.memory_space<vmem>>[vector<16xi32>], vector<16xf32>, vector<16xi1>
      %parallel_loop3A_191 = vector.extract_strided_slice %parallel_loop3A_98 {offsets = [15], sizes = [1], strides = [1]} : vector<16xf32> to vector<1xf32>
      %parallel_loop3A_192 = vector.extract %parallel_loop3A_191[0] : f32 from vector<1xf32>
      %parallel_loop3A_193 = arith.addf %parallel_loop3A_74, %parallel_loop3A_192 : f32
      %parallel_loop3A_194 = arith.subf %parallel_loop3A_120, %parallel_loop3A_117 : vector<16xf32>
      %parallel_loop3A_195 = vector.broadcast %parallel_loop3A_193 : f32 to vector<16xf32>
      %parallel_loop3A_196 = arith.addf %parallel_loop3A_194, %parallel_loop3A_195 : vector<16xf32>
      %parallel_loop3A_197 = arith.cmpi ne, %parallel_loop3A_106, %parallel_loop3A_112 : vector<16xi32>
      tpu.vector_store_idx %arg13[%parallel_loop3A_106], %parallel_loop3A_196 masked %parallel_loop3A_197 : memref<16384xf32, #tpu.memory_space<vmem>>[vector<16xi32>], vector<16xf32>, vector<16xi1>
      tpu.vector_store_idx %arg12[%parallel_loop3A_112], %parallel_loop3A_196 masked %parallel_loop3A_197 : memref<16384xf32, #tpu.memory_space<vmem>>[vector<16xi32>], vector<16xf32>, vector<16xi1>
      %parallel_loop3A_198 = vector.extract_strided_slice %parallel_loop3A_120 {offsets = [15], sizes = [1], strides = [1]} : vector<16xf32> to vector<1xf32>
      %parallel_loop3A_199 = vector.extract %parallel_loop3A_198[0] : f32 from vector<1xf32>
      %parallel_loop3A_200 = arith.addf %parallel_loop3A_193, %parallel_loop3A_199 : f32
      %parallel_loop3A_201 = arith.subf %parallel_loop3A_142, %parallel_loop3A_139 : vector<16xf32>
      %parallel_loop3A_202 = vector.broadcast %parallel_loop3A_200 : f32 to vector<16xf32>
      %parallel_loop3A_203 = arith.addf %parallel_loop3A_201, %parallel_loop3A_202 : vector<16xf32>
      %parallel_loop3A_204 = arith.cmpi ne, %parallel_loop3A_128, %parallel_loop3A_134 : vector<16xi32>
      tpu.vector_store_idx %arg13[%parallel_loop3A_128], %parallel_loop3A_203 masked %parallel_loop3A_204 : memref<16384xf32, #tpu.memory_space<vmem>>[vector<16xi32>], vector<16xf32>, vector<16xi1>
      tpu.vector_store_idx %arg12[%parallel_loop3A_134], %parallel_loop3A_203 masked %parallel_loop3A_204 : memref<16384xf32, #tpu.memory_space<vmem>>[vector<16xi32>], vector<16xf32>, vector<16xi1>
      %parallel_loop3A_205 = vector.extract_strided_slice %parallel_loop3A_142 {offsets = [15], sizes = [1], strides = [1]} : vector<16xf32> to vector<1xf32>
      %parallel_loop3A_206 = vector.extract %parallel_loop3A_205[0] : f32 from vector<1xf32>
      %parallel_loop3A_207 = arith.addf %parallel_loop3A_200, %parallel_loop3A_206 : f32
      %parallel_loop3A_208 = arith.subf %parallel_loop3A_164, %parallel_loop3A_161 : vector<16xf32>
      %parallel_loop3A_209 = vector.broadcast %parallel_loop3A_207 : f32 to vector<16xf32>
      %parallel_loop3A_210 = arith.addf %parallel_loop3A_208, %parallel_loop3A_209 : vector<16xf32>
      %parallel_loop3A_211 = arith.cmpi ne, %parallel_loop3A_150, %parallel_loop3A_156 : vector<16xi32>
      tpu.vector_store_idx %arg13[%parallel_loop3A_150], %parallel_loop3A_210 masked %parallel_loop3A_211 : memref<16384xf32, #tpu.memory_space<vmem>>[vector<16xi32>], vector<16xf32>, vector<16xi1>
      tpu.vector_store_idx %arg12[%parallel_loop3A_156], %parallel_loop3A_210 masked %parallel_loop3A_211 : memref<16384xf32, #tpu.memory_space<vmem>>[vector<16xi32>], vector<16xf32>, vector<16xi1>
      %parallel_loop3A_212 = vector.extract_strided_slice %parallel_loop3A_164 {offsets = [15], sizes = [1], strides = [1]} : vector<16xf32> to vector<1xf32>
      %parallel_loop3A_213 = vector.extract %parallel_loop3A_212[0] : f32 from vector<1xf32>
      %parallel_loop3A_214 = arith.addf %parallel_loop3A_207, %parallel_loop3A_213 : f32
      %parallel_loop3A_215 = arith.subf %parallel_loop3A_186, %parallel_loop3A_183 : vector<16xf32>
      %parallel_loop3A_216 = vector.broadcast %parallel_loop3A_214 : f32 to vector<16xf32>
      %parallel_loop3A_217 = arith.addf %parallel_loop3A_215, %parallel_loop3A_216 : vector<16xf32>
      %parallel_loop3A_218 = arith.cmpi ne, %parallel_loop3A_172, %parallel_loop3A_178 : vector<16xi32>
      tpu.vector_store_idx %arg13[%parallel_loop3A_172], %parallel_loop3A_217 masked %parallel_loop3A_218 : memref<16384xf32, #tpu.memory_space<vmem>>[vector<16xi32>], vector<16xf32>, vector<16xi1>
      tpu.vector_store_idx %arg12[%parallel_loop3A_178], %parallel_loop3A_217 masked %parallel_loop3A_218 : memref<16384xf32, #tpu.memory_space<vmem>>[vector<16xi32>], vector<16xf32>, vector<16xi1>
      %parallel_loop3A_219 = vector.extract_strided_slice %parallel_loop3A_186 {offsets = [15], sizes = [1], strides = [1]} : vector<16xf32> to vector<1xf32>
      %parallel_loop3A_220 = vector.extract %parallel_loop3A_219[0] : f32 from vector<1xf32>
      %parallel_loop3A_221 = arith.addf %parallel_loop3A_214, %parallel_loop3A_220 : f32
      scf.yield %parallel_loop3A_221 : f32
    } {sc.loop_unroll_factor = 2 : i64, sc.parallel_access}
    %get3A = arith.constant 4000 : index
    %get3A_64 = tpu.vector_load %arg9[%get3A] {strides = array<i32>} : memref<4016xi32, #tpu.memory_space<vmem>>, vector<16xi32>,
    %slice3A = vector.extract_strided_slice %get3A_64 {offsets = [15], sizes = [1], strides = [1]} : vector<16xi32> to vector<1xi32>
    %squeeze3A = vector.extract %slice3A[0] : i32 from vector<1xi32>
    %iota3A_65 = tpu.iota {dimensions = array<i32: 0>} : vector<16xi32>
    %eq3A = arith.constant 0 : i32
    %eq3A_66 = vector.broadcast %eq3A : i32 to vector<16xi32>
    %eq3A_67 = arith.cmpi eq, %iota3A_65, %eq3A_66 : vector<16xi32>
    %broadcast_in_dim3A_68 = vector.broadcast %squeeze3A : i32 to vector<16xi32>
    %broadcast_in_dim3A_69 = vector.broadcast %parallel_loop3A_63 : f32 to vector<16xf32>
    tpu.vector_store_idx %arg12[%broadcast_in_dim3A_68], %broadcast_in_dim3A_69 masked %eq3A_67 : memref<16384xf32, #tpu.memory_space<vmem>>[vector<16xi32>], vector<16xf32>, vector<16xi1>
    %parallel_loop3A_70 = arith.constant 0 : i32
    %parallel_loop3A_71 = arith.constant 128 : i32
    %parallel_loop3A_72 = arith.constant 1 : i32
    scf.for %parallel_loop3A_73 = %parallel_loop3A_70 to %parallel_loop3A_71 step %parallel_loop3A_72  : i32 {
      %parallel_loop3A_74 = arith.constant 128 : i32
      %parallel_loop3A_75 = arith.muli %parallel_loop3A_73, %parallel_loop3A_74 : i32
      %parallel_loop3A_76 = arith.constant 0 : i32
      %parallel_loop3A_77 = arith.addi %parallel_loop3A_75, %parallel_loop3A_76 : i32
      %parallel_loop3A_78 = arith.index_cast %parallel_loop3A_77 : i32 to index
      %parallel_loop3A_79 = tpu.vector_load %arg12[%parallel_loop3A_78] {strides = array<i32>} : memref<16384xf32, #tpu.memory_space<vmem>>, vector<16xf32>,
      %parallel_loop3A_80 = arith.index_cast %parallel_loop3A_77 : i32 to index
      %parallel_loop3A_81 = tpu.vector_load %arg13[%parallel_loop3A_80] {strides = array<i32>} : memref<16384xf32, #tpu.memory_space<vmem>>, vector<16xf32>,
      %parallel_loop3A_82 = arith.subf %parallel_loop3A_79, %parallel_loop3A_81 : vector<16xf32>
      %parallel_loop3A_83 = arith.index_cast %parallel_loop3A_77 : i32 to index
      %parallel_loop3A_84 = tpu.vector_load %arg13[%parallel_loop3A_83] {strides = array<i32>} : memref<16384xf32, #tpu.memory_space<vmem>>, vector<16xf32>,
      tpu.vector_store %arg13[%parallel_loop3A_83], %parallel_loop3A_82 {strides = array<i32>} : memref<16384xf32, #tpu.memory_space<vmem>>, vector<16xf32>,
      %parallel_loop3A_85 = arith.constant 16 : i32
      %parallel_loop3A_86 = arith.addi %parallel_loop3A_75, %parallel_loop3A_85 : i32
      %parallel_loop3A_87 = arith.index_cast %parallel_loop3A_86 : i32 to index
      %parallel_loop3A_88 = tpu.vector_load %arg12[%parallel_loop3A_87] {strides = array<i32>} : memref<16384xf32, #tpu.memory_space<vmem>>, vector<16xf32>,
      %parallel_loop3A_89 = arith.index_cast %parallel_loop3A_86 : i32 to index
      %parallel_loop3A_90 = tpu.vector_load %arg13[%parallel_loop3A_89] {strides = array<i32>} : memref<16384xf32, #tpu.memory_space<vmem>>, vector<16xf32>,
      %parallel_loop3A_91 = arith.subf %parallel_loop3A_88, %parallel_loop3A_90 : vector<16xf32>
      %parallel_loop3A_92 = arith.index_cast %parallel_loop3A_86 : i32 to index
      %parallel_loop3A_93 = tpu.vector_load %arg13[%parallel_loop3A_92] {strides = array<i32>} : memref<16384xf32, #tpu.memory_space<vmem>>, vector<16xf32>,
      tpu.vector_store %arg13[%parallel_loop3A_92], %parallel_loop3A_91 {strides = array<i32>} : memref<16384xf32, #tpu.memory_space<vmem>>, vector<16xf32>,
      %parallel_loop3A_94 = arith.constant 32 : i32
      %parallel_loop3A_95 = arith.addi %parallel_loop3A_75, %parallel_loop3A_94 : i32
      %parallel_loop3A_96 = arith.index_cast %parallel_loop3A_95 : i32 to index
      %parallel_loop3A_97 = tpu.vector_load %arg12[%parallel_loop3A_96] {strides = array<i32>} : memref<16384xf32, #tpu.memory_space<vmem>>, vector<16xf32>,
      %parallel_loop3A_98 = arith.index_cast %parallel_loop3A_95 : i32 to index
      %parallel_loop3A_99 = tpu.vector_load %arg13[%parallel_loop3A_98] {strides = array<i32>} : memref<16384xf32, #tpu.memory_space<vmem>>, vector<16xf32>,
      %parallel_loop3A_100 = arith.subf %parallel_loop3A_97, %parallel_loop3A_99 : vector<16xf32>
      %parallel_loop3A_101 = arith.index_cast %parallel_loop3A_95 : i32 to index
      %parallel_loop3A_102 = tpu.vector_load %arg13[%parallel_loop3A_101] {strides = array<i32>} : memref<16384xf32, #tpu.memory_space<vmem>>, vector<16xf32>,
      tpu.vector_store %arg13[%parallel_loop3A_101], %parallel_loop3A_100 {strides = array<i32>} : memref<16384xf32, #tpu.memory_space<vmem>>, vector<16xf32>,
      %parallel_loop3A_103 = arith.constant 48 : i32
      %parallel_loop3A_104 = arith.addi %parallel_loop3A_75, %parallel_loop3A_103 : i32
      %parallel_loop3A_105 = arith.index_cast %parallel_loop3A_104 : i32 to index
      %parallel_loop3A_106 = tpu.vector_load %arg12[%parallel_loop3A_105] {strides = array<i32>} : memref<16384xf32, #tpu.memory_space<vmem>>, vector<16xf32>,
      %parallel_loop3A_107 = arith.index_cast %parallel_loop3A_104 : i32 to index
      %parallel_loop3A_108 = tpu.vector_load %arg13[%parallel_loop3A_107] {strides = array<i32>} : memref<16384xf32, #tpu.memory_space<vmem>>, vector<16xf32>,
      %parallel_loop3A_109 = arith.subf %parallel_loop3A_106, %parallel_loop3A_108 : vector<16xf32>
      %parallel_loop3A_110 = arith.index_cast %parallel_loop3A_104 : i32 to index
      %parallel_loop3A_111 = tpu.vector_load %arg13[%parallel_loop3A_110] {strides = array<i32>} : memref<16384xf32, #tpu.memory_space<vmem>>, vector<16xf32>,
      tpu.vector_store %arg13[%parallel_loop3A_110], %parallel_loop3A_109 {strides = array<i32>} : memref<16384xf32, #tpu.memory_space<vmem>>, vector<16xf32>,
      %parallel_loop3A_112 = arith.constant 64 : i32
      %parallel_loop3A_113 = arith.addi %parallel_loop3A_75, %parallel_loop3A_112 : i32
      %parallel_loop3A_114 = arith.index_cast %parallel_loop3A_113 : i32 to index
      %parallel_loop3A_115 = tpu.vector_load %arg12[%parallel_loop3A_114] {strides = array<i32>} : memref<16384xf32, #tpu.memory_space<vmem>>, vector<16xf32>,
      %parallel_loop3A_116 = arith.index_cast %parallel_loop3A_113 : i32 to index
      %parallel_loop3A_117 = tpu.vector_load %arg13[%parallel_loop3A_116] {strides = array<i32>} : memref<16384xf32, #tpu.memory_space<vmem>>, vector<16xf32>,
      %parallel_loop3A_118 = arith.subf %parallel_loop3A_115, %parallel_loop3A_117 : vector<16xf32>
      %parallel_loop3A_119 = arith.index_cast %parallel_loop3A_113 : i32 to index
      %parallel_loop3A_120 = tpu.vector_load %arg13[%parallel_loop3A_119] {strides = array<i32>} : memref<16384xf32, #tpu.memory_space<vmem>>, vector<16xf32>,
      tpu.vector_store %arg13[%parallel_loop3A_119], %parallel_loop3A_118 {strides = array<i32>} : memref<16384xf32, #tpu.memory_space<vmem>>, vector<16xf32>,
      %parallel_loop3A_121 = arith.constant 80 : i32
      %parallel_loop3A_122 = arith.addi %parallel_loop3A_75, %parallel_loop3A_121 : i32
      %parallel_loop3A_123 = arith.index_cast %parallel_loop3A_122 : i32 to index
      %parallel_loop3A_124 = tpu.vector_load %arg12[%parallel_loop3A_123] {strides = array<i32>} : memref<16384xf32, #tpu.memory_space<vmem>>, vector<16xf32>,
      %parallel_loop3A_125 = arith.index_cast %parallel_loop3A_122 : i32 to index
      %parallel_loop3A_126 = tpu.vector_load %arg13[%parallel_loop3A_125] {strides = array<i32>} : memref<16384xf32, #tpu.memory_space<vmem>>, vector<16xf32>,
      %parallel_loop3A_127 = arith.subf %parallel_loop3A_124, %parallel_loop3A_126 : vector<16xf32>
      %parallel_loop3A_128 = arith.index_cast %parallel_loop3A_122 : i32 to index
      %parallel_loop3A_129 = tpu.vector_load %arg13[%parallel_loop3A_128] {strides = array<i32>} : memref<16384xf32, #tpu.memory_space<vmem>>, vector<16xf32>,
      tpu.vector_store %arg13[%parallel_loop3A_128], %parallel_loop3A_127 {strides = array<i32>} : memref<16384xf32, #tpu.memory_space<vmem>>, vector<16xf32>,
      %parallel_loop3A_130 = arith.constant 96 : i32
      %parallel_loop3A_131 = arith.addi %parallel_loop3A_75, %parallel_loop3A_130 : i32
      %parallel_loop3A_132 = arith.index_cast %parallel_loop3A_131 : i32 to index
      %parallel_loop3A_133 = tpu.vector_load %arg12[%parallel_loop3A_132] {strides = array<i32>} : memref<16384xf32, #tpu.memory_space<vmem>>, vector<16xf32>,
      %parallel_loop3A_134 = arith.index_cast %parallel_loop3A_131 : i32 to index
      %parallel_loop3A_135 = tpu.vector_load %arg13[%parallel_loop3A_134] {strides = array<i32>} : memref<16384xf32, #tpu.memory_space<vmem>>, vector<16xf32>,
      %parallel_loop3A_136 = arith.subf %parallel_loop3A_133, %parallel_loop3A_135 : vector<16xf32>
      %parallel_loop3A_137 = arith.index_cast %parallel_loop3A_131 : i32 to index
      %parallel_loop3A_138 = tpu.vector_load %arg13[%parallel_loop3A_137] {strides = array<i32>} : memref<16384xf32, #tpu.memory_space<vmem>>, vector<16xf32>,
      tpu.vector_store %arg13[%parallel_loop3A_137], %parallel_loop3A_136 {strides = array<i32>} : memref<16384xf32, #tpu.memory_space<vmem>>, vector<16xf32>,
      %parallel_loop3A_139 = arith.constant 112 : i32
      %parallel_loop3A_140 = arith.addi %parallel_loop3A_75, %parallel_loop3A_139 : i32
      %parallel_loop3A_141 = arith.index_cast %parallel_loop3A_140 : i32 to index
      %parallel_loop3A_142 = tpu.vector_load %arg12[%parallel_loop3A_141] {strides = array<i32>} : memref<16384xf32, #tpu.memory_space<vmem>>, vector<16xf32>,
      %parallel_loop3A_143 = arith.index_cast %parallel_loop3A_140 : i32 to index
      %parallel_loop3A_144 = tpu.vector_load %arg13[%parallel_loop3A_143] {strides = array<i32>} : memref<16384xf32, #tpu.memory_space<vmem>>, vector<16xf32>,
      %parallel_loop3A_145 = arith.subf %parallel_loop3A_142, %parallel_loop3A_144 : vector<16xf32>
      %parallel_loop3A_146 = arith.index_cast %parallel_loop3A_140 : i32 to index
      %parallel_loop3A_147 = tpu.vector_load %arg13[%parallel_loop3A_146] {strides = array<i32>} : memref<16384xf32, #tpu.memory_space<vmem>>, vector<16xf32>,
      tpu.vector_store %arg13[%parallel_loop3A_146], %parallel_loop3A_145 {strides = array<i32>} : memref<16384xf32, #tpu.memory_space<vmem>>, vector<16xf32>,
    } {sc.loop_unroll_factor = 2 : i64, sc.parallel_access}
    "tpu.region"() ({
      %run_scoped3A = tpu.sem_alloc : memref<!tpu.dma_semaphore, #tpu.memory_space<semaphore_mem>>
      %dma_start3A_73 = arith.constant 0 : i32
      %dma_start3A_74 = tpu.memref_slice %arg5[%add3A, %dma_start3A_73] : memref<32x16384xf32, #tpu.memory_space<hbm>> -> memref<1x16384xf32, #tpu.memory_space<hbm>>
      %dma_start3A_75 = tpu.memref_squeeze %dma_start3A_74 : memref<1x16384xf32, #tpu.memory_space<hbm>> -> memref<16384xf32, #tpu.memory_space<hbm>>
      %dma_start3A_76 = arith.constant 0 : i32
      %dma_start3A_77 = tpu.memref_slice %arg5[%add3A, %dma_start3A_76] : memref<32x16384xf32, #tpu.memory_space<hbm>> -> memref<1x16384xf32, #tpu.memory_space<hbm>>
      %dma_start3A_78 = tpu.memref_squeeze %dma_start3A_77 : memref<1x16384xf32, #tpu.memory_space<hbm>> -> memref<16384xf32, #tpu.memory_space<hbm>>
      tpu.enqueue_dma source(%arg13 : memref<16384xf32, #tpu.memory_space<vmem>>) target(%dma_start3A_78 : memref<16384xf32, #tpu.memory_space<hbm>>) target_semaphore(%run_scoped3A : memref<!tpu.dma_semaphore, #tpu.memory_space<semaphore_mem>>)
      %dma_wait3A_79 = arith.constant 0 : i32
      %dma_wait3A_80 = tpu.memref_slice %arg5[%add3A, %dma_wait3A_79] : memref<32x16384xf32, #tpu.memory_space<hbm>> -> memref<1x16384xf32, #tpu.memory_space<hbm>>
      %dma_wait3A_81 = tpu.memref_squeeze %dma_wait3A_80 : memref<1x16384xf32, #tpu.memory_space<hbm>> -> memref<16384xf32, #tpu.memory_space<hbm>>
      %dma_wait3A_82 = arith.constant 0 : i32
      %dma_wait3A_83 = tpu.memref_slice %arg5[%add3A, %dma_wait3A_82] : memref<32x16384xf32, #tpu.memory_space<hbm>> -> memref<1x16384xf32, #tpu.memory_space<hbm>>
      %dma_wait3A_84 = tpu.memref_squeeze %dma_wait3A_83 : memref<1x16384xf32, #tpu.memory_space<hbm>> -> memref<16384xf32, #tpu.memory_space<hbm>>
      tpu.wait_dma2 semaphore(%run_scoped3A : memref<!tpu.dma_semaphore, #tpu.memory_space<semaphore_mem>>) src(%arg13 : memref<16384xf32, #tpu.memory_space<vmem>>) dst(%dma_wait3A_84 : memref<16384xf32, #tpu.memory_space<hbm>>)
      tpu.yield
    }) : () -> ()
    return
  }
}

module attributes {stable_mosaic.version = 14 : i64} {
  func.func @_merge(%arg0: memref<32x16384xf32, #tpu.memory_space<vmem>>, %arg1: memref<1x16384xf32, #tpu.memory_space<vmem>>) attributes {dimension_semantics = [], scalar_prefetch = 0 : i64, scratch_operands = 0 : i64, tpu.core_type = #tpu.core_type<tc>} {
    %get3A = arith.constant 0 : index
    %get3A_0 = arith.constant 0 : index
    %get3A_1 = vector.load %arg0[%get3A, %get3A_0] : memref<32x16384xf32, #tpu.memory_space<vmem>>, vector<32x16384xf32>
    %reduce_sum3A = arith.constant dense<0.000000e+00> : vector<16384xf32>
    %reduce_sum3A_2 = vector.multi_reduction <add>, %get3A_1, %reduce_sum3A [0] : vector<32x16384xf32> to vector<16384xf32>
    %broadcast_in_dim3A = vector.shape_cast %reduce_sum3A_2 : vector<16384xf32> to vector<1x16384xf32>
    %swap3A = arith.constant 0 : index
    %swap3A_3 = arith.constant 0 : index
    %swap3A_4 = vector.load %arg1[%swap3A, %swap3A_3] : memref<1x16384xf32, #tpu.memory_space<vmem>>, vector<1x16384xf32>
    tpu.vector_store %arg1[%swap3A, %swap3A_3], %broadcast_in_dim3A {strides = array<i32>} : memref<1x16384xf32, #tpu.memory_space<vmem>>, vector<1x16384xf32>,
    return
  }
}

</mosaic_0001>

<sc_bundles>
// kernel: kernel.4.cloned.1.call-start
scs
__scs_entry_jumppad:
0x0: {  	(pc) =	sbr.rel $0x88, $3  }
0x1: {  	(tag) =	ssettag $0x0;
	lr =	simm.s32 $0x1  }
0x2: {  	[smem:$0x3F9E] =	sst lr;
	_ =	strace $0xD0000000  }
0x3: {  	_ = 	snop  }
0x4: {  	_ = 	snop  }
0x5: {  	_ = 	snop  }
0x6: {  	_ = 	snop  }
0x7: {  	_ = 	snop  }
__scs_overlays_trampoline_lowered:
0x8: {  	[smem:$0x3FAD] =	sst s0  }
0x9: {  	[smem:$0x3FAE] =	sst s1  }
0xa: {  	[smem:$0x3FAF] =	sst s2  }
0xb: {  	[smem:$0x3FB0] =	sst s3  }
0xc: {  	[smem:$0x3FB1] =	sst s4  }
0xd: {  	[smem:$0x3FB2] =	sst s5  }
0xe: {  	[smem:$0x3FB3] =	sst s6  }
0xf: {  	[smem:$0x3FB4] =	sst s7  }
0x10: {  	[smem:$0x3FB5] =	sst s8  }
0x11: {  	[smem:$0x3FB6] =	sst s9;
	s0 =	simm.s32 @!p0 $0x0  }
0x12: {  	s1 =	sld [smem:$0x3F9C];
	s0 =	simm.s32 @p0 $0x1  }
0x13: {  	[smem:$0x3FB7] =	sst s0;
	s0 =	simm.s32 @!p1 $0x0  }
0x14: {  	s2 =	sld [smem:$0x3F9B];
	s0 =	simm.s32 @p1 $0x1  }
0x15: {  	[smem:$0x3FB8] =	sst s0;
	s0 =	simm.s32 @!p2 $0x0  }
0x16: {  	s3 =	sld [smem:$0x3FDB];
	s0 =	simm.s32 @p2 $0x1  }
0x17: {  	s4 =	simm.s32 $0x1BF5;
	[smem:$0x3FBA] =	sst s0  }
0x18: {  	s0 =	sld [smem:$0x3F9D];
	_ =	swait.ge [sflag:s4], $0x0  }
0x19: {  	s7 =	sld [smem:$0x3F9E]  }
0x1a: {  	s8 =	sadd.s32 $0xFFFFE003, lr  }
0x1b: {  	s9 =	sadd.s32 $0xFFFFFEF7, lr;
	s5 =	simm.s32 $0xFFFFFFFF;
	p2 =	slt.u32 s8, $0xFFFFF086  }
0x1c: {  	p1 =	slt.u32 s9, $0xF7A;
	s5 =	simm.s32 @!p2 $0x0  }
0x1d: {  	s5 =	simm.s32 @p1 $0x1;
	p0 =	seq.s32 s7, s2  }
0x1e: {  	s7 =	smul.u32 @!p0 $0xF7A, s2;
	p2 =	seq.s32 @!p0 s5, $0x0  }
0x1f: {  	s9 =	smul.u32 $0xF7A, s1;
	s8 =	simm.s32 @!p0 $0x1BF5;
	p2 =	por !p2, p0  }
0x20: {  	[sflag:s8] =	ssyncset.s32 @!p0 $0xFFFFF086;
	s6 =	sadd.s32 @!p0 s3, s7;
	s7 =	simm.s32 @!p0 $0x108  }
0x21: {  	s3 =	sadd.s32 s3, s9;
	s6 =	sadd.s32 @!p0 $0x88, s6;
	s7 =	simm.s32 @p2 $0x1082  }
0x22: {  	[simem:s7], [sflag:s8] =	dma.local @!p0 [hbm:s6], $0xF7A  }
0x23: {  	s9 =	sor.u32 $0xD0000000, s2;
	s6 =	simm.s32 $0x108;
	_ =	swait.ge @!p0 [sflag:s8], $0x0  }
0x24: {  	s3 =	sadd.s32 $0x88, s3;
	s6 =	simm.s32 @!p1 $0x1082;
	[sflag:s4] =	ssyncset.s32 $0xFFFFF086  }
0x25: {  	[simem:s6], [sflag:s4] =	dma.local [hbm:s3], $0xF7A  }
0x26: {  	[smem:$0x3F9E] =	sst s1;
	(tag) =	ssettag s2;
	_ =	strace s9  }
0x27: {  	s1 =	sld [smem:$0x3FAE]  }
0x28: {  	s2 =	sld [smem:$0x3FAF]  }
0x29: {  	s4 =	sld [smem:$0x3FB1]  }
0x2a: {  	p0 =	seq.s32 s5, $0x0;
	s5 =	sld [smem:$0x3FB2]  }
0x2b: {  	s6 =	sld [smem:$0x3FB3]  }
0x2c: {  	s7 =	sld [smem:$0x3FB4]  }
0x2d: {  	s3 =	simm.s32 $0x108;
	s8 =	sld [smem:$0x3FB5]  }
0x2e: {  	s3 =	simm.s32 @!p0 $0x1082;
	s9 =	sld [smem:$0x3FB6]  }
0x2f: {  	lr =	sadd.s32 s0, s3;
	s0 =	sld [smem:$0x3FAD]  }
0x30: {  	s3 =	sld [smem:$0x3FB0]  }
0x31: {  	[smem:$0x3FB9] =	sst s10  }
0x32: {  	s10 =	sld [smem:$0x3FB7];
	_ =	sdelay $0x3  }
0x33: {  	p0 =	seq.s32 s10, $0x1;
	s10 =	sld [smem:$0x3FB9];
	_ =	sdelay $0x3  }
0x34: {  	[smem:$0x3FB9] =	sst s10  }
0x35: {  	s10 =	sld [smem:$0x3FB8];
	_ =	sdelay $0x3  }
0x36: {  	p1 =	seq.s32 s10, $0x1;
	s10 =	sld [smem:$0x3FB9];
	_ =	sdelay $0x3  }
0x37: {  	[smem:$0x3FB9] =	sst s10  }
0x38: {  	s10 =	sld [smem:$0x3FBA]  }
0x39: {  	_ = 	snop;
	(pc) =	sbr.ind lr, $3  }
0x3a: {  	_ = 	snop  }
0x3b: {  	_ = 	snop  }
0x3c: {  	p2 =	seq.s32 s10, $0x1;
	s10 =	sld [smem:$0x3FB9]  }
0x3d: {  	_ =	shalt  }
0x3e: {  	_ =	shalt  }
0x3f: {  	_ =	shalt  }
0x40: {  	_ =	shalt  }
0x41: {  	_ =	shalt  }
0x42: {  	_ =	shalt  }
0x43: {  	_ =	shalt  }
0x44: {  	_ =	shalt  }
0x45: {  	_ =	shalt  }
0x46: {  	_ =	shalt  }
0x47: {  	_ =	shalt  }
0x48: {  	_ =	shalt  }
0x49: {  	_ =	shalt  }
0x4a: {  	_ =	shalt  }
0x4b: {  	_ =	shalt  }
0x4c: {  	_ =	shalt  }
0x4d: {  	_ =	shalt  }
0x4e: {  	_ =	shalt  }
0x4f: {  	_ =	shalt  }
0x50: {  	_ =	shalt  }
0x51: {  	_ =	shalt  }
0x52: {  	_ =	shalt  }
0x53: {  	_ =	shalt  }
0x54: {  	_ =	shalt  }
0x55: {  	_ =	shalt  }
0x56: {  	_ =	shalt  }
0x57: {  	_ =	shalt  }
0x58: {  	_ =	shalt  }
0x59: {  	_ =	shalt  }
0x5a: {  	_ =	shalt  }
0x5b: {  	_ =	shalt  }
0x5c: {  	_ =	shalt  }
0x5d: {  	_ =	shalt  }
0x5e: {  	_ =	shalt  }
0x5f: {  	_ =	shalt  }
0x60: {  	_ =	shalt  }
0x61: {  	_ =	shalt  }
0x62: {  	_ =	shalt  }
0x63: {  	_ =	shalt  }
0x64: {  	_ =	shalt  }
0x65: {  	_ =	shalt  }
0x66: {  	_ =	shalt  }
0x67: {  	_ =	shalt  }
0x68: {  	_ =	shalt  }
0x69: {  	_ =	shalt  }
0x6a: {  	_ =	shalt  }
0x6b: {  	_ =	shalt  }
0x6c: {  	_ =	shalt  }
0x6d: {  	_ =	shalt  }
0x6e: {  	_ =	shalt  }
0x6f: {  	_ =	shalt  }
0x70: {  	_ =	shalt  }
0x71: {  	_ =	shalt  }
0x72: {  	_ =	shalt  }
0x73: {  	_ =	shalt  }
0x74: {  	_ =	shalt  }
0x75: {  	_ =	shalt  }
0x76: {  	_ =	shalt  }
0x77: {  	_ =	shalt  }
0x78: {  	_ =	shalt  }
0x79: {  	_ =	shalt  }
0x7a: {  	_ =	shalt  }
0x7b: {  	_ =	shalt  }
0x7c: {  	_ =	shalt  }
0x7d: {  	_ =	shalt  }
0x7e: {  	_ =	shalt  }
0x7f: {  	_ =	shalt  }
0x80: {  	_ =	shalt  }
0x81: {  	_ =	shalt  }
0x82: {  	_ =	shalt  }
0x83: {  	_ =	shalt  }
0x84: {  	_ =	shalt  }
0x85: {  	_ =	shalt  }
0x86: {  	_ =	shalt  }
0x87: {  	_ =	shalt  }
.Lfunc_end0:
.L_simem_size_0:
called_computation_lowered:
.L_overlay_start_0:
0x88: {  	s2 =	sld [smem:$0x3FD9]  }
0x89: {  	s3 =	sld [smem:$0x3FFE];
	_ =	sdelay $0x1  }
0x8a: {  	s1 =	srdreg.scid  }
0x8b: {  	s0 =	sand.u32 $0x1, s1  }
0x8c: {  	s17 =	sshll.u32 s0, $0xA;
	s2 =	sadd.s32 s3, s2  }
0x8d: {  	s2 =	sadd.s32 s2, s17  }
0x8e: {  	[smem:$0x3FC5] =	sst s2  }
0x8f: {  	_ = 	snop  }
0x90: {  	s2 =	sld [smem:$0x3FC9]  }
0x91: {  	s18 =	sld [smem:$0x3FC8]  }
0x92: {  	s4 =	sld [smem:$0x3FC7];
	(tm) =	ssettm $0x1  }
0x93: {  	s5 =	sld [smem:$0x3FFB];
	_ =	sdelay $0x3  }
0x94: {  	_ =	strace s5  }
0x95: {  	s5 =	sld [smem:$0x3FFC];
	_ =	sdelay $0x3  }
0x96: {  	_ =	strace s5  }
0x97: {  	s5 =	sld [smem:$0x3FFD];
	_ =	sdelay $0x3  }
0x98: {  	_ =	strace s5  }
0x99: {  	_ =	strace $0x8FFFFFFF  }
0x9a: {  	s19 =	sld [smem:$0x3FDB];
	_ =	sdelay $0x1  }
0x9b: {  	s6 =	simm.s32 $_scs_section_size  }
0x9c: {  	s7 =	simm.s32 $_size__tile_overlayer_lowered;
	s8 =	simm.s32 $_tile_overlayer_lowered  }
0x9d: {  	s22 =	simm.s32 $0x1BFF;
	s21 =	sshll.u32 s8, $0x1;
	s5 =	sadd.s32 s6, s19  }
0x9e: {  	s9 =	simm.s32 $0x0;
	s20 =	sshll.u32 s7, $0x1;
	s7 =	sadd.s32 s21, s5  }
0x9f: {  	[timem:s9], [sflag:s22] =	dma.local [hbm:s7], s20  }
0xa0: {  	_ =	swait.ge [sflag:s22], s20  }
0xa1: {  	s6 =	ssub.s32 $0x0, s20;
	[sflag:s22] =	ssyncset.done $0x0  }
0xa2: {  	[sflag:s22] =	ssyncadd.s32 s6;
	_ =	sdelay $0x1  }
0xa3: {  	s23 =	simm.s32 $0x1B8B  }
0xa4: {  	_ =	swait.ge [sflag:s23], $0x1  }
0xa5: {  	[sflag:s23] =	ssyncset.done $0x0  }
0xa6: {  	s25 =	simm.s32 $0x1B8E;
	s24 =	sld [smem:$0x3FFE];
	[sflag:s23] =	ssyncadd.s32 $0xFFFFFFFF  }
0xa7: {  	s26 =	simm.s32 $execute0_lowered;
	[smem:$0x3FD2] =	sst s25  }
0xa8: {  	s7 =	sshll.u32 s26, $0x1;
	_ =	strace $0x80000046;
	[dreg:$0x1] =	wrdreg $0xFFFFFFFF  }
0xa9: {  	s28 =	simm.s32 $_size_execute0_lowered;
	s5 =	sadd.s32 s5, s7;
	[dreg:$0x0] =	wrdreg $0x0  }
0xaa: {  	s7 =	sshll.u32 s28, $0x1;
	[dreg:$0x2] =	wrdreg s5  }
0xab: {  	[dreg:$0x3] =	wrdreg s7  }
0xac: {  	[dreg:$0x4] =	wrdreg $0xC0  }
0xad: {  	_ =	task [dreg:s9], $0x5FFFF  }
0xae: {  	[dreg:$0x1] =	wrdreg $0xFFFFFFFF  }
0xaf: {  	[dreg:$0x0] =	wrdreg $0x60  }
0xb0: {  	[dreg:$0x2] =	wrdreg s2  }
0xb1: {  	[dreg:$0x3] =	wrdreg s18  }
0xb2: {  	[dreg:$0x4] =	wrdreg s4  }
0xb3: {  	[dreg:$0x5] =	wrdreg s24  }
0xb4: {  	[dreg:$0x6] =	wrdreg $0x9  }
0xb5: {  	_ =	task.clear_ibuf [dreg:s9], $0x7FFFF;
	_ =	strace $0x90000046  }
0xb6: {  	s29 =	simm.s32 $0x9;
	_ =	strace $0x80000048  }
0xb7: {  	_ =	swait.ge [sflag:s29], $0x1  }
0xb8: {  	[sflag:s29] =	ssyncadd.s32 $0xFFFFFFFF  }
0xb9: {  	_ =	strace $0x90000048  }
0xba: {  	_ =	sfence  }
0xbb: {  	s30 =	sld [smem:$0x0];
	_ =	sdelay $0x2  }
0xbc: {  	s31 =	sshll.u32 s1, $0xD;
	s1 =	sshrl.u32 s1, $0x2  }
0xbd: {  	s3 =	sand.u32 $0x4000, s31;
	s1 =	sadd.s32 s1, s30  }
0xbe: {  	s0 =	sor.u32 s3, s0;
	s1 =	sshll.u32 s1, $0x11  }
0xbf: {  	s0 =	sor.u32 s1, s0  }
0xc0: {  	s0 =	sadd.s32 $0x8F2B, s0  }
0xc1: {  	[sflag:s0] =	ssyncadd.remote.s32 $0x1  }
0xc2: {  	_ =	sfence.sel $0xFFFF  }
0xc3: {  	[dreg:$0x0] =	wrdreg $0xFFFFFFFF;
	(pc) =	sbr.abs _section_cstart, $3  }
0xc4: {  	[dreg:$0x1] =	wrdreg $0xFFFFFFFF  }
0xc5: {  	_ =	task.clear_ibuf [dreg:s9], $0x2FFFF;
	_ =	strace $0x9FFFFFFF  }
0xc6: {  	(tm) =	ssettm $0x7FFFFFFF  }
0xc7: {  	_ =	shalt  }
tec
execute0_lowered:
.L_overlay_start_1:
0x0: {  	(tag) =	ssettag $0x1  }
0x1: {  	s2 =	rddreg [dreg:$0x1]  }
0x2: {  	s4 =	rddreg [dreg:$0x2]  }
0x3: {  	s7 =	stileid.u32;
	s0 =	srdreg.scid  }
0x4: {  	s1 =	rddreg [dreg:$0x3];
	s5 =	simm.s32 $0x0;
	s14 =	simm.s32 $0x800  }
0x5: {  	s15 =	simm.s32 $0x880;
	s16 =	simm.s32 $0x1880;
	s17 =	simm.s32 $0x1890  }
0x6: {  	s19 =	simm.s32 $0x2880;
	s20 =	simm.s32 $0x3880;
	s21 =	simm.s32 $0x3890  }
0x7: {  	s22 =	simm.s32 $0x1;
	s0 =	sand.u32 $0x1, s0;
	s3 =	sshll.u32 s7, $0x1  }
0x8: {  	[smem:$0x7FF] =	sst s5;
	s23 =	sshll.u32 s7, $0xC;
	s6 =	sor.u32 s0, s3  }
0x9: {  	_ =	strace $0x80000047;
	s3 =	sand.u32 $0xC000, s23;
	s0 =	ssub.s32 $0x2, s0  }
0xa: {  	s23 =	simm.s32 $0x8880;
	s24 =	smul.u32 $0x186A0, s6;
	s25 =	sshrl.u32 s0, $0x1  }
0xb: {  	s1 =	sadd.s32 s3, s1;
	s29 =	sshll.u32 s6, $0x4;
	s0 =	ssub.s32 s0, s25  }
0xc: {  	s31 =	sand.u32 $0x70, s29;
	s25 =	simm.s32 $0x2;
	s8 =	smax.u32 s24, $0x10  }
0xd: {  	s28 =	sshrl.u32 s24, $0x3;
	s10 =	sadd.s32 $0xFA0, s24;
	s0 =	smax.u32 s0, $0x1  }
0xe: {  	s1 =	sadd.s32 s31, s1;
	s9 =	sadd.s32 s2, s28;
	[dreg:$0x9] =	wrdreg s0  }
0xf: {  	s26 =	sadd.s32 $0xFFFFFFF0, s8;
	s30 =	sadd.s32 s4, s28;
	[dreg:$0x5] =	wrdreg s9  }
0x10: {  	s1 =	sadd.s32 $0x600, s1;
	s3 =	sshrl.u32 s26, $0x3;
	[dreg:$0x7] =	wrdreg s30  }
0x11: {  	s11 =	sadd.s32 $0x1F40, s24;
	[dreg:$0x8] =	wrdreg s1;
	s3 =	sadd.s32 s4, s3  }
0x12: {  	v0 =	vimm.f32 $0.0e+00;
	v1 =	vlaneseq.u32;
	s24 =	simm.s32 $0x4880;
	[dreg:$0x6] =	wrdreg s3;
	s3 =	simm.s32 $0x0  }
.LBB2_1:
0x13: {  	[dreg:$0xa] =	wrdreg s3  }
0x14: {  	s0 =	rddreg [dreg:$0x0];
	s1 =	simm.s32 $0x4900  }
0x15: {  	[tilespmem:s14], [sflag:$0x3] =	stream.linear.gather [hbm4b:s0+s5], $0x76, $0x38;
	[tilespmem:$0xC880] =	vst v63  }
0x16: {  	[tilespmem:s1+$0x0] =	vst v0  }
0x17: {  	s0 =	simm.s32 $0x8900;
	[tilespmem:s1+$0xFFFFFF80] =	vst v0  }
0x18: {  	[tilespmem:s0+$0x0] =	vst v0  }
0x19: {  	[tilespmem:s0+$0xFFFFFF80] =	vst v0  }
0x1a: {  	[tilespmem:s1+$0x10] =	vst v0  }
0x1b: {  	[tilespmem:s1+$0xFFFFFF90] =	vst v0  }
0x1c: {  	[tilespmem:s0+$0x10] =	vst v0  }
0x1d: {  	[tilespmem:s0+$0xFFFFFF90] =	vst v0  }
0x1e: {  	[tilespmem:s1+$0x20] =	vst v0  }
0x1f: {  	[tilespmem:s1+$0xFFFFFFA0] =	vst v0  }
0x20: {  	[tilespmem:s0+$0x20] =	vst v0  }
0x21: {  	[tilespmem:s0+$0xFFFFFFA0] =	vst v0  }
0x22: {  	[tilespmem:s1+$0x30] =	vst v0  }
0x23: {  	[tilespmem:s1+$0xFFFFFFB0] =	vst v0  }
0x24: {  	[tilespmem:s0+$0x30] =	vst v0  }
0x25: {  	[tilespmem:s0+$0xFFFFFFB0] =	vst v0  }
0x26: {  	[tilespmem:s1+$0x40] =	vst v0  }
0x27: {  	[tilespmem:s1+$0xFFFFFFC0] =	vst v0  }
0x28: {  	[tilespmem:s0+$0x40] =	vst v0  }
0x29: {  	[tilespmem:s0+$0xFFFFFFC0] =	vst v0  }
0x2a: {  	[tilespmem:s1+$0x50] =	vst v0  }
0x2b: {  	[tilespmem:s1+$0xFFFFFFD0] =	vst v0  }
0x2c: {  	[tilespmem:s0+$0x50] =	vst v0  }
0x2d: {  	[tilespmem:s0+$0xFFFFFFD0] =	vst v0  }
0x2e: {  	[tilespmem:s1+$0x60] =	vst v0  }
0x2f: {  	[tilespmem:s1+$0xFFFFFFE0] =	vst v0  }
0x30: {  	[tilespmem:s0+$0x60] =	vst v0  }
0x31: {  	[tilespmem:s0+$0xFFFFFFE0] =	vst v0  }
0x32: {  	[tilespmem:s1+$0x70] =	vst v0  }
0x33: {  	[tilespmem:s1+$0xFFFFFFF0] =	vst v0  }
0x34: {  	[tilespmem:s0+$0x70] =	vst v0  }
0x35: {  	s3 =	simm.s32 $0x4A00;
	s1 =	simm.s32 $0x0;
	[tilespmem:s0+$0xFFFFFFF0] =	vst v0  }
.LBB2_2:
0x36: {  	[tilespmem:s3+$0x0] =	vst v0;
	s0 =	sadd.s32 $0x100, s0  }
0x37: {  	[tilespmem:s0+$0x0] =	vst v0  }
0x38: {  	[tilespmem:s3+$0x10] =	vst v0  }
0x39: {  	[tilespmem:s0+$0x10] =	vst v0  }
0x3a: {  	[tilespmem:s3+$0x20] =	vst v0  }
0x3b: {  	[tilespmem:s0+$0x20] =	vst v0  }
0x3c: {  	[tilespmem:s3+$0x30] =	vst v0  }
0x3d: {  	[tilespmem:s0+$0x30] =	vst v0  }
0x3e: {  	[tilespmem:s3+$0x40] =	vst v0  }
0x3f: {  	[tilespmem:s0+$0x40] =	vst v0  }
0x40: {  	[tilespmem:s3+$0x50] =	vst v0  }
0x41: {  	[tilespmem:s0+$0x50] =	vst v0  }
0x42: {  	[tilespmem:s3+$0x60] =	vst v0  }
0x43: {  	[tilespmem:s0+$0x60] =	vst v0  }
0x44: {  	[tilespmem:s3+$0x70] =	vst v0  }
0x45: {  	[tilespmem:s0+$0x70] =	vst v0  }
0x46: {  	[tilespmem:s3+$0xFFFFFF80] =	vst v0  }
0x47: {  	[tilespmem:s0+$0xFFFFFF80] =	vst v0  }
0x48: {  	[tilespmem:s3+$0xFFFFFF90] =	vst v0  }
0x49: {  	[tilespmem:s0+$0xFFFFFF90] =	vst v0  }
0x4a: {  	[tilespmem:s3+$0xFFFFFFA0] =	vst v0  }
0x4b: {  	[tilespmem:s0+$0xFFFFFFA0] =	vst v0  }
0x4c: {  	[tilespmem:s3+$0xFFFFFFB0] =	vst v0  }
0x4d: {  	[tilespmem:s0+$0xFFFFFFB0] =	vst v0  }
0x4e: {  	[tilespmem:s3+$0xFFFFFFC0] =	vst v0  }
0x4f: {  	s1 =	sadd.s32 $0x2, s1;
	[tilespmem:s0+$0xFFFFFFC0] =	vst v0  }
0x50: {  	p0 =	slt.u32 s1, $0x7E;
	[tilespmem:s3+$0xFFFFFFD0] =	vst v0  }
.Ltmp0:
0x51: {  	[tilespmem:s0+$0xFFFFFFD0] =	vst v0;
	(pc) =	sbr.rel @p0 .LBB2_2-.Ltmp0, $4  }
0x52: {  	[tilespmem:s3+$0xFFFFFFE0] =	vst v0  }
0x53: {  	[tilespmem:s0+$0xFFFFFFE0] =	vst v0  }
0x54: {  	[tilespmem:s3+$0xFFFFFFF0] =	vst v0  }
0x55: {  	s3 =	sadd.s32 $0x100, s3;
	[tilespmem:s0+$0xFFFFFFF0] =	vst v0  }
0x56: {  	s0 =	simm.s32 $0x0;
	s1 =	rddreg [dreg:$0x5]  }
0x57: {  	[tilespmem:s15], [sflag:$0x1] =	stream.linear.gather [hbm4b:s1+s5], $0xFA0, $0x38;
	v2 =	vmov s0;
	[tilespmem:$0xC880] =	vst v63  }
0x58: {  	s9 =	rddreg [dreg:$0x6];
	v2 =	vand.u32 $0xFFFFFFF0, v2  }
0x59: {  	[tilespmem:s16], [sflag:$0x1] =	stream.linear.gather [hbm4b:s9+s5], $0x10, $0x38;
	v2 =	vbroadcast v2, $0x0;
	[tilespmem:$0xC880] =	vst v63  }
0x5a: {  	s12 =	rddreg [dreg:$0x7];
	s13 =	simm.s32 $0x3  }
0x5b: {  	[tilespmem:s17], [sflag:$0x1] =	stream.linear.gather [hbm4b:s12+s5], $0xFA0, $0x38;
	[tilespmem:$0xC880] =	vst v63  }
0x5c: {  	s18 =	simm.s32 $0x1;
	_ =	swait.ge [sflag:s13], $0x76  }
0x5d: {  	v3 =	vmov s18;
	[sflag:s13] =	ssyncset.done $0x0  }
0x5e: {  	v3 =	vand.u32 $0xFFFFFFF1, v3;
	[sflag:s13] =	ssyncadd.s32 $0xFFFFFF8A  }
0x5f: {  	v3 =	vbroadcast v3, $0x0;
	v2 =	vld.idx.msk [tilespmem:v2+s14+$0x0], $0xffff;
	_ =	sdelay $0x2  }
0x60: {  	s26 =	simm.s32 $0x2  }
0x61: {  	s3 =	simm.s32 $0x80;
	v4 =	vmov s26  }
0x62: {  	[tilespmem:s3+$0xFFFFFF80] =	vst v2;
	v2 =	vand.u32 $0xFFFFFFF2, v4  }
0x63: {  	v3 =	vld.idx.msk [tilespmem:v3+s14+$0x0], $0xffff;
	v2 =	vbroadcast v2, $0x0;
	_ =	sdelay $0x1  }
0x64: {  	s29 =	simm.s32 $0x10  }
0x65: {  	s1 =	simm.s32 $0x3;
	v4 =	vmov s29  }
0x66: {  	v5 =	vmov s1;
	v4 =	vand.u32 $0xFFFFFFF0, v4  }
0x67: {  	[tilespmem:s3+$0xFFFFFF90] =	vst v3;
	v3 =	vbroadcast v4, $0x0;
	v4 =	vand.u32 $0xFFFFFFF3, v5  }
0x68: {  	v2 =	vld.idx.msk [tilespmem:v2+s14+$0x0], $0xffff;
	v4 =	vbroadcast v4, $0x0;
	_ =	sdelay $0x1  }
0x69: {  	s7 =	simm.s32 $0x11  }
0x6a: {  	s8 =	simm.s32 $0x4;
	v5 =	vmov s7  }
0x6b: {  	v6 =	vmov s8;
	v5 =	vand.u32 $0xFFFFFFF1, v5  }
0x6c: {  	v3 =	vld.idx.msk [tilespmem:v3+s14+$0x0], $0xffff;
	[tilespmem:s3+$0xFFFFFFA0] =	vst v2;
	v2 =	vbroadcast v5, $0x0;
	v5 =	vand.u32 $0xFFFFFFF4, v6  }
0x6d: {  	v4 =	vld.idx.msk [tilespmem:v4+s14+$0x0], $0xffff;
	v5 =	vbroadcast v5, $0x0;
	_ =	sdelay $0x1  }
0x6e: {  	s9 =	simm.s32 $0x12  }
0x6f: {  	s31 =	simm.s32 $0x180;
	s12 =	simm.s32 $0x5;
	v6 =	vmov s9  }
0x70: {  	[tilespmem:s31+$0xFFFFFF80] =	vst v3;
	v3 =	vand.u32 $0xFFFFFFF2, v6;
	v6 =	vmov s12  }
0x71: {  	v2 =	vld.idx.msk [tilespmem:v2+s14+$0x0], $0xffff;
	[tilespmem:s3+$0xFFFFFFB0] =	vst v4;
	v3 =	vbroadcast v3, $0x0;
	v4 =	vand.u32 $0xFFFFFFF5, v6  }
0x72: {  	v5 =	vld.idx.msk [tilespmem:v5+s14+$0x0], $0xffff;
	v4 =	vbroadcast v4, $0x0  }
0x73: {  	s13 =	simm.s32 $0x20  }
0x74: {  	s18 =	simm.s32 $0x13;
	v6 =	vmov s13  }
0x75: {  	s26 =	simm.s32 $0x6;
	v7 =	vmov s18;
	v6 =	vand.u32 $0xFFFFFFF0, v6  }
0x76: {  	[tilespmem:s31+$0xFFFFFF90] =	vst v2;
	v2 =	vbroadcast v6, $0x0;
	v6 =	vand.u32 $0xFFFFFFF3, v7;
	v7 =	vmov s26  }
0x77: {  	v3 =	vld.idx.msk [tilespmem:v3+s14+$0x0], $0xffff;
	[tilespmem:s3+$0xFFFFFFC0] =	vst v5;
	v5 =	vbroadcast v6, $0x0;
	v6 =	vand.u32 $0xFFFFFFF6, v7  }
0x78: {  	v4 =	vld.idx.msk [tilespmem:v4+s14+$0x0], $0xffff;
	v6 =	vbroadcast v6, $0x0  }
0x79: {  	s29 =	simm.s32 $0x21  }
0x7a: {  	s1 =	simm.s32 $0x14;
	v7 =	vmov s29  }
0x7b: {  	v8 =	vmov s1;
	s7 =	simm.s32 $0x7;
	v7 =	vand.u32 $0xFFFFFFF1, v7  }
0x7c: {  	v2 =	vld.idx.msk [tilespmem:v2+s14+$0x0], $0xffff;
	[tilespmem:s31+$0xFFFFFFA0] =	vst v3;
	v3 =	vbroadcast v7, $0x0;
	v7 =	vand.u32 $0xFFFFFFF4, v8;
	v8 =	vmov s7  }
0x7d: {  	v5 =	vld.idx.msk [tilespmem:v5+s14+$0x0], $0xffff;
	[tilespmem:s3+$0xFFFFFFD0] =	vst v4;
	v4 =	vbroadcast v7, $0x0;
	v7 =	vand.u32 $0xFFFFFFF7, v8  }
0x7e: {  	v6 =	vld.idx.msk [tilespmem:v6+s14+$0x0], $0xffff;
	v7 =	vbroadcast v7, $0x0  }
0x7f: {  	s8 =	simm.s32 $0x22  }
0x80: {  	s0 =	simm.s32 $0x280;
	s9 =	simm.s32 $0x15;
	v8 =	vmov s8  }
0x81: {  	s12 =	simm.s32 $0x8;
	[tilespmem:s0+$0xFFFFFF80] =	vst v2;
	v2 =	vand.u32 $0xFFFFFFF2, v8;
	v8 =	vmov s9  }
0x82: {  	v3 =	vld.idx.msk [tilespmem:v3+s14+$0x0], $0xffff;
	[tilespmem:s31+$0xFFFFFFB0] =	vst v5;
	v2 =	vbroadcast v2, $0x0;
	v5 =	vand.u32 $0xFFFFFFF5, v8;
	v8 =	vmov s12  }
0x83: {  	v4 =	vld.idx.msk [tilespmem:v4+s14+$0x0], $0xffff;
	[tilespmem:s3+$0xFFFFFFE0] =	vst v6;
	v5 =	vbroadcast v5, $0x0;
	v6 =	vand.u32 $0xFFFFFFF8, v8  }
0x84: {  	s13 =	simm.s32 $0x30;
	v7 =	vld.idx.msk [tilespmem:v7+s14+$0x0], $0xffff;
	v6 =	vbroadcast v6, $0x0  }
0x85: {  	s18 =	simm.s32 $0x23;
	v8 =	vmov s13  }
0x86: {  	v9 =	vmov s18;
	s26 =	simm.s32 $0x16;
	v8 =	vand.u32 $0xFFFFFFF0, v8  }
0x87: {  	s29 =	simm.s32 $0x9;
	[tilespmem:s0+$0xFFFFFF90] =	vst v3;
	v3 =	vbroadcast v8, $0x0;
	v8 =	vand.u32 $0xFFFFFFF3, v9;
	v9 =	vmov s26  }
0x88: {  	v2 =	vld.idx.msk [tilespmem:v2+s14+$0x0], $0xffff;
	[tilespmem:s31+$0xFFFFFFC0] =	vst v4;
	v4 =	vbroadcast v8, $0x0;
	v8 =	vand.u32 $0xFFFFFFF6, v9;
	v9 =	vmov s29  }
0x89: {  	v5 =	vld.idx.msk [tilespmem:v5+s14+$0x0], $0xffff;
	[tilespmem:s3+$0xFFFFFFF0] =	vst v7;
	v7 =	vbroadcast v8, $0x0;
	v8 =	vand.u32 $0xFFFFFFF9, v9  }
0x8a: {  	s7 =	simm.s32 $0x31;
	v6 =	vld.idx.msk [tilespmem:v6+s14+$0x0], $0xffff;
	v8 =	vbroadcast v8, $0x0  }
0x8b: {  	s8 =	simm.s32 $0x24;
	v9 =	vmov s7  }
0x8c: {  	v10 =	vmov s8;
	s9 =	simm.s32 $0x17;
	v9 =	vand.u32 $0xFFFFFFF1, v9  }
0x8d: {  	s12 =	simm.s32 $0xA;
	v3 =	vld.idx.msk [tilespmem:v3+s14+$0x0], $0xffff;
	[tilespmem:s0+$0xFFFFFFA0] =	vst v2;
	v2 =	vbroadcast v9, $0x0;
	v9 =	vand.u32 $0xFFFFFFF4, v10;
	v10 =	vmov s9  }
0x8e: {  	v4 =	vld.idx.msk [tilespmem:v4+s14+$0x0], $0xffff;
	[tilespmem:s31+$0xFFFFFFD0] =	vst v5;
	v5 =	vbroadcast v9, $0x0;
	v9 =	vand.u32 $0xFFFFFFF7, v10;
	v10 =	vmov s12  }
0x8f: {  	v7 =	vld.idx.msk [tilespmem:v7+s14+$0x0], $0xffff;
	[tilespmem:s3+$0x0] =	vst v6;
	v6 =	vbroadcast v9, $0x0;
	v9 =	vand.u32 $0xFFFFFFFA, v10  }
0x90: {  	s7 =	simm.s32 $0x32;
	v8 =	vld.idx.msk [tilespmem:v8+s14+$0x0], $0xffff;
	v9 =	vbroadcast v9, $0x0  }
0x91: {  	s1 =	simm.s32 $0x380;
	s13 =	simm.s32 $0x25;
	v10 =	vmov s7  }
0x92: {  	s18 =	simm.s32 $0x18;
	[tilespmem:s1+$0xFFFFFF80] =	vst v3;
	v3 =	vand.u32 $0xFFFFFFF2, v10;
	v10 =	vmov s13  }
0x93: {  	s26 =	simm.s32 $0xB;
	v2 =	vld.idx.msk [tilespmem:v2+s14+$0x0], $0xffff;
	[tilespmem:s0+$0xFFFFFFB0] =	vst v4;
	v3 =	vbroadcast v3, $0x0;
	v4 =	vand.u32 $0xFFFFFFF5, v10;
	v10 =	vmov s18  }
0x94: {  	v5 =	vld.idx.msk [tilespmem:v5+s14+$0x0], $0xffff;
	[tilespmem:s31+$0xFFFFFFE0] =	vst v7;
	v4 =	vbroadcast v4, $0x0;
	v7 =	vand.u32 $0xFFFFFFF8, v10;
	v10 =	vmov s26  }
0x95: {  	s29 =	simm.s32 $0x40;
	v6 =	vld.idx.msk [tilespmem:v6+s14+$0x0], $0xffff;
	[tilespmem:s3+$0x10] =	vst v8;
	v7 =	vbroadcast v7, $0x0;
	v8 =	vand.u32 $0xFFFFFFFB, v10  }
0x96: {  	s8 =	simm.s32 $0x33;
	v10 =	vmov s29;
	v9 =	vld.idx.msk [tilespmem:v9+s14+$0x0], $0xffff;
	v8 =	vbroadcast v8, $0x0  }
0x97: {  	v11 =	vmov s8;
	s9 =	simm.s32 $0x26;
	v10 =	vand.u32 $0xFFFFFFF0, v10  }
0x98: {  	s12 =	simm.s32 $0x19;
	[tilespmem:s1+$0xFFFFFF90] =	vst v2;
	v2 =	vbroadcast v10, $0x0;
	v10 =	vand.u32 $0xFFFFFFF3, v11;
	v11 =	vmov s9  }
0x99: {  	s13 =	simm.s32 $0xC;
	v3 =	vld.idx.msk [tilespmem:v3+s14+$0x0], $0xffff;
	[tilespmem:s0+$0xFFFFFFC0] =	vst v5;
	v5 =	vbroadcast v10, $0x0;
	v10 =	vand.u32 $0xFFFFFFF6, v11;
	v11 =	vmov s12  }
0x9a: {  	v4 =	vld.idx.msk [tilespmem:v4+s14+$0x0], $0xffff;
	[tilespmem:s31+$0xFFFFFFF0] =	vst v6;
	v6 =	vbroadcast v10, $0x0;
	v10 =	vand.u32 $0xFFFFFFF9, v11;
	v11 =	vmov s13  }
0x9b: {  	s18 =	simm.s32 $0x41;
	v7 =	vld.idx.msk [tilespmem:v7+s14+$0x0], $0xffff;
	[tilespmem:s3+$0x20] =	vst v9;
	v9 =	vbroadcast v10, $0x0;
	v10 =	vand.u32 $0xFFFFFFFC, v11  }
0x9c: {  	s26 =	simm.s32 $0x34;
	v11 =	vmov s18;
	v8 =	vld.idx.msk [tilespmem:v8+s14+$0x0], $0xffff;
	v10 =	vbroadcast v10, $0x0  }
0x9d: {  	v12 =	vmov s26;
	s29 =	simm.s32 $0x27;
	v11 =	vand.u32 $0xFFFFFFF1, v11  }
0x9e: {  	s8 =	simm.s32 $0x1A;
	v59 =	vmov s29;
	v2 =	vld.idx.msk [tilespmem:v2+s14+$0x0], $0xffff;
	[tilespmem:s1+$0xFFFFFFA0] =	vst v3;
	v3 =	vbroadcast v11, $0x0;
	v11 =	vand.u32 $0xFFFFFFF4, v12  }
0x9f: {  	v60 =	vmov s8;
	s9 =	simm.s32 $0xD;
	v5 =	vld.idx.msk [tilespmem:v5+s14+$0x0], $0xffff;
	[tilespmem:s0+$0xFFFFFFD0] =	vst v4;
	v4 =	vbroadcast v11, $0x0;
	v11 =	vand.u32 $0xFFFFFFF7, v59  }
0xa0: {  	v61 =	vmov s9;
	v6 =	vld.idx.msk [tilespmem:v6+s14+$0x0], $0xffff;
	[tilespmem:s31+$0x0] =	vst v7;
	v7 =	vbroadcast v11, $0x0;
	v11 =	vand.u32 $0xFFFFFFFA, v60  }
0xa1: {  	[tilespmem:s3+$0x30] =	vst v8;
	v13 =	vld.idx.msk [tilespmem:v9+s14+$0x0], $0xffff;
	v14 =	vbroadcast v11, $0x0;
	v8 =	vand.u32 $0xFFFFFFFD, v61  }
0xa2: {  	s26 =	simm.s32 $0x480;
	s12 =	simm.s32 $0x42;
	v62 =	vld.idx.msk [tilespmem:v10+s14+$0x0], $0xffff;
	v15 =	vbroadcast v8, $0x0  }
0xa3: {  	s13 =	simm.s32 $0x35;
	[tilespmem:s26+$0xFFFFFF80] =	vst v2;
	v2 =	vmov s12  }
0xa4: {  	s18 =	simm.s32 $0x28;
	v10 =	vld.idx.msk [tilespmem:v3+s14+$0x0], $0xffff;
	v2 =	vand.u32 $0xFFFFFFF2, v2;
	[tilespmem:s1+$0xFFFFFFB0] =	vst v5;
	v3 =	vmov s13  }
0xa5: {  	s8 =	simm.s32 $0x1B;
	v11 =	vbroadcast v2, $0x0;
	v8 =	vld.idx.msk [tilespmem:v4+s14+$0x0], $0xffff;
	v2 =	vand.u32 $0xFFFFFFF5, v3;
	[tilespmem:s0+$0xFFFFFFE0] =	vst v6;
	v3 =	vmov s18  }
0xa6: {  	s28 =	simm.s32 $0x1F;
	s30 =	simm.s32 $0x50;
	s29 =	simm.s32 $0xE;
	v9 =	vbroadcast v2, $0x0;
	v6 =	vld.idx.msk [tilespmem:v7+s14+$0x0], $0xffff;
	[tilespmem:s31+$0x10] =	vst v13;
	v2 =	vmov s8;
	v3 =	vand.u32 $0xFFFFFFF8, v3  }
0xa7: {  	s7 =	simm.s32 $0x5F;
	v63 =	vmov s29;
	s9 =	simm.s32 $0xF;
	s12 =	simm.s32 $0x4F;
	v4 =	vld.idx.msk [tilespmem:v14+s14+$0x0], $0xffff;
	v2 =	vand.u32 $0xFFFFFFFB, v2;
	[tilespmem:s3+$0x40] =	vst v62;
	v7 =	vbroadcast v3, $0x0  }
0xa8: {  	s13 =	simm.s32 $0x2F;
	s18 =	simm.s32 $0x6F;
	s8 =	simm.s32 $0x3F;
	v3 =	vand.u32 $0xFFFFFFFE, v63;
	v5 =	vbroadcast v2, $0x0;
	v2 =	vld.idx.msk [tilespmem:v15+s14+$0x0], $0xffff  }
.LBB2_4:
0xa9: {  	p0 =	sne.s32 s18, $0x7F;
	v12 =	vmov s30;
	s30 =	sadd.s32 $0xFFFFFFF4, s12;
	v3 =	vbroadcast v3, $0x0;
	s29 =	smov.u32 s31  }
0xaa: {  	s31 =	smov.u32 s0;
	s0 =	smov.u32 s1;
	v12 =	vand.u32 $0xFFFFFFF0, v12;
	[tilespmem:s26+$0xFFFFFF90] =	vst v10;
	v10 =	vmov s30;
	s30 =	sadd.s32 $0xFFFFFFF7, s8  }
0xab: {  	s1 =	smov.u32 s26;
	v12 =	vbroadcast v12, $0x0;
	v11 =	vld.idx.msk [tilespmem:v11+s14+$0x0], $0xffff;
	v10 =	vand.u32 $0xFFFFFFF3, v10;
	[tilespmem:s0+$0xFFFFFFC0] =	vst v8;
	v8 =	vmov s30;
	s30 =	sadd.s32 $0xFFFFFFFA, s13  }
0xac: {  	v10 =	vbroadcast v10, $0x0;
	v9 =	vld.idx.msk [tilespmem:v9+s14+$0x0], $0xffff;
	v8 =	vand.u32 $0xFFFFFFF6, v8;
	[tilespmem:s31+$0xFFFFFFF0] =	vst v6;
	v6 =	vmov s30;
	s30 =	sadd.s32 $0xFFFFFFFD, s28  }
0xad: {  	v8 =	vbroadcast v8, $0x0;
	v7 =	vld.idx.msk [tilespmem:v7+s14+$0x0], $0xffff;
	v6 =	vand.u32 $0xFFFFFFF9, v6;
	[tilespmem:s29+$0x20] =	vst v4;
	v4 =	vmov s30  }
0xae: {  	v6 =	vbroadcast v6, $0x0;
	v5 =	vld.idx.msk [tilespmem:v5+s14+$0x0], $0xffff;
	v4 =	vand.u32 $0xFFFFFFFC, v4;
	[tilespmem:s3+$0x50] =	vst v2  }
0xaf: {  	s30 =	sadd.s32 $0xFFFFFFF2, s7;
	v2 =	vbroadcast v4, $0x0;
	v3 =	vld.idx.msk [tilespmem:v3+s14+$0x0], $0xffff  }
0xb0: {  	v4 =	vmov s30;
	s30 =	sadd.s32 $0xFFFFFFF5, s12  }
0xb1: {  	v13 =	vmov s9;
	s9 =	smov.u32 s28;
	s28 =	smov.u32 s13;
	v4 =	vand.u32 $0xFFFFFFF1, v4;
	v12 =	vld.idx.msk [tilespmem:v12+s14+$0x0], $0xffff;
	[tilespmem:s26+$0xFFFFFFA0] =	vst v11;
	v11 =	vmov s30;
	s30 =	sadd.s32 $0xFFFFFFF8, s8  }
0xb2: {  	s13 =	smov.u32 s8;
	v4 =	vbroadcast v4, $0x0;
	s8 =	smov.u32 s12;
	v14 =	vld.idx.msk [tilespmem:v10+s14+$0x0], $0xffff;
	v10 =	vand.u32 $0xFFFFFFF4, v11;
	[tilespmem:s0+$0xFFFFFFD0] =	vst v9;
	v9 =	vmov s30;
	s30 =	sadd.s32 $0xFFFFFFFB, s28  }
0xb3: {  	s12 =	smov.u32 s7;
	s7 =	smov.u32 s18;
	v15 =	vbroadcast v10, $0x0;
	v16 =	vld.idx.msk [tilespmem:v8+s14+$0x0], $0xffff;
	v8 =	vand.u32 $0xFFFFFFF7, v9;
	[tilespmem:s31+$0x0] =	vst v7;
	v7 =	vmov s30;
	s30 =	sadd.s32 $0xFFFFFFFE, s9  }
0xb4: {  	v17 =	vbroadcast v8, $0x0;
	v18 =	vld.idx.msk [tilespmem:v6+s14+$0x0], $0xffff;
	v6 =	vand.u32 $0xFFFFFFFA, v7;
	[tilespmem:s29+$0x30] =	vst v5;
	v5 =	vmov s30  }
0xb5: {  	v19 =	vbroadcast v6, $0x0;
	v2 =	vld.idx.msk [tilespmem:v2+s14+$0x0], $0xffff;
	v5 =	vand.u32 $0xFFFFFFFD, v5;
	[tilespmem:s3+$0x60] =	vst v3  }
0xb6: {  	s26 =	sadd.s32 $0x100, s26;
	s30 =	sadd.s32 $0xFFFFFFF3, s12;
	v3 =	vbroadcast v5, $0x0;
	v13 =	vld.idx.msk [tilespmem:v13+s14+$0x0], $0xffff  }
0xb7: {  	v5 =	vmov s30;
	s30 =	sadd.s32 $0xFFFFFFF6, s8;
	[tilespmem:s26+$0xFFFFFF80] =	vst v12  }
.Ltmp1:
0xb8: {  	v10 =	vld.idx.msk [tilespmem:v4+s14+$0x0], $0xffff;
	v4 =	vand.u32 $0xFFFFFFF2, v5;
	[tilespmem:s1+$0xFFFFFFB0] =	vst v14;
	v5 =	vmov s30;
	s30 =	sadd.s32 $0xFFFFFFF9, s13;
	(pc) =	sbr.rel @p0 .LBB2_4-.Ltmp1, $4  }
0xb9: {  	v11 =	vbroadcast v4, $0x0;
	v8 =	vld.idx.msk [tilespmem:v15+s14+$0x0], $0xffff;
	v4 =	vand.u32 $0xFFFFFFF5, v5;
	[tilespmem:s0+$0xFFFFFFE0] =	vst v16;
	v5 =	vmov s30;
	s30 =	sadd.s32 $0xFFFFFFFC, s28  }
0xba: {  	v9 =	vbroadcast v4, $0x0;
	v6 =	vld.idx.msk [tilespmem:v17+s14+$0x0], $0xffff;
	v4 =	vand.u32 $0xFFFFFFF8, v5;
	[tilespmem:s31+$0x10] =	vst v18;
	v5 =	vmov s30;
	s30 =	sadd.s32 $0xFFFFFFFF, s9  }
0xbb: {  	v7 =	vbroadcast v4, $0x0;
	v4 =	vld.idx.msk [tilespmem:v19+s14+$0x0], $0xffff;
	v5 =	vand.u32 $0xFFFFFFFB, v5;
	[tilespmem:s29+$0x40] =	vst v2;
	v12 =	vmov s30  }
0xbc: {  	s18 =	sadd.s32 $0x10, s18;
	s30 =	sadd.s32 $0xFFFFFFF1, s7;
	v5 =	vbroadcast v5, $0x0;
	v2 =	vld.idx.msk [tilespmem:v3+s14+$0x0], $0xffff;
	v3 =	vand.u32 $0xFFFFFFFE, v12;
	[tilespmem:s3+$0x70] =	vst v13;
	s3 =	smov.u32 s29  }
0xbd: {  	v12 =	vmov s30  }
0xbe: {  	v12 =	vand.u32 $0xFFFFFFF0, v12  }
0xbf: {  	v12 =	vbroadcast v12, $0x0;
	_ =	sdelay $0x2  }
0xc0: {  	s18 =	sadd.s32 $0xFFFFFFF2, s7  }
0xc1: {  	v13 =	vmov s18  }
0xc2: {  	v13 =	vand.u32 $0xFFFFFFF1, v13  }
0xc3: {  	v13 =	vbroadcast v13, $0x0;
	v12 =	vld.idx.msk [tilespmem:v12+s14+$0x0], $0xffff;
	_ =	sdelay $0x2  }
0xc4: {  	s29 =	sadd.s32 $0xFFFFFFF3, s7  }
0xc5: {  	s18 =	sadd.s32 $0x100, s26;
	v14 =	vmov s29  }
0xc6: {  	v23 =	vand.u32 $0xFFFFFFF2, v14;
	[tilespmem:s18+$0xFFFFFF80] =	vst v12  }
0xc7: {  	v12 =	vbroadcast v23, $0x0;
	v13 =	vld.idx.msk [tilespmem:v13+s14+$0x0], $0xffff;
	_ =	sdelay $0x1  }
0xc8: {  	s30 =	sadd.s32 $0xFFFFFFF4, s12  }
0xc9: {  	v24 =	vmov s30;
	s30 =	sadd.s32 $0xFFFFFFF4, s7  }
0xca: {  	[tilespmem:s26+$0xFFFFFF90] =	vst v10;
	v25 =	vand.u32 $0xFFFFFFF3, v24;
	v26 =	vmov s30  }
0xcb: {  	v11 =	vld.idx.msk [tilespmem:v11+s14+$0x0], $0xffff;
	v10 =	vbroadcast v25, $0x0;
	v27 =	vand.u32 $0xFFFFFFF3, v26;
	[tilespmem:s18+$0xFFFFFF90] =	vst v13  }
0xcc: {  	v13 =	vbroadcast v27, $0x0;
	v12 =	vld.idx.msk [tilespmem:v12+s14+$0x0], $0xffff;
	_ =	sdelay $0x1  }
0xcd: {  	s30 =	sadd.s32 $0xFFFFFFF5, s12  }
0xce: {  	v28 =	vmov s30;
	s30 =	sadd.s32 $0xFFFFFFF5, s7  }
0xcf: {  	v29 =	vand.u32 $0xFFFFFFF4, v28;
	v30 =	vmov s30;
	[tilespmem:s26+$0xFFFFFFA0] =	vst v11  }
0xd0: {  	v31 =	vand.u32 $0xFFFFFFF4, v30;
	v11 =	vbroadcast v29, $0x0;
	v10 =	vld.idx.msk [tilespmem:v10+s14+$0x0], $0xffff;
	[tilespmem:s18+$0xFFFFFFA0] =	vst v12  }
0xd1: {  	v12 =	vbroadcast v31, $0x0;
	v13 =	vld.idx.msk [tilespmem:v13+s14+$0x0], $0xffff;
	_ =	sdelay $0x1  }
0xd2: {  	s30 =	sadd.s32 $0xFFFFFFF6, s12  }
0xd3: {  	v32 =	vmov s30;
	s30 =	sadd.s32 $0xFFFFFFF6, s7  }
0xd4: {  	v33 =	vand.u32 $0xFFFFFFF5, v32;
	v34 =	vmov s30;
	[tilespmem:s26+$0xFFFFFFB0] =	vst v10  }
0xd5: {  	v35 =	vand.u32 $0xFFFFFFF5, v34;
	v10 =	vbroadcast v33, $0x0;
	v11 =	vld.idx.msk [tilespmem:v11+s14+$0x0], $0xffff;
	[tilespmem:s18+$0xFFFFFFB0] =	vst v13  }
0xd6: {  	v13 =	vbroadcast v35, $0x0;
	v12 =	vld.idx.msk [tilespmem:v12+s14+$0x0], $0xffff  }
0xd7: {  	s30 =	sadd.s32 $0xFFFFFFF7, s8  }
0xd8: {  	v36 =	vmov s30;
	s30 =	sadd.s32 $0xFFFFFFF7, s12  }
0xd9: {  	[tilespmem:s1+$0xFFFFFFC0] =	vst v8;
	v37 =	vand.u32 $0xFFFFFFF6, v36;
	v38 =	vmov s30;
	s30 =	sadd.s32 $0xFFFFFFF7, s7  }
0xda: {  	v9 =	vld.idx.msk [tilespmem:v9+s14+$0x0], $0xffff;
	v8 =	vbroadcast v37, $0x0;
	v39 =	vand.u32 $0xFFFFFFF6, v38;
	v40 =	vmov s30;
	[tilespmem:s26+$0xFFFFFFC0] =	vst v11  }
0xdb: {  	v41 =	vand.u32 $0xFFFFFFF6, v40;
	v11 =	vbroadcast v39, $0x0;
	v10 =	vld.idx.msk [tilespmem:v10+s14+$0x0], $0xffff;
	[tilespmem:s18+$0xFFFFFFC0] =	vst v12  }
0xdc: {  	v12 =	vbroadcast v41, $0x0;
	v13 =	vld.idx.msk [tilespmem:v13+s14+$0x0], $0xffff  }
0xdd: {  	s30 =	sadd.s32 $0xFFFFFFF8, s8  }
0xde: {  	v42 =	vmov s30;
	s30 =	sadd.s32 $0xFFFFFFF8, s12  }
0xdf: {  	[tilespmem:s1+$0xFFFFFFD0] =	vst v9;
	v43 =	vand.u32 $0xFFFFFFF7, v42;
	v44 =	vmov s30;
	s30 =	sadd.s32 $0xFFFFFFF8, s7  }
0xe0: {  	v9 =	vbroadcast v43, $0x0;
	v45 =	vand.u32 $0xFFFFFFF7, v44;
	v46 =	vmov s30;
	v8 =	vld.idx.msk [tilespmem:v8+s14+$0x0], $0xffff;
	[tilespmem:s26+$0xFFFFFFD0] =	vst v10  }
0xe1: {  	v47 =	vand.u32 $0xFFFFFFF7, v46;
	v10 =	vbroadcast v45, $0x0;
	v11 =	vld.idx.msk [tilespmem:v11+s14+$0x0], $0xffff;
	[tilespmem:s18+$0xFFFFFFD0] =	vst v13  }
0xe2: {  	v13 =	vbroadcast v47, $0x0;
	v12 =	vld.idx.msk [tilespmem:v12+s14+$0x0], $0xffff  }
0xe3: {  	s30 =	sadd.s32 $0xFFFFFFF9, s8  }
0xe4: {  	v48 =	vmov s30;
	s30 =	sadd.s32 $0xFFFFFFF9, s12  }
0xe5: {  	v49 =	vand.u32 $0xFFFFFFF8, v48;
	v50 =	vmov s30;
	s30 =	sadd.s32 $0xFFFFFFF9, s7;
	[tilespmem:s1+$0xFFFFFFE0] =	vst v8  }
0xe6: {  	v51 =	vand.u32 $0xFFFFFFF8, v50;
	v52 =	vmov s30;
	v8 =	vbroadcast v49, $0x0;
	v9 =	vld.idx.msk [tilespmem:v9+s14+$0x0], $0xffff;
	[tilespmem:s26+$0xFFFFFFE0] =	vst v11  }
0xe7: {  	v53 =	vand.u32 $0xFFFFFFF8, v52;
	v11 =	vbroadcast v51, $0x0;
	v10 =	vld.idx.msk [tilespmem:v10+s14+$0x0], $0xffff;
	[tilespmem:s18+$0xFFFFFFE0] =	vst v12  }
0xe8: {  	s30 =	sadd.s32 $0xFFFFFFFA, s13;
	v12 =	vbroadcast v53, $0x0;
	v13 =	vld.idx.msk [tilespmem:v13+s14+$0x0], $0xffff  }
0xe9: {  	v54 =	vmov s30;
	s30 =	sadd.s32 $0xFFFFFFFA, s8  }
0xea: {  	[tilespmem:s0+$0xFFFFFFF0] =	vst v6;
	v55 =	vand.u32 $0xFFFFFFF9, v54;
	v56 =	vmov s30;
	s30 =	sadd.s32 $0xFFFFFFFA, s12  }
0xeb: {  	v7 =	vld.idx.msk [tilespmem:v7+s14+$0x0], $0xffff;
	v6 =	vbroadcast v55, $0x0;
	v57 =	vand.u32 $0xFFFFFFF9, v56;
	v58 =	vmov s30;
	s30 =	sadd.s32 $0xFFFFFFFA, s7;
	[tilespmem:s1+$0xFFFFFFF0] =	vst v9  }
0xec: {  	v59 =	vand.u32 $0xFFFFFFF9, v58;
	v60 =	vmov s30;
	v9 =	vbroadcast v57, $0x0;
	v8 =	vld.idx.msk [tilespmem:v8+s14+$0x0], $0xffff;
	[tilespmem:s26+$0xFFFFFFF0] =	vst v10  }
0xed: {  	v61 =	vand.u32 $0xFFFFFFF9, v60;
	v10 =	vbroadcast v59, $0x0;
	v11 =	vld.idx.msk [tilespmem:v11+s14+$0x0], $0xffff;
	[tilespmem:s18+$0xFFFFFFF0] =	vst v13  }
0xee: {  	s30 =	sadd.s32 $0xFFFFFFFB, s13;
	v13 =	vbroadcast v61, $0x0;
	v12 =	vld.idx.msk [tilespmem:v12+s14+$0x0], $0xffff  }
0xef: {  	v62 =	vmov s30;
	s30 =	sadd.s32 $0xFFFFFFFB, s8  }
0xf0: {  	[tilespmem:s0+$0x0] =	vst v7;
	v63 =	vand.u32 $0xFFFFFFFA, v62;
	v16 =	vmov s30;
	s30 =	sadd.s32 $0xFFFFFFFB, s12  }
0xf1: {  	v7 =	vbroadcast v63, $0x0;
	v17 =	vand.u32 $0xFFFFFFFA, v16;
	v18 =	vmov s30;
	s30 =	sadd.s32 $0xFFFFFFFB, s7;
	v6 =	vld.idx.msk [tilespmem:v6+s14+$0x0], $0xffff;
	[tilespmem:s1+$0x0] =	vst v8  }
0xf2: {  	v19 =	vand.u32 $0xFFFFFFFA, v18;
	v20 =	vmov s30;
	v8 =	vbroadcast v17, $0x0;
	v9 =	vld.idx.msk [tilespmem:v9+s14+$0x0], $0xffff;
	[tilespmem:s26+$0x0] =	vst v11  }
0xf3: {  	v21 =	vand.u32 $0xFFFFFFFA, v20;
	v11 =	vbroadcast v19, $0x0;
	v10 =	vld.idx.msk [tilespmem:v10+s14+$0x0], $0xffff;
	[tilespmem:s18+$0x0] =	vst v12  }
0xf4: {  	s30 =	sadd.s32 $0xFFFFFFFC, s13;
	v12 =	vbroadcast v21, $0x0;
	v13 =	vld.idx.msk [tilespmem:v13+s14+$0x0], $0xffff  }
0xf5: {  	v22 =	vmov s30;
	s30 =	sadd.s32 $0xFFFFFFFC, s8  }
0xf6: {  	v23 =	vand.u32 $0xFFFFFFFB, v22;
	v24 =	vmov s30;
	s30 =	sadd.s32 $0xFFFFFFFC, s12;
	[tilespmem:s0+$0x10] =	vst v6  }
0xf7: {  	v25 =	vand.u32 $0xFFFFFFFB, v24;
	v26 =	vmov s30;
	s30 =	sadd.s32 $0xFFFFFFFC, s7;
	v6 =	vbroadcast v23, $0x0;
	v7 =	vld.idx.msk [tilespmem:v7+s14+$0x0], $0xffff;
	[tilespmem:s1+$0x10] =	vst v9  }
0xf8: {  	v27 =	vand.u32 $0xFFFFFFFB, v26;
	v28 =	vmov s30;
	v9 =	vbroadcast v25, $0x0;
	v8 =	vld.idx.msk [tilespmem:v8+s14+$0x0], $0xffff;
	[tilespmem:s26+$0x10] =	vst v10  }
0xf9: {  	s30 =	sadd.s32 $0xFFFFFFFD, s28;
	v29 =	vand.u32 $0xFFFFFFFB, v28;
	v10 =	vbroadcast v27, $0x0;
	v11 =	vld.idx.msk [tilespmem:v11+s14+$0x0], $0xffff;
	[tilespmem:s18+$0x10] =	vst v13  }
0xfa: {  	v30 =	vmov s30;
	s30 =	sadd.s32 $0xFFFFFFFD, s13;
	v13 =	vbroadcast v29, $0x0;
	v12 =	vld.idx.msk [tilespmem:v12+s14+$0x0], $0xffff  }
0xfb: {  	[tilespmem:s31+$0x20] =	vst v4;
	v31 =	vand.u32 $0xFFFFFFFC, v30;
	v32 =	vmov s30;
	s30 =	sadd.s32 $0xFFFFFFFD, s8  }
0xfc: {  	v5 =	vld.idx.msk [tilespmem:v5+s14+$0x0], $0xffff;
	v4 =	vbroadcast v31, $0x0;
	v33 =	vand.u32 $0xFFFFFFFC, v32;
	v34 =	vmov s30;
	s30 =	sadd.s32 $0xFFFFFFFD, s12;
	[tilespmem:s0+$0x20] =	vst v7  }
0xfd: {  	v35 =	vand.u32 $0xFFFFFFFC, v34;
	v36 =	vmov s30;
	s30 =	sadd.s32 $0xFFFFFFFD, s7;
	v7 =	vbroadcast v33, $0x0;
	v6 =	vld.idx.msk [tilespmem:v6+s14+$0x0], $0xffff;
	[tilespmem:s1+$0x20] =	vst v8  }
0xfe: {  	v37 =	vand.u32 $0xFFFFFFFC, v36;
	v38 =	vmov s30;
	v8 =	vbroadcast v35, $0x0;
	v9 =	vld.idx.msk [tilespmem:v9+s14+$0x0], $0xffff;
	[tilespmem:s26+$0x20] =	vst v11  }
0xff: {  	s30 =	sadd.s32 $0xFFFFFFFE, s28;
	v39 =	vand.u32 $0xFFFFFFFC, v38;
	v11 =	vbroadcast v37, $0x0;
	v10 =	vld.idx.msk [tilespmem:v10+s14+$0x0], $0xffff;
	[tilespmem:s18+$0x20] =	vst v12  }
0x100: {  	v40 =	vmov s30;
	s30 =	sadd.s32 $0xFFFFFFFE, s13;
	v12 =	vbroadcast v39, $0x0;
	v13 =	vld.idx.msk [tilespmem:v13+s14+$0x0], $0xffff  }
0x101: {  	[tilespmem:s31+$0x30] =	vst v5;
	v42 =	vmov s30;
	s30 =	sadd.s32 $0xFFFFFFFE, s8;
	v41 =	vand.u32 $0xFFFFFFFD, v40  }
0x102: {  	v43 =	vand.u32 $0xFFFFFFFD, v42;
	v44 =	vmov s30;
	s30 =	sadd.s32 $0xFFFFFFFE, s12;
	v4 =	vld.idx.msk [tilespmem:v4+s14+$0x0], $0xffff;
	v5 =	vbroadcast v41, $0x0;
	[tilespmem:s0+$0x30] =	vst v6  }
0x103: {  	v45 =	vand.u32 $0xFFFFFFFD, v44;
	v46 =	vmov s30;
	s30 =	sadd.s32 $0xFFFFFFFE, s7;
	v6 =	vbroadcast v43, $0x0;
	v7 =	vld.idx.msk [tilespmem:v7+s14+$0x0], $0xffff;
	[tilespmem:s1+$0x30] =	vst v9  }
0x104: {  	v48 =	vmov s30;
	v47 =	vand.u32 $0xFFFFFFFD, v46;
	v9 =	vbroadcast v45, $0x0;
	v8 =	vld.idx.msk [tilespmem:v8+s14+$0x0], $0xffff;
	[tilespmem:s26+$0x30] =	vst v10  }
0x105: {  	s30 =	sadd.s32 $0xFFFFFFFF, s28;
	v49 =	vand.u32 $0xFFFFFFFD, v48;
	v10 =	vbroadcast v47, $0x0;
	v11 =	vld.idx.msk [tilespmem:v11+s14+$0x0], $0xffff;
	[tilespmem:s18+$0x30] =	vst v13  }
0x106: {  	v50 =	vmov s30;
	s30 =	sadd.s32 $0xFFFFFFFF, s13;
	v13 =	vbroadcast v49, $0x0;
	v12 =	vld.idx.msk [tilespmem:v12+s14+$0x0], $0xffff  }
0x107: {  	v3 =	vbroadcast v3, $0x0;
	v51 =	vand.u32 $0xFFFFFFFE, v50;
	v52 =	vmov s30;
	s30 =	sadd.s32 $0xFFFFFFFF, s8;
	[tilespmem:s31+$0x40] =	vst v4  }
0x108: {  	v54 =	vmov s30;
	s30 =	sadd.s32 $0xFFFFFFFF, s12;
	v4 =	vbroadcast v51, $0x0;
	v5 =	vld.idx.msk [tilespmem:v5+s14+$0x0], $0xffff;
	[tilespmem:s0+$0x40] =	vst v7;
	v53 =	vand.u32 $0xFFFFFFFE, v52  }
0x109: {  	v55 =	vand.u32 $0xFFFFFFFE, v54;
	v56 =	vmov s30;
	s30 =	sadd.s32 $0xFFFFFFFF, s7;
	v6 =	vld.idx.msk [tilespmem:v6+s14+$0x0], $0xffff;
	v7 =	vbroadcast v53, $0x0;
	[tilespmem:s1+$0x40] =	vst v8  }
0x10a: {  	v15 =	vmov s30;
	v57 =	vand.u32 $0xFFFFFFFE, v56;
	v8 =	vbroadcast v55, $0x0;
	v9 =	vld.idx.msk [tilespmem:v9+s14+$0x0], $0xffff;
	[tilespmem:s26+$0x40] =	vst v11  }
0x10b: {  	v58 =	vand.u32 $0xFFFFFFFE, v15;
	v11 =	vbroadcast v57, $0x0;
	v10 =	vld.idx.msk [tilespmem:v10+s14+$0x0], $0xffff;
	[tilespmem:s18+$0x40] =	vst v12  }
0x10c: {  	[tilespmem:s3+$0x50] =	vst v2;
	v12 =	vbroadcast v58, $0x0;
	v2 =	vld.idx.msk [tilespmem:v13+s14+$0x0], $0xffff  }
0x10d: {  	v3 =	vld.idx.msk [tilespmem:v3+s14+$0x0], $0xffff;
	[tilespmem:s31+$0x50] =	vst v5  }
0x10e: {  	v59 =	vmov s9;
	v4 =	vld.idx.msk [tilespmem:v4+s14+$0x0], $0xffff;
	[tilespmem:s0+$0x50] =	vst v6  }
0x10f: {  	v60 =	vmov s28;
	v7 =	vld.idx.msk [tilespmem:v7+s14+$0x0], $0xffff;
	[tilespmem:s1+$0x50] =	vst v9  }
0x110: {  	v61 =	vmov s13;
	v8 =	vld.idx.msk [tilespmem:v8+s14+$0x0], $0xffff;
	[tilespmem:s26+$0x50] =	vst v10  }
0x111: {  	v62 =	vmov s8;
	v11 =	vld.idx.msk [tilespmem:v11+s14+$0x0], $0xffff;
	[tilespmem:s18+$0x50] =	vst v2  }
0x112: {  	[tilespmem:s3+$0x60] =	vst v3;
	v2 =	vmov s12;
	v3 =	vld.idx.msk [tilespmem:v12+s14+$0x0], $0xffff  }
0x113: {  	v63 =	vmov s7;
	v5 =	vld.idx.msk [tilespmem:v59+s14+$0x0], $0xffff;
	[tilespmem:s31+$0x60] =	vst v4  }
0x114: {  	v6 =	vld.idx.msk [tilespmem:v60+s14+$0x0], $0xffff;
	[tilespmem:s0+$0x60] =	vst v7  }
0x115: {  	v7 =	vld.idx.msk [tilespmem:v61+s14+$0x0], $0xffff;
	[tilespmem:s1+$0x60] =	vst v8  }
0x116: {  	v8 =	vld.idx.msk [tilespmem:v62+s14+$0x0], $0xffff;
	[tilespmem:s26+$0x60] =	vst v11  }
0x117: {  	v2 =	vld.idx.msk [tilespmem:v2+s14+$0x0], $0xffff;
	[tilespmem:s18+$0x60] =	vst v3  }
0x118: {  	[tilespmem:s3+$0x70] =	vst v5;
	v3 =	vld.idx.msk [tilespmem:v63+s14+$0x0], $0xffff  }
0x119: {  	[tilespmem:s31+$0x70] =	vst v6  }
0x11a: {  	[tilespmem:s0+$0x70] =	vst v7  }
0x11b: {  	[tilespmem:s1+$0x70] =	vst v8  }
0x11c: {  	[tilespmem:s26+$0x70] =	vst v2  }
0x11d: {  	s7 =	simm.f32 $0.0e+00;
	s3 =	simm.s32 $0x0;
	s31 =	simm.s32 $0x0;
	[tilespmem:s18+$0x70] =	vst v3  }
.LBB2_6:
0x11e: {  	s0 =	smul.u32 $0x1F40, s3;
	_ =	sdelay $0x1  }
0x11f: {  	s1 =	sadd.s32 s0, s10  }
0x120: {  	s8 =	sshrl.u32 s1, $0x3;
	s1 =	sadd.s32 $0xFFFFFFF0, s1  }
0x121: {  	s9 =	sadd.s32 s2, s8;
	s1 =	sshrl.u32 s1, $0x3  }
0x122: {  	[tilespmem:s19], [sflag:$0x2] =	stream.linear.gather [hbm4b:s9+s5], $0xFA0, $0x38;
	[tilespmem:$0xC880] =	vst v63  }
0x123: {  	s1 =	sadd.s32 s4, s1  }
0x124: {  	[tilespmem:s20], [sflag:$0x2] =	stream.linear.gather [hbm4b:s1+s5], $0x10, $0x38;
	[tilespmem:$0xC880] =	vst v63  }
0x125: {  	s30 =	sadd.s32 s4, s8  }
0x126: {  	[tilespmem:s21], [sflag:$0x2] =	stream.linear.gather [hbm4b:s30+s5], $0xFA0, $0x38;
	[tilespmem:$0xC880] =	vst v63  }
0x127: {  	_ =	swait.ge [sflag:s22], $0xFA0  }
0x128: {  	[sflag:s22] =	ssyncset.done $0x0  }
0x129: {  	[sflag:s22] =	ssyncadd.s32 $0xFFFFF060  }
0x12a: {  	_ =	swait.ge [sflag:s22], $0x10  }
0x12b: {  	[sflag:s22] =	ssyncset.done $0x0  }
0x12c: {  	[sflag:s22] =	ssyncadd.s32 $0xFFFFFFF0  }
0x12d: {  	_ =	swait.ge [sflag:s22], $0xFA0  }
0x12e: {  	s8 =	sor.u32 s6, s3;
	[sflag:s22] =	ssyncset.done $0x0  }
0x12f: {  	p0 =	sne.s32 s8, $0x0;
	[sflag:s22] =	ssyncadd.s32 $0xFFFFF060  }
0x130: {  	v2 =	vld.msk @!p0 [tilespmem:$0x1890 ss:$0x0], $0xffff;
	_ =	sdelay $0x4  }
0x131: {  	s9 =	simm.s32 $0x8D0;
	[tilespmem:$0x1880] =	vst @!p0 v2  }
0x132: {  	v2 =	vld [tilespmem:s9+$0x40]  }
0x133: {  	v3 =	vld [tilespmem:s9+$0x20];
	_ =	sdelay $0x1  }
0x134: {  	v4 =	vld [tilespmem:s9+$0x0]  }
0x135: {  	v5 =	vld [tilespmem:s9+$0xFFFFFFE0]  }
0x136: {  	v6 =	vld [tilespmem:s9+$0xFFFFFFC0];
	v2 =	vshll.u32 v2, $0x4  }
0x137: {  	v7 =	vld [tilespmem:s9+$0xFFFFFFB0];
	v3 =	vshll.u32 v3, $0x4;
	v2 =	vor.u32 v1, v2  }
0x138: {  	v8 =	vor.u32 v1, v3  }
0x139: {  	v3 =	vshll.u32 v4, $0x4  }
0x13a: {  	v9 =	vor.u32 v1, v3;
	v3 =	vshll.u32 v5, $0x4  }
0x13b: {  	v4 =	vshll.u32 v6, $0x4;
	v6 =	vld [tilespmem:s9+$0xFFFFFFD0];
	v10 =	vor.u32 v1, v3  }
0x13c: {  	v5 =	vshll.u32 v7, $0x4;
	v3 =	vld.idx.msk [tilespmem:v2+s5+$0x0], $0xffff;
	v2 =	vor.u32 v1, v4  }
0x13d: {  	v7 =	vor.u32 v1, v5;
	v4 =	vld.idx.msk [tilespmem:v8+s5+$0x0], $0xffff  }
0x13e: {  	v8 =	vld [tilespmem:s9+$0xFFFFFFF0]  }
0x13f: {  	v5 =	vld.idx.msk [tilespmem:v9+s5+$0x0], $0xffff  }
0x140: {  	v6 =	vshll.u32 v6, $0x4;
	v9 =	vld.idx.msk [tilespmem:v10+s5+$0x0], $0xffff  }
0x141: {  	v10 =	vld.idx.msk [tilespmem:v2+s5+$0x0], $0xffff;
	v2 =	vor.u32 v1, v6;
	(xrf2) =	vadd.scan.msk.f32 $0xffff, v3  }
0x142: {  	v7 =	vld.idx.msk [tilespmem:v7+s5+$0x0], $0xffff  }
0x143: {  	s8 =	simm.s32 $0x18D0;
	v6 =	vld [tilespmem:s9+$0x10];
	(xrf2) =	vadd.scan.msk.f32 $0xffff, v4  }
0x144: {  	v12 =	vld [tilespmem:s8+$0xFFFFFFC0];
	v8 =	vshll.u32 v8, $0x4;
	(xrf2) =	vadd.scan.msk.f32 $0xffff, v5  }
0x145: {  	v13 =	vld [tilespmem:s8+$0xFFFFFFBF];
	v11 =	vor.u32 v1, v8;
	(xrf2) =	vadd.scan.msk.f32 $0xffff, v9  }
0x146: {  	(xrf2) =	vadd.scan.msk.f32 $0xffff, v10;
	v14 =	vld.idx.msk [tilespmem:v2+s5+$0x0], $0xffff  }
0x147: {  	s12 =	sand.u32 $0x1FE0, s31;
	v17 =	vld [tilespmem:s8+$0xFFFFFFD0];
	(xrf2) =	vadd.scan.msk.f32 $0xffff, v7  }
0x148: {  	v2 =	vld [tilespmem:s12+$0x900];
	v8 =	vshll.u32 v6, $0x4  }
0x149: {  	v18 =	vld [tilespmem:s8+$0xFFFFFFCF];
	v15 =	vor.u32 v1, v8  }
0x14a: {  	v16 =	vld.idx.msk [tilespmem:v11+s5+$0x0], $0xffff  }
0x14b: {  	v19 =	vld [tilespmem:s8+$0xFFFFFFE0];
	v11, _, _ =	vpop (xrf2);
	(xrf2) =	vadd.scan.msk.f32 $0xffff, v14  }
0x14c: {  	s13 =	simm.s32 $0x970;
	v23 =	vld [tilespmem:s8+$0xFFFFFFDF]  }
0x14d: {  	v25 =	vld [tilespmem:s13+$0x40];
	v2 =	vshll.u32 v2, $0x4;
	v20, _, _ =	vpop (xrf2)  }
0x14e: {  	v2 =	vor.u32 v1, v2;
	v15 =	vld.idx.msk [tilespmem:v15+s5+$0x0], $0xffff;
	v21, _, _ =	vpop (xrf2)  }
0x14f: {  	v26 =	vld [tilespmem:s8+$0xFFFFFFF0];
	(xrf2) =	vadd.scan.msk.f32 $0xffff, v16;
	v22, _, _ =	vpop (xrf2)  }
0x150: {  	v29 =	vld [tilespmem:s13+$0x20];
	v24, _, _ =	vpop (xrf2)  }
0x151: {  	v30 =	vld [tilespmem:s8+$0xFFFFFFEF];
	v27, _, _ =	vpop (xrf2)  }
0x152: {  	v31 =	vld [tilespmem:s13+$0x0];
	(v2sf) =	vpush v27, $0xF  }
0x153: {  	v28 =	vld.idx.msk [tilespmem:v2+s5+$0x0], $0xffff;
	(xrf2) =	vadd.scan.msk.f32 $0xffff, v15  }
0x154: {  	v34 =	vld [tilespmem:s8+$0xFFFFFFFF];
	(v2sf) =	vpush v24, $0xF  }
0x155: {  	v35 =	vld [tilespmem:s13+$0xFFFFFFE0];
	v33, _, _ =	vpop (xrf2)  }
0x156: {  	v36 =	vld [tilespmem:s8+$0x10];
	(v2sf) =	vpush v33, $0xF  }
0x157: {  	v38 =	vld [tilespmem:s13+$0xFFFFFFC0];
	v29 =	vshll.u32 v29, $0x4  }
0x158: {  	v39 =	vld [tilespmem:s8+$0xF];
	v29 =	vor.u32 v1, v29;
	(xrf2) =	vadd.scan.msk.f32 $0xffff, v28;
	(v2sf) =	vpush v22, $0xF  }
0x159: {  	v41 =	vld [tilespmem:s8+$0x20];
	v37, _, _ =	vpop (xrf2)  }
0x15a: {  	v61 =	vld [tilespmem:s8+$0x1F];
	(v2sf) =	vpush v37, $0xF  }
0x15b: {  	v62 =	vld [tilespmem:s8+$0x40];
	v2 =	vshll.u32 v25, $0x4  }
0x15c: {  	v63 =	vld [tilespmem:s8+$0x50];
	vm1 =	vne.s32 v12, v13;
	v32 =	vor.u32 v1, v2;
	(v2sf) =	vpush v21, $0xF  }
0x15d: {  	v31 =	vshll.u32 v31, $0x4;
	v29 =	vld.idx.msk [tilespmem:v29+s5+$0x0], $0xffff;
	v40, _, _ =	vpop (xrf2)  }
0x15e: {  	v31 =	vor.u32 v1, v31;
	v7 =	vsub.f32 v27, v7;
	v27 =	vld [tilespmem:s13+$0xFFFFFFB0];
	(v2sf) =	vpush v40, $0xF  }
0x15f: {  	v35 =	vshll.u32 v35, $0x4;
	vm0 =	vne.s32 v17, v18;
	v38 =	vshll.u32 v38, $0x4;
	v6 =	vld [tilespmem:s12+$0x1900]  }
0x160: {  	v35 =	vor.u32 v1, v35;
	v25 =	vld [tilespmem:s8+$0x0];
	v7 =	vadd.f32 s7, v7;
	(v2sf) =	vpush v20, $0xF  }
0x161: {  	v10 =	vsub.f32 v24, v10;
	v24 =	vor.u32 v1, v38;
	v32 =	vld.idx.msk [tilespmem:v32+s5+$0x0], $0xffff;
	s12 =	spop (v2sf)  }
0x162: {  	vm4 =	vne.s32 v19, v23;
	[tilespmem:v12+s23+$0x0] =	vst.idx.msk vm1, v7;
	v12 =	vld [tilespmem:s13+$0xFFFFFFD0];
	v42, _, _ =	vpop (xrf2);
	s18 =	sadd.f32 s12, s7  }
0x163: {  	v31 =	vld.idx.msk [tilespmem:v31+s5+$0x0], $0xffff;
	[tilespmem:v13+s24+$0x0] =	vst.idx.msk vm1, v7;
	v7 =	vshll.u32 v27, $0x4;
	v13 =	vsub.f32 v33, v14;
	(v2sf) =	vpush v42, $0xF;
	s26 =	spop (v2sf)  }
0x164: {  	v8 =	vld [tilespmem:s8+$0x2F];
	vm1 =	vne.s32 v26, v30;
	v7 =	vor.u32 v1, v7;
	v10 =	vadd.f32 s18, v10;
	s7 =	sadd.f32 s26, s18  }
0x165: {  	vm2 =	vne.s32 v25, v34;
	v27 =	vld.idx.msk [tilespmem:v35+s5+$0x0], $0xffff;
	s28 =	spop (v2sf)  }
0x166: {  	v14 =	vsub.f32 v22, v9;
	v9 =	vld.idx.msk [tilespmem:v24+s5+$0x0], $0xffff;
	(xrf2) =	vadd.scan.msk.f32 $0xffff, v32;
	[tilespmem:v17+s23+$0x0] =	vst.idx.msk vm0, v10;
	v13 =	vadd.f32 s7, v13;
	s7 =	sadd.f32 s28, s7  }
0x167: {  	vm3 =	vne.s32 v36, v39;
	v12 =	vshll.u32 v12, $0x4;
	(v2sf) =	vpush v11, $0xF;
	v17 =	vld [tilespmem:s13+$0xFFFFFFF0];
	s29 =	spop (v2sf);
	[tilespmem:v18+s24+$0x0] =	vst.idx.msk vm0, v10  }
0x168: {  	v12 =	vor.u32 v1, v12;
	v10 =	vsub.f32 v37, v16;
	v16 =	vld [tilespmem:s8+$0x3F];
	[tilespmem:v19+s23+$0x0] =	vst.idx.msk vm4, v13;
	v18 =	vadd.f32 s7, v14;
	s7 =	sadd.f32 s29, s7  }
0x169: {  	vm15 =	vne.s32 v41, v61;
	s30 =	spop (v2sf);
	v14 =	vld.idx.msk [tilespmem:v7+s5+$0x0], $0xffff;
	[tilespmem:v23+s24+$0x0] =	vst.idx.msk vm4, v13  }
0x16a: {  	s1 =	simm.s32 $0x1970;
	v5 =	vsub.f32 v21, v5;
	(xrf2) =	vadd.scan.msk.f32 $0xffff, v29;
	v7 =	vld [tilespmem:s13+$0x10];
	[tilespmem:v26+s23+$0x0] =	vst.idx.msk vm1, v18;
	v13 =	vadd.f32 s7, v10;
	s7 =	sadd.f32 s30, s7  }
0x16b: {  	v2 =	vld [tilespmem:s1+$0xFFFFFFC0];
	v24 =	vsub.f32 v11, v3;
	v15 =	vsub.f32 v40, v15;
	(xrf2) =	vadd.scan.msk.f32 $0xffff, v31;
	s13 =	spop (v2sf);
	[tilespmem:v30+s24+$0x0] =	vst.idx.msk vm1, v18  }
0x16c: {  	(xrf2) =	vadd.scan.msk.f32 $0xffff, v27;
	vm0 =	vne.s32 v6, v8;
	v19 =	vld [tilespmem:s8+$0x4F];
	[tilespmem:v25+s23+$0x0] =	vst.idx.msk vm2, v13;
	v21 =	vadd.f32 s7, v5;
	s7 =	sadd.f32 s13, s7  }
0x16d: {  	(xrf2) =	vadd.scan.msk.f32 $0xffff, v9;
	s8 =	simm.s32 $0xA0;
	v17 =	vshll.u32 v17, $0x4;
	v18 =	vld.idx.msk [tilespmem:v12+s5+$0x0], $0xffff;
	s26 =	spop (v2sf);
	v12 =	vsub.f32 v20, v4;
	[tilespmem:v34+s24+$0x0] =	vst.idx.msk vm2, v13  }
0x16e: {  	v11 =	vld [tilespmem:s1+$0xFFFFFFD0];
	s18 =	sand.u32 $0x1FE0, s8;
	v17 =	vor.u32 v1, v17;
	vm2 =	vne.s32 v62, v16;
	[tilespmem:v36+s23+$0x0] =	vst.idx.msk vm3, v21;
	v13 =	vadd.f32 s7, v15;
	s7 =	sadd.f32 s26, s7  }
0x16f: {  	v25 =	vld [tilespmem:s18+$0x900];
	s28 =	spop (v2sf);
	v4 =	vshll.u32 v7, $0x4;
	[tilespmem:v39+s24+$0x0] =	vst.idx.msk vm3, v21  }
0x170: {  	v10 =	vld [tilespmem:s1+$0xFFFFFFBF];
	v7, _, _ =	vpop (xrf2);
	(xrf2) =	vadd.scan.msk.f32 $0xffff, v14;
	v15 =	vsub.f32 v42, v28;
	[tilespmem:v41+s23+$0x0] =	vst.idx.msk vm15, v13;
	v23 =	vadd.f32 s7, v12;
	s7 =	sadd.f32 s28, s7  }
0x171: {  	v5 =	vld [tilespmem:s18+$0x1900];
	vm1 =	vne.s32 v63, v19;
	v21 =	vor.u32 v1, v4;
	[tilespmem:v61+s24+$0x0] =	vst.idx.msk vm15, v13  }
0x172: {  	v4 =	vld [tilespmem:s1+$0x2F];
	s29 =	spop (v2sf);
	[tilespmem:v6+s23+$0x0] =	vst.idx.msk vm0, v23;
	v26 =	vadd.f32 s7, v15  }
0x173: {  	v20 =	vld.idx.msk [tilespmem:v17+s5+$0x0], $0xffff;
	s7 =	sadd.f32 s29, s7;
	[tilespmem:v8+s24+$0x0] =	vst.idx.msk vm0, v23  }
0x174: {  	v12 =	vld [tilespmem:s1+$0xFFFFFFCF];
	v17, _, _ =	vpop (xrf2);
	v25 =	vshll.u32 v25, $0x4;
	(xrf2) =	vadd.scan.msk.f32 $0xffff, v18;
	[tilespmem:v62+s23+$0x0] =	vst.idx.msk vm2, v26  }
0x175: {  	v3 =	vsub.f32 v7, v32;
	v13 =	vld [tilespmem:s1+$0xFFFFFFE0];
	v22, _, _ =	vpop (xrf2);
	v24 =	vadd.f32 s7, v24;
	[tilespmem:v16+s24+$0x0] =	vst.idx.msk vm2, v26;
	v26 =	vor.u32 v1, v25  }
0x176: {  	s9 =	simm.s32 $0x2;
	s30 =	spop (v2sf);
	v6 =	vsub.f32 v17, v29;
	v8 =	vsub.f32 v22, v31;
	v23, _, _ =	vpop (xrf2);
	v21 =	vld.idx.msk [tilespmem:v21+s5+$0x0], $0xffff  }
0x177: {  	s12 =	simm.s32 $0xA10;
	s13 =	sadd.f32 s30, s7;
	vm0 =	vne.s32 v5, v4;
	s7 =	simm.s32 $0x1970;
	v15 =	vsub.f32 v23, v27;
	v16 =	vld [tilespmem:s1+$0xFFFFFFDF];
	v25, _, _ =	vpop (xrf2);
	[tilespmem:v63+s23+$0x0] =	vst.idx.msk vm1, v24  }
.LBB2_7:
0x178: {  	v27 =	vld [tilespmem:s12+$0x40];
	v9 =	vsub.f32 v25, v9;
	(xrf2) =	vadd.scan.msk.f32 $0xffff, v20;
	[tilespmem:v19+s24+$0x0] =	vst.idx.msk vm1, v24  }
0x179: {  	vm1 =	vne.s32 v2, v10;
	v19 =	vld [tilespmem:s1+$0xFFFFFFF0]  }
0x17a: {  	v24 =	vld.idx.msk [tilespmem:v26+s5+$0x0], $0xffff;
	v26, _, _ =	vpop (xrf2)  }
0x17b: {  	v28 =	vld [tilespmem:s12+$0x20];
	v14 =	vsub.f32 v26, v14;
	(v2sf) =	vpush v26, $0xF  }
0x17c: {  	v26 =	vld [tilespmem:s1+$0xFFFFFFEF];
	(xrf2) =	vadd.scan.msk.f32 $0xffff, v21  }
0x17d: {  	v27 =	vshll.u32 v27, $0x4;
	v29 =	vld [tilespmem:s1+$0x0];
	v14 =	vadd.f32 s13, v14;
	(v2sf) =	vpush v25, $0xF  }
0x17e: {  	v25 =	vld [tilespmem:s12+$0x0];
	v27 =	vor.u32 v1, v27;
	v30, _, _ =	vpop (xrf2)  }
0x17f: {  	s1 =	sadd.s32 $0xA0, s1;
	v31 =	vld [tilespmem:s7+$0xFFFFFFFF];
	[tilespmem:v2+s23+$0x0] =	vst.idx.msk vm1, v14;
	v18 =	vsub.f32 v30, v18;
	(v2sf) =	vpush v30, $0xF  }
0x180: {  	v2 =	vld [tilespmem:s1+$0xFFFFFFC0];
	v30 =	vshll.u32 v28, $0x4;
	[tilespmem:v10+s24+$0x0] =	vst.idx.msk vm1, v14;
	(xrf2) =	vadd.scan.msk.f32 $0xffff, v24  }
0x181: {  	v10 =	vld [tilespmem:s12+$0xFFFFFFE0];
	v14 =	vor.u32 v1, v30;
	(v2sf) =	vpush v23, $0xF  }
0x182: {  	v23 =	vld [tilespmem:s7+$0x10];
	v28, _, _ =	vpop (xrf2)  }
0x183: {  	v25 =	vshll.u32 v25, $0x4;
	v27 =	vld.idx.msk [tilespmem:v27+s5+$0x0], $0xffff;
	v20 =	vsub.f32 v28, v20;
	(v2sf) =	vpush v28, $0xF  }
0x184: {  	v28 =	vld [tilespmem:s12+$0xFFFFFFC0];
	v25 =	vor.u32 v1, v25  }
0x185: {  	s9 =	sadd.s32 $0x2, s9;
	v30 =	vld [tilespmem:s7+$0xF];
	(v2sf) =	vpush v22, $0xF  }
0x186: {  	p0 =	slt.u32 s9, $0x30;
	v10 =	vshll.u32 v10, $0x4;
	v22 =	vld.idx.msk [tilespmem:v14+s5+$0x0], $0xffff;
	v14, _, _ =	vpop (xrf2)  }
0x187: {  	v32 =	vld [tilespmem:s12+$0xFFFFFFB0];
	v10 =	vor.u32 v1, v10;
	v21 =	vsub.f32 v14, v21;
	(v2sf) =	vpush v14, $0xF  }
0x188: {  	v33 =	vld [tilespmem:s7+$0x20]  }
0x189: {  	vm3 =	vne.s32 v11, v12;
	v14 =	vshll.u32 v28, $0x4;
	v25 =	vld.idx.msk [tilespmem:v25+s5+$0x0], $0xffff;
	(xrf2) =	vadd.scan.msk.f32 $0xffff, v27;
	(v2sf) =	vpush v17, $0xF  }
0x18a: {  	v14 =	vor.u32 v1, v14;
	v28 =	vld [tilespmem:s7+$0x1F];
	s18 =	spop (v2sf);
	v17, _, _ =	vpop (xrf2)  }
0x18b: {  	vm2 =	vne.s32 v13, v16;
	v34 =	vld [tilespmem:s12+$0xFFFFFFD0];
	s13 =	sadd.f32 s18, s13;
	v24 =	vsub.f32 v17, v24;
	(v2sf) =	vpush v17, $0xF  }
0x18c: {  	vm1 =	vne.s32 v19, v26;
	v17 =	vshll.u32 v32, $0x4;
	v32 =	vld.idx.msk [tilespmem:v10+s5+$0x0], $0xffff;
	(xrf2) =	vadd.scan.msk.f32 $0xffff, v22;
	s18 =	spop (v2sf)  }
0x18d: {  	v10 =	vor.u32 v1, v17;
	v17 =	vadd.f32 s13, v9;
	s13 =	sadd.f32 s18, s13;
	v35 =	vld [tilespmem:s7+$0x40];
	(v2sf) =	vpush v7, $0xF  }
0x18e: {  	v36 =	vld [tilespmem:s12+$0xFFFFFFF0];
	s18 =	spop (v2sf)  }
0x18f: {  	vm4 =	vne.s32 v29, v31;
	v9 =	vld.idx.msk [tilespmem:v14+s5+$0x0], $0xffff;
	(xrf2) =	vadd.scan.msk.f32 $0xffff, v25;
	[tilespmem:v11+s23+$0x0] =	vst.idx.msk vm3, v17;
	v7 =	vadd.f32 s13, v18;
	s13 =	sadd.f32 s18, s13  }
0x190: {  	v11 =	vshll.u32 v34, $0x4;
	[tilespmem:v12+s24+$0x0] =	vst.idx.msk vm3, v17;
	v34 =	vld [tilespmem:s7+$0x3F];
	s18 =	spop (v2sf)  }
0x191: {  	vm3 =	vne.s32 v23, v30;
	v11 =	vor.u32 v1, v11;
	[tilespmem:v13+s23+$0x0] =	vst.idx.msk vm2, v7;
	v12 =	vadd.f32 s13, v15;
	s13 =	sadd.f32 s18, s13;
	v37 =	vld [tilespmem:s7+$0x50]  }
0x192: {  	v14 =	vld.idx.msk [tilespmem:v10+s5+$0x0], $0xffff;
	(xrf2) =	vadd.scan.msk.f32 $0xffff, v32;
	[tilespmem:v16+s24+$0x0] =	vst.idx.msk vm2, v7;
	s18 =	spop (v2sf)  }
0x193: {  	vm2 =	vne.s32 v33, v28;
	v13 =	vld [tilespmem:s12+$0x10];
	v7, _, _ =	vpop (xrf2);
	[tilespmem:v19+s23+$0x0] =	vst.idx.msk vm1, v12;
	v15 =	vadd.f32 s13, v20;
	s13 =	sadd.f32 s18, s13  }
0x194: {  	v16 =	vshll.u32 v36, $0x4;
	v27 =	vsub.f32 v7, v27;
	[tilespmem:v26+s24+$0x0] =	vst.idx.msk vm1, v12;
	v19 =	vld [tilespmem:s7+$0x4F];
	s18 =	spop (v2sf);
	s7 =	smov.u32 s1  }
0x195: {  	s8 =	sadd.s32 $0xA0, s8;
	v12 =	vor.u32 v1, v16;
	v10 =	vld [tilespmem:s1+$0xFFFFFFBF];
	(xrf2) =	vadd.scan.msk.f32 $0xffff, v9;
	[tilespmem:v29+s23+$0x0] =	vst.idx.msk vm4, v15;
	v8 =	vadd.f32 s13, v8;
	s13 =	sadd.f32 s18, s13  }
0x196: {  	s18 =	sand.u32 $0x1FE0, s8;
	v18 =	vld.idx.msk [tilespmem:v11+s5+$0x0], $0xffff;
	v17, _, _ =	vpop (xrf2);
	[tilespmem:v31+s24+$0x0] =	vst.idx.msk vm4, v15;
	s26 =	spop (v2sf)  }
0x197: {  	vm4 =	vne.s32 v35, v34;
	v15 =	vld [tilespmem:s18+$0x900];
	v11 =	vsub.f32 v17, v22;
	[tilespmem:v23+s23+$0x0] =	vst.idx.msk vm3, v8;
	v16 =	vadd.f32 s13, v21;
	s13 =	sadd.f32 s26, s13  }
0x198: {  	v13 =	vshll.u32 v13, $0x4;
	v29 =	vld [tilespmem:s18+$0x1900];
	(xrf2) =	vadd.scan.msk.f32 $0xffff, v14;
	[tilespmem:v30+s24+$0x0] =	vst.idx.msk vm3, v8;
	s18 =	spop (v2sf)  }
0x199: {  	v21 =	vor.u32 v1, v13;
	v30 =	vld [tilespmem:s1+$0x2F];
	v22, _, _ =	vpop (xrf2);
	[tilespmem:v33+s23+$0x0] =	vst.idx.msk vm2, v16;
	v13 =	vadd.f32 s13, v6;
	s13 =	sadd.f32 s18, s13;
	vm1 =	vne.s32 v37, v19  }
0x19a: {  	v6 =	vmov v11;
	v20 =	vld.idx.msk [tilespmem:v12+s5+$0x0], $0xffff;
	v8 =	vsub.f32 v22, v25;
	[tilespmem:v28+s24+$0x0] =	vst.idx.msk vm2, v16;
	s18 =	spop (v2sf)  }
.Ltmp2:
0x19b: {  	v11 =	vld [tilespmem:s1+$0xFFFFFFD0];
	[tilespmem:v5+s23+$0x0] =	vst.idx.msk vm0, v13;
	v25 =	vadd.f32 s13, v24;
	s13 =	sadd.f32 s18, s13;
	(pc) =	sbr.rel @p0 .LBB2_7-.Ltmp2, $4  }
0x19c: {  	v12 =	vld [tilespmem:s1+$0xFFFFFFCF];
	v16 =	vshll.u32 v15, $0x4;
	(xrf2) =	vadd.scan.msk.f32 $0xffff, v18;
	v23, _, _ =	vpop (xrf2);
	[tilespmem:v4+s24+$0x0] =	vst.idx.msk vm0, v13;
	s18 =	spop (v2sf)  }
0x19d: {  	v13 =	vld [tilespmem:s1+$0xFFFFFFE0];
	v15 =	vsub.f32 v23, v32;
	v26 =	vor.u32 v1, v16;
	[tilespmem:v35+s23+$0x0] =	vst.idx.msk vm4, v25;
	v24 =	vadd.f32 s13, v3;
	s13 =	sadd.f32 s18, s13  }
0x19e: {  	v3 =	vmov v27;
	v5 =	vmov v29;
	v21 =	vld.idx.msk [tilespmem:v21+s5+$0x0], $0xffff;
	vm0 =	vne.s32 v29, v30;
	[tilespmem:v34+s24+$0x0] =	vst.idx.msk vm4, v25  }
0x19f: {  	s12 =	sadd.s32 $0xA0, s12;
	v4 =	vmov v30;
	v16 =	vld [tilespmem:s1+$0xFFFFFFDF];
	v25, _, _ =	vpop (xrf2);
	[tilespmem:v37+s23+$0x0] =	vst.idx.msk vm1, v24  }
0x1a0: {  	_ = 	snop  }
0x1a1: {  	(xrf2) =	vadd.scan.msk.f32 $0xffff, v20;
	_ =	sdelay $0x1  }
0x1a2: {  	v27, _, _ =	vpop (xrf2)  }
0x1a3: {  	v26 =	vld.idx.msk [tilespmem:v26+s5+$0x0], $0xffff;
	(v2sf) =	vpush v27, $0xF  }
0x1a4: {  	(xrf2) =	vadd.scan.msk.f32 $0xffff, v21  }
0x1a5: {  	(v2sf) =	vpush v25, $0xF  }
0x1a6: {  	v28, _, _ =	vpop (xrf2)  }
0x1a7: {  	(v2sf) =	vpush v28, $0xF  }
0x1a8: {  	(xrf2) =	vadd.scan.msk.f32 $0xffff, v26  }
0x1a9: {  	(v2sf) =	vpush v23, $0xF  }
0x1aa: {  	v23, _, _ =	vpop (xrf2)  }
0x1ab: {  	(v2sf) =	vpush v23, $0xF;
	_ =	sdelay $0x1  }
0x1ac: {  	(v2sf) =	vpush v22, $0xF  }
0x1ad: {  	v22, _, _ =	vpop (xrf2)  }
0x1ae: {  	v29 =	vld [tilespmem:s1+$0xFFFFFFF0];
	vm2 =	vne.s32 v2, v10;
	(v2sf) =	vpush v22, $0xF  }
0x1af: {  	v30 =	vld [tilespmem:s1+$0xFFFFFFEF]  }
0x1b0: {  	vm3 =	vne.s32 v11, v12;
	v14 =	vsub.f32 v27, v14;
	v27 =	vld [tilespmem:s1+$0x0];
	(v2sf) =	vpush v17, $0xF  }
0x1b1: {  	v9 =	vsub.f32 v25, v9;
	v17 =	vld [tilespmem:s7+$0xFFFFFFFF];
	v25, _, _ =	vpop (xrf2);
	s28 =	spop (v2sf)  }
0x1b2: {  	v31 =	vld [tilespmem:s7+$0x10];
	vm4 =	vne.s32 v13, v16;
	v14 =	vadd.f32 s13, v14;
	(v2sf) =	vpush v25, $0xF;
	s1 =	sadd.f32 s28, s13  }
0x1b3: {  	[tilespmem:v19+s24+$0x0] =	vst.idx.msk vm1, v24;
	v19 =	vld [tilespmem:s7+$0xF];
	s8 =	spop (v2sf)  }
0x1b4: {  	vm1 =	vne.s32 v29, v30;
	[tilespmem:v2+s23+$0x0] =	vst.idx.msk vm2, v14;
	v2 =	vsub.f32 v28, v18;
	v18 =	vld [tilespmem:s7+$0x20];
	v9 =	vadd.f32 s1, v9;
	s1 =	sadd.f32 s8, s1  }
0x1b5: {  	[tilespmem:v10+s24+$0x0] =	vst.idx.msk vm2, v14;
	v10 =	vld [tilespmem:s7+$0x1F];
	s29 =	spop (v2sf)  }
0x1b6: {  	vm2 =	vne.s32 v27, v17;
	[tilespmem:v11+s23+$0x0] =	vst.idx.msk vm3, v9;
	v2 =	vadd.f32 s1, v2;
	s1 =	sadd.f32 s29, s1  }
0x1b7: {  	s30 =	spop (v2sf);
	[tilespmem:v12+s24+$0x0] =	vst.idx.msk vm3, v9  }
0x1b8: {  	v11 =	vld [tilespmem:s7+$0x40];
	v9 =	vsub.f32 v23, v20;
	vm3 =	vne.s32 v31, v19;
	[tilespmem:v13+s23+$0x0] =	vst.idx.msk vm4, v2;
	v12 =	vadd.f32 s1, v15;
	s1 =	sadd.f32 s30, s1  }
0x1b9: {  	v13 =	vld [tilespmem:s7+$0x3F];
	[tilespmem:v16+s24+$0x0] =	vst.idx.msk vm4, v2;
	s9 =	spop (v2sf)  }
0x1ba: {  	vm13 =	vne.s32 v18, v10;
	v2 =	vld [tilespmem:s7+$0x50];
	[tilespmem:v29+s23+$0x0] =	vst.idx.msk vm1, v12;
	v9 =	vadd.f32 s1, v9;
	s1 =	sadd.f32 s9, s1  }
0x1bb: {  	v14 =	vsub.f32 v22, v21;
	s12 =	spop (v2sf);
	[tilespmem:v30+s24+$0x0] =	vst.idx.msk vm1, v12;
	v12 =	vld [tilespmem:s7+$0x4F]  }
0x1bc: {  	(v2sf) =	vpush v7, $0xF;
	[tilespmem:v27+s23+$0x0] =	vst.idx.msk vm2, v9;
	v8 =	vadd.f32 s1, v8;
	s1 =	sadd.f32 s12, s1  }
0x1bd: {  	s13 =	spop (v2sf);
	[tilespmem:v17+s24+$0x0] =	vst.idx.msk vm2, v9  }
0x1be: {  	vm1 =	vne.s32 v11, v13;
	[tilespmem:v31+s23+$0x0] =	vst.idx.msk vm3, v8;
	v7 =	vadd.f32 s1, v14;
	s1 =	sadd.f32 s13, s1  }
0x1bf: {  	s18 =	spop (v2sf);
	[tilespmem:v19+s24+$0x0] =	vst.idx.msk vm3, v8  }
0x1c0: {  	v8 =	vsub.f32 v25, v26;
	[tilespmem:v18+s23+$0x0] =	vst.idx.msk vm13, v7;
	v6 =	vadd.f32 s1, v6;
	s1 =	sadd.f32 s18, s1;
	vm2 =	vne.s32 v2, v12  }
0x1c1: {  	s26 =	spop (v2sf);
	[tilespmem:v10+s24+$0x0] =	vst.idx.msk vm13, v7  }
0x1c2: {  	[tilespmem:v5+s23+$0x0] =	vst.idx.msk vm0, v6;
	v5 =	vadd.f32 s1, v8;
	s7 =	sadd.f32 s26, s1  }
0x1c3: {  	[tilespmem:v4+s24+$0x0] =	vst.idx.msk vm0, v6  }
0x1c4: {  	[tilespmem:v11+s23+$0x0] =	vst.idx.msk vm1, v5;
	v3 =	vadd.f32 s7, v3  }
0x1c5: {  	s0 =	sadd.s32 s0, s11;
	[tilespmem:v13+s24+$0x0] =	vst.idx.msk vm1, v5  }
0x1c6: {  	s28 =	sshrl.u32 s0, $0x3;
	s0 =	sadd.s32 $0xFFFFFFF0, s0;
	[tilespmem:v2+s23+$0x0] =	vst.idx.msk vm2, v3  }
0x1c7: {  	s0 =	sshrl.u32 s0, $0x3;
	s29 =	sadd.s32 s2, s28;
	s9 =	simm.s32 $0x0;
	[tilespmem:v12+s24+$0x0] =	vst.idx.msk vm2, v3  }
0x1c8: {  	[tilespmem:s15], [sflag:$0x1] =	stream.linear.gather [hbm4b:s29+s9], $0xFA0, $0x38;
	[tilespmem:$0xC880] =	vst v63  }
0x1c9: {  	s0 =	sadd.s32 s4, s0  }
0x1ca: {  	[tilespmem:s16], [sflag:$0x1] =	stream.linear.gather [hbm4b:s0+s9], $0x10, $0x38;
	[tilespmem:$0xC880] =	vst v63  }
0x1cb: {  	s1 =	sadd.s32 s4, s28;
	s30 =	spop (v2sf)  }
0x1cc: {  	[tilespmem:s17], [sflag:$0x1] =	stream.linear.gather [hbm4b:s1+s9], $0xFA0, $0x38;
	[tilespmem:$0xC880] =	vst v63  }
0x1cd: {  	_ =	swait.ge [sflag:s25], $0xFA0  }
0x1ce: {  	[sflag:s25] =	ssyncset.done $0x0  }
0x1cf: {  	[sflag:s25] =	ssyncadd.s32 $0xFFFFF060  }
0x1d0: {  	_ =	swait.ge [sflag:s25], $0x10  }
0x1d1: {  	[sflag:s25] =	ssyncset.done $0x0  }
0x1d2: {  	[sflag:s25] =	ssyncadd.s32 $0xFFFFFFF0  }
0x1d3: {  	_ =	swait.ge [sflag:s25], $0xFA0  }
0x1d4: {  	[sflag:s25] =	ssyncset.done $0x0  }
0x1d5: {  	s12 =	simm.s32 $0x28D0;
	[sflag:s25] =	ssyncadd.s32 $0xFFFFF060  }
0x1d6: {  	v2 =	vld [tilespmem:s12+$0x40]  }
0x1d7: {  	v3 =	vld [tilespmem:s12+$0x20];
	_ =	sdelay $0x1  }
0x1d8: {  	v4 =	vld [tilespmem:s12+$0x0]  }
0x1d9: {  	v5 =	vld [tilespmem:s12+$0xFFFFFFE0]  }
0x1da: {  	v6 =	vld [tilespmem:s12+$0xFFFFFFC0];
	v2 =	vshll.u32 v2, $0x4  }
0x1db: {  	v7 =	vld [tilespmem:s12+$0xFFFFFFB0];
	v3 =	vshll.u32 v3, $0x4;
	v2 =	vor.u32 v1, v2  }
0x1dc: {  	v8 =	vor.u32 v1, v3  }
0x1dd: {  	v3 =	vshll.u32 v4, $0x4  }
0x1de: {  	v9 =	vor.u32 v1, v3;
	v3 =	vshll.u32 v5, $0x4  }
0x1df: {  	v4 =	vshll.u32 v6, $0x4;
	v6 =	vld [tilespmem:s12+$0xFFFFFFD0];
	v10 =	vor.u32 v1, v3  }
0x1e0: {  	v5 =	vshll.u32 v7, $0x4;
	v3 =	vld.idx.msk [tilespmem:v2+s5+$0x0], $0xffff;
	v2 =	vor.u32 v1, v4  }
0x1e1: {  	v7 =	vor.u32 v1, v5;
	v4 =	vld.idx.msk [tilespmem:v8+s5+$0x0], $0xffff  }
0x1e2: {  	v8 =	vld [tilespmem:s12+$0xFFFFFFF0]  }
0x1e3: {  	v5 =	vld.idx.msk [tilespmem:v9+s5+$0x0], $0xffff  }
0x1e4: {  	v6 =	vshll.u32 v6, $0x4;
	v9 =	vld.idx.msk [tilespmem:v10+s5+$0x0], $0xffff  }
0x1e5: {  	v10 =	vld.idx.msk [tilespmem:v2+s5+$0x0], $0xffff;
	v2 =	vor.u32 v1, v6;
	(xrf2) =	vadd.scan.msk.f32 $0xffff, v3  }
0x1e6: {  	v12 =	vld.idx.msk [tilespmem:v7+s5+$0x0], $0xffff  }
0x1e7: {  	s1 =	simm.s32 $0x38D0;
	v6 =	vld [tilespmem:s12+$0x10];
	(xrf2) =	vadd.scan.msk.f32 $0xffff, v4  }
0x1e8: {  	v13 =	vld [tilespmem:s1+$0xFFFFFFC0];
	v7 =	vshll.u32 v8, $0x4;
	(xrf2) =	vadd.scan.msk.f32 $0xffff, v5  }
0x1e9: {  	v17 =	vld [tilespmem:s1+$0xFFFFFFD0];
	v11 =	vor.u32 v1, v7;
	(xrf2) =	vadd.scan.msk.f32 $0xffff, v9  }
0x1ea: {  	(xrf2) =	vadd.scan.msk.f32 $0xffff, v10;
	v14 =	vld.idx.msk [tilespmem:v2+s5+$0x0], $0xffff  }
0x1eb: {  	s13 =	sand.u32 $0x1FE0, s9;
	v18 =	vld [tilespmem:s1+$0xFFFFFFCF];
	(xrf2) =	vadd.scan.msk.f32 $0xffff, v12  }
0x1ec: {  	v2 =	vld [tilespmem:s13+$0x2900];
	v7 =	vshll.u32 v6, $0x4  }
0x1ed: {  	v19 =	vld [tilespmem:s1+$0xFFFFFFE0];
	v15 =	vor.u32 v1, v7  }
0x1ee: {  	v16 =	vld.idx.msk [tilespmem:v11+s5+$0x0], $0xffff  }
0x1ef: {  	s18 =	simm.s32 $0x2970;
	v23 =	vld [tilespmem:s1+$0xFFFFFFDF];
	v11, _, _ =	vpop (xrf2);
	(xrf2) =	vadd.scan.msk.f32 $0xffff, v14  }
0x1f0: {  	v25 =	vld [tilespmem:s18+$0x40]  }
0x1f1: {  	v26 =	vld [tilespmem:s1+$0xFFFFFFF0];
	v2 =	vshll.u32 v2, $0x4;
	v20, _, _ =	vpop (xrf2)  }
0x1f2: {  	v2 =	vor.u32 v1, v2;
	v15 =	vld.idx.msk [tilespmem:v15+s5+$0x0], $0xffff;
	v21, _, _ =	vpop (xrf2)  }
0x1f3: {  	v58 =	vld [tilespmem:s18+$0x20];
	(xrf2) =	vadd.scan.msk.f32 $0xffff, v16;
	v22, _, _ =	vpop (xrf2)  }
0x1f4: {  	v59 =	vld [tilespmem:s1+$0xFFFFFFEF];
	v24, _, _ =	vpop (xrf2)  }
0x1f5: {  	v60 =	vld [tilespmem:s18+$0x0];
	v27, _, _ =	vpop (xrf2)  }
0x1f6: {  	v34 =	vld [tilespmem:s1+$0xFFFFFFFF];
	(v2sf) =	vpush v27, $0xF  }
0x1f7: {  	v57 =	vld.idx.msk [tilespmem:v2+s5+$0x0], $0xffff;
	(xrf2) =	vadd.scan.msk.f32 $0xffff, v15  }
0x1f8: {  	v35 =	vld [tilespmem:s18+$0xFFFFFFE0];
	(v2sf) =	vpush v24, $0xF  }
0x1f9: {  	v36 =	vld [tilespmem:s1+$0x10];
	v33, _, _ =	vpop (xrf2)  }
0x1fa: {  	v38 =	vld [tilespmem:s18+$0xFFFFFFC0];
	(v2sf) =	vpush v33, $0xF  }
0x1fb: {  	v29 =	vshll.u32 v58, $0x4;
	v8 =	vld [tilespmem:s1+$0xFFFFFFBF]  }
0x1fc: {  	v39 =	vld [tilespmem:s1+$0xF];
	v29 =	vor.u32 v1, v29;
	(xrf2) =	vadd.scan.msk.f32 $0xffff, v57;
	(v2sf) =	vpush v22, $0xF  }
0x1fd: {  	v41 =	vld [tilespmem:s1+$0x20];
	v31 =	vshll.u32 v60, $0x4;
	v37, _, _ =	vpop (xrf2)  }
0x1fe: {  	v61 =	vld [tilespmem:s1+$0x1F];
	v31 =	vor.u32 v1, v31;
	(v2sf) =	vpush v37, $0xF  }
0x1ff: {  	v62 =	vld [tilespmem:s1+$0x40];
	v2 =	vshll.u32 v25, $0x4  }
0x200: {  	v63 =	vld [tilespmem:s1+$0x50];
	vm1 =	vne.s32 v13, v8;
	v32 =	vor.u32 v1, v2;
	(v2sf) =	vpush v21, $0xF  }
0x201: {  	v29 =	vld.idx.msk [tilespmem:v29+s5+$0x0], $0xffff;
	v40, _, _ =	vpop (xrf2)  }
0x202: {  	s7 =	sadd.f32 s30, s7;
	v12 =	vsub.f32 v27, v12;
	v27 =	vld [tilespmem:s18+$0xFFFFFFB0];
	(v2sf) =	vpush v40, $0xF  }
0x203: {  	v35 =	vshll.u32 v35, $0x4;
	vm0 =	vne.s32 v17, v18;
	v38 =	vshll.u32 v38, $0x4;
	v31 =	vld.idx.msk [tilespmem:v31+s5+$0x0], $0xffff  }
0x204: {  	v35 =	vor.u32 v1, v35;
	v25 =	vld [tilespmem:s1+$0x0];
	v12 =	vadd.f32 s7, v12;
	(v2sf) =	vpush v20, $0xF  }
0x205: {  	v10 =	vsub.f32 v24, v10;
	v24 =	vor.u32 v1, v38;
	v32 =	vld.idx.msk [tilespmem:v32+s5+$0x0], $0xffff;
	s26 =	spop (v2sf)  }
0x206: {  	vm14 =	vne.s32 v19, v23;
	[tilespmem:v13+s23+$0x0] =	vst.idx.msk vm1, v12;
	v13 =	vld [tilespmem:s18+$0xFFFFFFD0];
	v42, _, _ =	vpop (xrf2);
	s7 =	sadd.f32 s26, s7  }
0x207: {  	v6 =	vld [tilespmem:s13+$0x3900];
	[tilespmem:v8+s24+$0x0] =	vst.idx.msk vm1, v12;
	v8 =	vshll.u32 v27, $0x4;
	v12 =	vsub.f32 v33, v14;
	(v2sf) =	vpush v42, $0xF;
	s28 =	spop (v2sf)  }
0x208: {  	v7 =	vld [tilespmem:s1+$0x2F];
	vm1 =	vne.s32 v26, v59;
	v8 =	vor.u32 v1, v8;
	v10 =	vadd.f32 s7, v10;
	s7 =	sadd.f32 s28, s7  }
0x209: {  	vm2 =	vne.s32 v25, v34;
	v27 =	vld.idx.msk [tilespmem:v35+s5+$0x0], $0xffff;
	s29 =	spop (v2sf)  }
0x20a: {  	v14 =	vsub.f32 v22, v9;
	v9 =	vld.idx.msk [tilespmem:v24+s5+$0x0], $0xffff;
	(xrf2) =	vadd.scan.msk.f32 $0xffff, v32;
	[tilespmem:v17+s23+$0x0] =	vst.idx.msk vm0, v10;
	v12 =	vadd.f32 s7, v12;
	s7 =	sadd.f32 s29, s7  }
0x20b: {  	vm3 =	vne.s32 v36, v39;
	v13 =	vshll.u32 v13, $0x4;
	(v2sf) =	vpush v11, $0xF;
	v17 =	vld [tilespmem:s18+$0xFFFFFFF0];
	s30 =	spop (v2sf);
	[tilespmem:v18+s24+$0x0] =	vst.idx.msk vm0, v10  }
0x20c: {  	v13 =	vor.u32 v1, v13;
	v10 =	vsub.f32 v37, v16;
	v16 =	vld [tilespmem:s1+$0x3F];
	[tilespmem:v19+s23+$0x0] =	vst.idx.msk vm14, v12;
	v18 =	vadd.f32 s7, v14;
	s7 =	sadd.f32 s30, s7  }
0x20d: {  	vm15 =	vne.s32 v41, v61;
	(xrf2) =	vadd.scan.msk.f32 $0xffff, v29;
	s12 =	spop (v2sf);
	v14 =	vld.idx.msk [tilespmem:v8+s5+$0x0], $0xffff;
	[tilespmem:v23+s24+$0x0] =	vst.idx.msk vm14, v12  }
0x20e: {  	s0 =	simm.s32 $0x3970;
	v5 =	vsub.f32 v21, v5;
	(xrf2) =	vadd.scan.msk.f32 $0xffff, v31;
	v8 =	vld [tilespmem:s18+$0x10];
	[tilespmem:v26+s23+$0x0] =	vst.idx.msk vm1, v18;
	v12 =	vadd.f32 s7, v10;
	s7 =	sadd.f32 s12, s7  }
0x20f: {  	v2 =	vld [tilespmem:s0+$0xFFFFFFC0];
	v24 =	vsub.f32 v11, v3;
	v15 =	vsub.f32 v40, v15;
	(xrf2) =	vadd.scan.msk.f32 $0xffff, v27;
	s13 =	spop (v2sf);
	[tilespmem:v59+s24+$0x0] =	vst.idx.msk vm1, v18  }
0x210: {  	vm0 =	vne.s32 v6, v7;
	v19 =	vld [tilespmem:s1+$0x4F];
	v17 =	vshll.u32 v17, $0x4;
	[tilespmem:v25+s23+$0x0] =	vst.idx.msk vm2, v12;
	v21 =	vadd.f32 s7, v5;
	s1 =	sadd.f32 s13, s7  }
0x211: {  	(xrf2) =	vadd.scan.msk.f32 $0xffff, v9;
	v18 =	vld.idx.msk [tilespmem:v13+s5+$0x0], $0xffff;
	s26 =	spop (v2sf);
	v17 =	vor.u32 v1, v17;
	s7 =	simm.s32 $0xA0;
	[tilespmem:v34+s24+$0x0] =	vst.idx.msk vm2, v12  }
0x212: {  	v11 =	vld [tilespmem:s0+$0xFFFFFFD0];
	s18 =	sand.u32 $0x1FE0, s7;
	v12 =	vsub.f32 v20, v4;
	vm2 =	vne.s32 v62, v16;
	[tilespmem:v36+s23+$0x0] =	vst.idx.msk vm3, v21;
	v13 =	vadd.f32 s1, v15;
	s1 =	sadd.f32 s26, s1  }
0x213: {  	s28 =	spop (v2sf);
	v4 =	vshll.u32 v8, $0x4;
	v25 =	vld [tilespmem:s18+$0x2900];
	[tilespmem:v39+s24+$0x0] =	vst.idx.msk vm3, v21  }
0x214: {  	v10 =	vld [tilespmem:s0+$0xFFFFFFBF];
	v8, _, _ =	vpop (xrf2);
	(xrf2) =	vadd.scan.msk.f32 $0xffff, v14;
	v15 =	vsub.f32 v42, v57;
	[tilespmem:v41+s23+$0x0] =	vst.idx.msk vm15, v13;
	v23 =	vadd.f32 s1, v12;
	s1 =	sadd.f32 s28, s1  }
0x215: {  	vm1 =	vne.s32 v63, v19;
	v5 =	vld [tilespmem:s18+$0x3900];
	v21 =	vor.u32 v1, v4;
	[tilespmem:v61+s24+$0x0] =	vst.idx.msk vm15, v13  }
0x216: {  	v4 =	vld [tilespmem:s0+$0x2F];
	s29 =	spop (v2sf);
	[tilespmem:v6+s23+$0x0] =	vst.idx.msk vm0, v23;
	v26 =	vadd.f32 s1, v15  }
0x217: {  	v20 =	vld.idx.msk [tilespmem:v17+s5+$0x0], $0xffff;
	s1 =	sadd.f32 s29, s1;
	[tilespmem:v7+s24+$0x0] =	vst.idx.msk vm0, v23  }
0x218: {  	v12 =	vld [tilespmem:s0+$0xFFFFFFCF];
	v17, _, _ =	vpop (xrf2);
	(xrf2) =	vadd.scan.msk.f32 $0xffff, v18;
	v25 =	vshll.u32 v25, $0x4;
	[tilespmem:v62+s23+$0x0] =	vst.idx.msk vm2, v26  }
0x219: {  	v3 =	vsub.f32 v8, v32;
	v13 =	vld [tilespmem:s0+$0xFFFFFFE0];
	v22, _, _ =	vpop (xrf2);
	v24 =	vadd.f32 s1, v24;
	[tilespmem:v16+s24+$0x0] =	vst.idx.msk vm2, v26;
	v26 =	vor.u32 v1, v25  }
0x21a: {  	s8 =	simm.s32 $0x2;
	s30 =	spop (v2sf);
	v6 =	vsub.f32 v17, v29;
	v7 =	vsub.f32 v22, v31;
	v23, _, _ =	vpop (xrf2);
	v21 =	vld.idx.msk [tilespmem:v21+s5+$0x0], $0xffff  }
0x21b: {  	s9 =	simm.s32 $0x2A10;
	s12 =	sadd.f32 s30, s1;
	vm0 =	vne.s32 v5, v4;
	s1 =	simm.s32 $0x3970;
	v15 =	vsub.f32 v23, v27;
	v16 =	vld [tilespmem:s0+$0xFFFFFFDF];
	v25, _, _ =	vpop (xrf2);
	[tilespmem:v63+s23+$0x0] =	vst.idx.msk vm1, v24  }
.LBB2_9:
0x21c: {  	v27 =	vld [tilespmem:s9+$0x40];
	v9 =	vsub.f32 v25, v9;
	(xrf2) =	vadd.scan.msk.f32 $0xffff, v20;
	[tilespmem:v19+s24+$0x0] =	vst.idx.msk vm1, v24  }
0x21d: {  	vm1 =	vne.s32 v2, v10;
	v19 =	vld [tilespmem:s0+$0xFFFFFFF0]  }
0x21e: {  	v24 =	vld.idx.msk [tilespmem:v26+s5+$0x0], $0xffff;
	v26, _, _ =	vpop (xrf2)  }
0x21f: {  	v28 =	vld [tilespmem:s9+$0x20];
	v14 =	vsub.f32 v26, v14;
	(v2sf) =	vpush v26, $0xF  }
0x220: {  	v26 =	vld [tilespmem:s0+$0xFFFFFFEF];
	(xrf2) =	vadd.scan.msk.f32 $0xffff, v21  }
0x221: {  	v27 =	vshll.u32 v27, $0x4;
	v29 =	vld [tilespmem:s0+$0x0];
	v14 =	vadd.f32 s12, v14;
	(v2sf) =	vpush v25, $0xF  }
0x222: {  	v25 =	vld [tilespmem:s9+$0x0];
	v27 =	vor.u32 v1, v27;
	v30, _, _ =	vpop (xrf2)  }
0x223: {  	s0 =	sadd.s32 $0xA0, s0;
	v31 =	vld [tilespmem:s1+$0xFFFFFFFF];
	[tilespmem:v2+s23+$0x0] =	vst.idx.msk vm1, v14;
	v18 =	vsub.f32 v30, v18;
	(v2sf) =	vpush v30, $0xF  }
0x224: {  	v2 =	vld [tilespmem:s0+$0xFFFFFFC0];
	v30 =	vshll.u32 v28, $0x4;
	[tilespmem:v10+s24+$0x0] =	vst.idx.msk vm1, v14;
	(xrf2) =	vadd.scan.msk.f32 $0xffff, v24  }
0x225: {  	v10 =	vld [tilespmem:s9+$0xFFFFFFE0];
	v14 =	vor.u32 v1, v30;
	(v2sf) =	vpush v23, $0xF  }
0x226: {  	v23 =	vld [tilespmem:s1+$0x10];
	v28, _, _ =	vpop (xrf2)  }
0x227: {  	v25 =	vshll.u32 v25, $0x4;
	v27 =	vld.idx.msk [tilespmem:v27+s5+$0x0], $0xffff;
	v20 =	vsub.f32 v28, v20;
	(v2sf) =	vpush v28, $0xF  }
0x228: {  	v28 =	vld [tilespmem:s9+$0xFFFFFFC0];
	v25 =	vor.u32 v1, v25  }
0x229: {  	s8 =	sadd.s32 $0x2, s8;
	v30 =	vld [tilespmem:s1+$0xF];
	(v2sf) =	vpush v22, $0xF  }
0x22a: {  	p0 =	slt.u32 s8, $0x30;
	v10 =	vshll.u32 v10, $0x4;
	v22 =	vld.idx.msk [tilespmem:v14+s5+$0x0], $0xffff;
	v14, _, _ =	vpop (xrf2)  }
0x22b: {  	v32 =	vld [tilespmem:s9+$0xFFFFFFB0];
	v10 =	vor.u32 v1, v10;
	v21 =	vsub.f32 v14, v21;
	(v2sf) =	vpush v14, $0xF  }
0x22c: {  	v33 =	vld [tilespmem:s1+$0x20]  }
0x22d: {  	vm3 =	vne.s32 v11, v12;
	v14 =	vshll.u32 v28, $0x4;
	v25 =	vld.idx.msk [tilespmem:v25+s5+$0x0], $0xffff;
	(xrf2) =	vadd.scan.msk.f32 $0xffff, v27;
	(v2sf) =	vpush v17, $0xF  }
0x22e: {  	v14 =	vor.u32 v1, v14;
	v28 =	vld [tilespmem:s1+$0x1F];
	s13 =	spop (v2sf);
	v17, _, _ =	vpop (xrf2)  }
0x22f: {  	vm2 =	vne.s32 v13, v16;
	v34 =	vld [tilespmem:s9+$0xFFFFFFD0];
	s12 =	sadd.f32 s13, s12;
	v24 =	vsub.f32 v17, v24;
	(v2sf) =	vpush v17, $0xF  }
0x230: {  	vm1 =	vne.s32 v19, v26;
	v17 =	vshll.u32 v32, $0x4;
	v32 =	vld.idx.msk [tilespmem:v10+s5+$0x0], $0xffff;
	(xrf2) =	vadd.scan.msk.f32 $0xffff, v22;
	s13 =	spop (v2sf)  }
0x231: {  	v10 =	vor.u32 v1, v17;
	v17 =	vadd.f32 s12, v9;
	s12 =	sadd.f32 s13, s12;
	v35 =	vld [tilespmem:s1+$0x40];
	(v2sf) =	vpush v8, $0xF  }
0x232: {  	v36 =	vld [tilespmem:s9+$0xFFFFFFF0];
	s13 =	spop (v2sf)  }
0x233: {  	vm4 =	vne.s32 v29, v31;
	v9 =	vld.idx.msk [tilespmem:v14+s5+$0x0], $0xffff;
	(xrf2) =	vadd.scan.msk.f32 $0xffff, v25;
	[tilespmem:v11+s23+$0x0] =	vst.idx.msk vm3, v17;
	v8 =	vadd.f32 s12, v18;
	s12 =	sadd.f32 s13, s12  }
0x234: {  	v11 =	vshll.u32 v34, $0x4;
	[tilespmem:v12+s24+$0x0] =	vst.idx.msk vm3, v17;
	v34 =	vld [tilespmem:s1+$0x3F];
	s13 =	spop (v2sf)  }
0x235: {  	vm3 =	vne.s32 v23, v30;
	v11 =	vor.u32 v1, v11;
	[tilespmem:v13+s23+$0x0] =	vst.idx.msk vm2, v8;
	v12 =	vadd.f32 s12, v15;
	s12 =	sadd.f32 s13, s12;
	v37 =	vld [tilespmem:s1+$0x50]  }
0x236: {  	v14 =	vld.idx.msk [tilespmem:v10+s5+$0x0], $0xffff;
	(xrf2) =	vadd.scan.msk.f32 $0xffff, v32;
	[tilespmem:v16+s24+$0x0] =	vst.idx.msk vm2, v8;
	s13 =	spop (v2sf)  }
0x237: {  	vm2 =	vne.s32 v33, v28;
	v13 =	vld [tilespmem:s9+$0x10];
	v8, _, _ =	vpop (xrf2);
	[tilespmem:v19+s23+$0x0] =	vst.idx.msk vm1, v12;
	v15 =	vadd.f32 s12, v20;
	s12 =	sadd.f32 s13, s12  }
0x238: {  	v16 =	vshll.u32 v36, $0x4;
	v27 =	vsub.f32 v8, v27;
	[tilespmem:v26+s24+$0x0] =	vst.idx.msk vm1, v12;
	v19 =	vld [tilespmem:s1+$0x4F];
	s13 =	spop (v2sf);
	s1 =	smov.u32 s0  }
0x239: {  	s7 =	sadd.s32 $0xA0, s7;
	v12 =	vor.u32 v1, v16;
	v10 =	vld [tilespmem:s0+$0xFFFFFFBF];
	(xrf2) =	vadd.scan.msk.f32 $0xffff, v9;
	[tilespmem:v29+s23+$0x0] =	vst.idx.msk vm4, v15;
	v7 =	vadd.f32 s12, v7;
	s12 =	sadd.f32 s13, s12  }
0x23a: {  	s13 =	sand.u32 $0x1FE0, s7;
	v18 =	vld.idx.msk [tilespmem:v11+s5+$0x0], $0xffff;
	v17, _, _ =	vpop (xrf2);
	[tilespmem:v31+s24+$0x0] =	vst.idx.msk vm4, v15;
	s18 =	spop (v2sf)  }
0x23b: {  	vm4 =	vne.s32 v35, v34;
	v15 =	vld [tilespmem:s13+$0x2900];
	v11 =	vsub.f32 v17, v22;
	[tilespmem:v23+s23+$0x0] =	vst.idx.msk vm3, v7;
	v16 =	vadd.f32 s12, v21;
	s12 =	sadd.f32 s18, s12  }
0x23c: {  	v13 =	vshll.u32 v13, $0x4;
	v29 =	vld [tilespmem:s13+$0x3900];
	(xrf2) =	vadd.scan.msk.f32 $0xffff, v14;
	[tilespmem:v30+s24+$0x0] =	vst.idx.msk vm3, v7;
	s13 =	spop (v2sf)  }
0x23d: {  	v21 =	vor.u32 v1, v13;
	v30 =	vld [tilespmem:s0+$0x2F];
	v22, _, _ =	vpop (xrf2);
	[tilespmem:v33+s23+$0x0] =	vst.idx.msk vm2, v16;
	v13 =	vadd.f32 s12, v6;
	s12 =	sadd.f32 s13, s12;
	vm1 =	vne.s32 v37, v19  }
0x23e: {  	v6 =	vmov v11;
	v20 =	vld.idx.msk [tilespmem:v12+s5+$0x0], $0xffff;
	v7 =	vsub.f32 v22, v25;
	[tilespmem:v28+s24+$0x0] =	vst.idx.msk vm2, v16;
	s13 =	spop (v2sf)  }
.Ltmp3:
0x23f: {  	v11 =	vld [tilespmem:s0+$0xFFFFFFD0];
	[tilespmem:v5+s23+$0x0] =	vst.idx.msk vm0, v13;
	v25 =	vadd.f32 s12, v24;
	s12 =	sadd.f32 s13, s12;
	(pc) =	sbr.rel @p0 .LBB2_9-.Ltmp3, $4  }
0x240: {  	v12 =	vld [tilespmem:s0+$0xFFFFFFCF];
	v16 =	vshll.u32 v15, $0x4;
	(xrf2) =	vadd.scan.msk.f32 $0xffff, v18;
	v23, _, _ =	vpop (xrf2);
	[tilespmem:v4+s24+$0x0] =	vst.idx.msk vm0, v13;
	s13 =	spop (v2sf)  }
0x241: {  	v13 =	vld [tilespmem:s0+$0xFFFFFFE0];
	v15 =	vsub.f32 v23, v32;
	v26 =	vor.u32 v1, v16;
	[tilespmem:v35+s23+$0x0] =	vst.idx.msk vm4, v25;
	v24 =	vadd.f32 s12, v3;
	s12 =	sadd.f32 s13, s12  }
0x242: {  	v3 =	vmov v27;
	v5 =	vmov v29;
	v21 =	vld.idx.msk [tilespmem:v21+s5+$0x0], $0xffff;
	vm0 =	vne.s32 v29, v30;
	[tilespmem:v34+s24+$0x0] =	vst.idx.msk vm4, v25  }
0x243: {  	s9 =	sadd.s32 $0xA0, s9;
	v4 =	vmov v30;
	v16 =	vld [tilespmem:s0+$0xFFFFFFDF];
	v25, _, _ =	vpop (xrf2);
	[tilespmem:v37+s23+$0x0] =	vst.idx.msk vm1, v24  }
0x244: {  	_ = 	snop  }
0x245: {  	(xrf2) =	vadd.scan.msk.f32 $0xffff, v20;
	_ =	sdelay $0x1  }
0x246: {  	v27, _, _ =	vpop (xrf2)  }
0x247: {  	v26 =	vld.idx.msk [tilespmem:v26+s5+$0x0], $0xffff;
	(v2sf) =	vpush v27, $0xF  }
0x248: {  	(xrf2) =	vadd.scan.msk.f32 $0xffff, v21  }
0x249: {  	(v2sf) =	vpush v25, $0xF  }
0x24a: {  	v28, _, _ =	vpop (xrf2)  }
0x24b: {  	(v2sf) =	vpush v28, $0xF  }
0x24c: {  	(xrf2) =	vadd.scan.msk.f32 $0xffff, v26  }
0x24d: {  	(v2sf) =	vpush v23, $0xF  }
0x24e: {  	v47, _, _ =	vpop (xrf2)  }
0x24f: {  	(v2sf) =	vpush v47, $0xF;
	_ =	sdelay $0x1  }
0x250: {  	(v2sf) =	vpush v22, $0xF  }
0x251: {  	v48, _, _ =	vpop (xrf2)  }
0x252: {  	v29 =	vld [tilespmem:s0+$0xFFFFFFF0];
	vm2 =	vne.s32 v2, v10;
	(v2sf) =	vpush v48, $0xF  }
0x253: {  	v30 =	vld [tilespmem:s0+$0xFFFFFFEF]  }
0x254: {  	v49 =	vld [tilespmem:s0+$0x0];
	vm3 =	vne.s32 v11, v12;
	v14 =	vsub.f32 v27, v14;
	(v2sf) =	vpush v17, $0xF  }
0x255: {  	v9 =	vsub.f32 v25, v9;
	v50 =	vld [tilespmem:s1+$0xFFFFFFFF];
	v51, _, _ =	vpop (xrf2);
	s8 =	spop (v2sf)  }
0x256: {  	v31 =	vld [tilespmem:s1+$0x10];
	vm4 =	vne.s32 v13, v16;
	v14 =	vadd.f32 s12, v14;
	(v2sf) =	vpush v51, $0xF;
	s0 =	sadd.f32 s8, s12  }
0x257: {  	[tilespmem:v19+s24+$0x0] =	vst.idx.msk vm1, v24;
	v52 =	vld [tilespmem:s1+$0xF];
	s7 =	spop (v2sf)  }
0x258: {  	v53 =	vld [tilespmem:s1+$0x20];
	vm10 =	vne.s32 v29, v30;
	[tilespmem:v2+s23+$0x0] =	vst.idx.msk vm2, v14;
	v2 =	vsub.f32 v28, v18;
	v9 =	vadd.f32 s0, v9;
	s0 =	sadd.f32 s7, s0  }
0x259: {  	v54 =	vld [tilespmem:s1+$0x1F];
	[tilespmem:v10+s24+$0x0] =	vst.idx.msk vm2, v14;
	s9 =	spop (v2sf)  }
0x25a: {  	vm11 =	vne.s32 v49, v50;
	[tilespmem:v11+s23+$0x0] =	vst.idx.msk vm3, v9;
	v2 =	vadd.f32 s0, v2;
	s0 =	sadd.f32 s9, s0  }
0x25b: {  	(v2sf) =	vpush v8, $0xF;
	s12 =	spop (v2sf);
	[tilespmem:v12+s24+$0x0] =	vst.idx.msk vm3, v9  }
0x25c: {  	v56 =	vld [tilespmem:s1+$0x40];
	vm12 =	vne.s32 v31, v52;
	v55 =	vsub.f32 v47, v20;
	[tilespmem:v13+s23+$0x0] =	vst.idx.msk vm4, v2;
	v57 =	vadd.f32 s0, v15;
	s0 =	sadd.f32 s12, s0  }
0x25d: {  	v58 =	vld [tilespmem:s1+$0x3F];
	[tilespmem:v16+s24+$0x0] =	vst.idx.msk vm4, v2;
	s13 =	spop (v2sf)  }
0x25e: {  	v59 =	vld [tilespmem:s1+$0x4F];
	vm13 =	vne.s32 v53, v54;
	[tilespmem:v29+s23+$0x0] =	vst.idx.msk vm10, v57;
	v8 =	vadd.f32 s0, v55;
	s0 =	sadd.f32 s13, s0  }
0x25f: {  	v2 =	vld [tilespmem:s1+$0x50];
	s18 =	spop (v2sf);
	[tilespmem:v30+s24+$0x0] =	vst.idx.msk vm10, v57  }
0x260: {  	v60 =	vsub.f32 v48, v21;
	[tilespmem:v49+s23+$0x0] =	vst.idx.msk vm11, v8;
	v7 =	vadd.f32 s0, v7;
	s0 =	sadd.f32 s18, s0  }
0x261: {  	s26 =	spop (v2sf);
	[tilespmem:v50+s24+$0x0] =	vst.idx.msk vm11, v8  }
0x262: {  	vm14 =	vne.s32 v56, v58;
	[tilespmem:v31+s23+$0x0] =	vst.idx.msk vm12, v7;
	v61 =	vadd.f32 s0, v60;
	s0 =	sadd.f32 s26, s0  }
0x263: {  	s28 =	spop (v2sf);
	[tilespmem:v52+s24+$0x0] =	vst.idx.msk vm12, v7  }
0x264: {  	v62 =	vsub.f32 v51, v26;
	vm15 =	vne.s32 v2, v59;
	[tilespmem:v53+s23+$0x0] =	vst.idx.msk vm13, v61;
	v6 =	vadd.f32 s0, v6;
	s0 =	sadd.f32 s28, s0  }
0x265: {  	s3 =	sadd.s32 $0x1, s3;
	s29 =	spop (v2sf);
	[tilespmem:v54+s24+$0x0] =	vst.idx.msk vm13, v61  }
0x266: {  	p0 =	sne.s32 s3, $0xC;
	[tilespmem:v5+s23+$0x0] =	vst.idx.msk vm0, v6;
	v63 =	vadd.f32 s0, v62;
	s0 =	sadd.f32 s29, s0  }
.Ltmp4:
0x267: {  	[tilespmem:v4+s24+$0x0] =	vst.idx.msk vm0, v6;
	(pc) =	sbr.rel @p0 .LBB2_6-.Ltmp4, $4  }
0x268: {  	[tilespmem:v56+s23+$0x0] =	vst.idx.msk vm14, v63;
	v3 =	vadd.f32 s0, v3  }
0x269: {  	[tilespmem:v58+s24+$0x0] =	vst.idx.msk vm14, v63  }
0x26a: {  	s30 =	spop (v2sf);
	[tilespmem:v2+s23+$0x0] =	vst.idx.msk vm15, v3  }
0x26b: {  	s7 =	sadd.f32 s30, s0;
	[tilespmem:v59+s24+$0x0] =	vst.idx.msk vm15, v3  }
0x26c: {  	_ =	swait.ge [sflag:s22], $0xFA0  }
0x26d: {  	[sflag:s22] =	ssyncset.done $0x0  }
0x26e: {  	[sflag:s22] =	ssyncadd.s32 $0xFFFFF060  }
0x26f: {  	_ =	swait.ge [sflag:s22], $0x10  }
0x270: {  	[sflag:s22] =	ssyncset.done $0x0  }
0x271: {  	[sflag:s22] =	ssyncadd.s32 $0xFFFFFFF0  }
0x272: {  	_ =	swait.ge [sflag:s22], $0xFA0  }
0x273: {  	[sflag:s22] =	ssyncset.done $0x0  }
0x274: {  	s0 =	simm.s32 $0x8D0;
	[sflag:s22] =	ssyncadd.s32 $0xFFFFF060  }
0x275: {  	v2 =	vld [tilespmem:s0+$0x40]  }
0x276: {  	v3 =	vld [tilespmem:s0+$0x20];
	_ =	sdelay $0x1  }
0x277: {  	v4 =	vld [tilespmem:s0+$0x0]  }
0x278: {  	v5 =	vld [tilespmem:s0+$0xFFFFFFE0]  }
0x279: {  	v6 =	vld [tilespmem:s0+$0xFFFFFFC0];
	v2 =	vshll.u32 v2, $0x4  }
0x27a: {  	v7 =	vld [tilespmem:s0+$0xFFFFFFB0];
	v3 =	vshll.u32 v3, $0x4;
	v2 =	vor.u32 v1, v2  }
0x27b: {  	v8 =	vor.u32 v1, v3  }
0x27c: {  	v3 =	vshll.u32 v4, $0x4  }
0x27d: {  	v9 =	vor.u32 v1, v3;
	v3 =	vshll.u32 v5, $0x4  }
0x27e: {  	v4 =	vshll.u32 v6, $0x4;
	v6 =	vld [tilespmem:s0+$0xFFFFFFD0];
	v10 =	vor.u32 v1, v3  }
0x27f: {  	v5 =	vshll.u32 v7, $0x4;
	v3 =	vld.idx.msk [tilespmem:v2+s5+$0x0], $0xffff;
	v2 =	vor.u32 v1, v4  }
0x280: {  	v7 =	vor.u32 v1, v5;
	v4 =	vld.idx.msk [tilespmem:v8+s5+$0x0], $0xffff  }
0x281: {  	v8 =	vld [tilespmem:s0+$0xFFFFFFF0]  }
0x282: {  	v5 =	vld.idx.msk [tilespmem:v9+s5+$0x0], $0xffff  }
0x283: {  	v6 =	vshll.u32 v6, $0x4;
	v9 =	vld.idx.msk [tilespmem:v10+s5+$0x0], $0xffff  }
0x284: {  	v10 =	vld.idx.msk [tilespmem:v2+s5+$0x0], $0xffff;
	v2 =	vor.u32 v1, v6;
	(xrf2) =	vadd.scan.msk.f32 $0xffff, v3  }
0x285: {  	v7 =	vld.idx.msk [tilespmem:v7+s5+$0x0], $0xffff  }
0x286: {  	s1 =	simm.s32 $0x18D0;
	v6 =	vld [tilespmem:s0+$0x10];
	(xrf2) =	vadd.scan.msk.f32 $0xffff, v4  }
0x287: {  	v12 =	vld [tilespmem:s1+$0xFFFFFFC0];
	v8 =	vshll.u32 v8, $0x4;
	(xrf2) =	vadd.scan.msk.f32 $0xffff, v5  }
0x288: {  	v13 =	vld [tilespmem:s1+$0xFFFFFFBF];
	v11 =	vor.u32 v1, v8;
	(xrf2) =	vadd.scan.msk.f32 $0xffff, v9  }
0x289: {  	s28 =	simm.s32 $0x0;
	(xrf2) =	vadd.scan.msk.f32 $0xffff, v10;
	v14 =	vld.idx.msk [tilespmem:v2+s5+$0x0], $0xffff  }
0x28a: {  	v17 =	vld [tilespmem:s1+$0xFFFFFFD0];
	s0 =	sand.u32 $0x1FE0, s28;
	(xrf2) =	vadd.scan.msk.f32 $0xffff, v7  }
0x28b: {  	v2 =	vld [tilespmem:s0+$0x900];
	v8 =	vshll.u32 v6, $0x4  }
0x28c: {  	v18 =	vld [tilespmem:s1+$0xFFFFFFCF];
	v15 =	vor.u32 v1, v8  }
0x28d: {  	v16 =	vld.idx.msk [tilespmem:v11+s5+$0x0], $0xffff  }
0x28e: {  	v19 =	vld [tilespmem:s1+$0xFFFFFFE0];
	v11, _, _ =	vpop (xrf2);
	(xrf2) =	vadd.scan.msk.f32 $0xffff, v14  }
0x28f: {  	s3 =	simm.s32 $0x970;
	v23 =	vld [tilespmem:s1+$0xFFFFFFDF]  }
0x290: {  	v25 =	vld [tilespmem:s3+$0x40];
	v2 =	vshll.u32 v2, $0x4;
	v20, _, _ =	vpop (xrf2)  }
0x291: {  	v2 =	vor.u32 v1, v2;
	v15 =	vld.idx.msk [tilespmem:v15+s5+$0x0], $0xffff;
	v21, _, _ =	vpop (xrf2)  }
0x292: {  	v26 =	vld [tilespmem:s1+$0xFFFFFFF0];
	(xrf2) =	vadd.scan.msk.f32 $0xffff, v16;
	v22, _, _ =	vpop (xrf2)  }
0x293: {  	v29 =	vld [tilespmem:s3+$0x20];
	v24, _, _ =	vpop (xrf2)  }
0x294: {  	v30 =	vld [tilespmem:s1+$0xFFFFFFEF];
	v27, _, _ =	vpop (xrf2)  }
0x295: {  	v31 =	vld [tilespmem:s3+$0x0];
	(v2sf) =	vpush v27, $0xF  }
0x296: {  	v28 =	vld.idx.msk [tilespmem:v2+s5+$0x0], $0xffff;
	(xrf2) =	vadd.scan.msk.f32 $0xffff, v15  }
0x297: {  	v34 =	vld [tilespmem:s1+$0xFFFFFFFF];
	(v2sf) =	vpush v24, $0xF  }
0x298: {  	v35 =	vld [tilespmem:s3+$0xFFFFFFE0];
	v33, _, _ =	vpop (xrf2)  }
0x299: {  	v36 =	vld [tilespmem:s1+$0x10];
	(v2sf) =	vpush v33, $0xF  }
0x29a: {  	v38 =	vld [tilespmem:s3+$0xFFFFFFC0];
	v29 =	vshll.u32 v29, $0x4  }
0x29b: {  	v39 =	vld [tilespmem:s1+$0xF];
	v29 =	vor.u32 v1, v29;
	(xrf2) =	vadd.scan.msk.f32 $0xffff, v28;
	(v2sf) =	vpush v22, $0xF  }
0x29c: {  	v41 =	vld [tilespmem:s1+$0x20];
	v31 =	vshll.u32 v31, $0x4;
	v37, _, _ =	vpop (xrf2)  }
0x29d: {  	v61 =	vld [tilespmem:s1+$0x1F];
	v31 =	vor.u32 v1, v31;
	(v2sf) =	vpush v37, $0xF  }
0x29e: {  	v62 =	vld [tilespmem:s1+$0x40];
	v2 =	vshll.u32 v25, $0x4  }
0x29f: {  	v63 =	vld [tilespmem:s1+$0x50];
	vm1 =	vne.s32 v12, v13;
	v32 =	vor.u32 v1, v2;
	(v2sf) =	vpush v21, $0xF  }
0x2a0: {  	v29 =	vld.idx.msk [tilespmem:v29+s5+$0x0], $0xffff;
	v40, _, _ =	vpop (xrf2)  }
0x2a1: {  	v7 =	vsub.f32 v27, v7;
	v27 =	vld [tilespmem:s3+$0xFFFFFFB0];
	(v2sf) =	vpush v40, $0xF  }
0x2a2: {  	v35 =	vshll.u32 v35, $0x4;
	vm0 =	vne.s32 v17, v18;
	v38 =	vshll.u32 v38, $0x4;
	v31 =	vld.idx.msk [tilespmem:v31+s5+$0x0], $0xffff  }
0x2a3: {  	v35 =	vor.u32 v1, v35;
	v25 =	vld [tilespmem:s1+$0x0];
	v7 =	vadd.f32 s7, v7;
	(v2sf) =	vpush v20, $0xF  }
0x2a4: {  	v10 =	vsub.f32 v24, v10;
	v24 =	vor.u32 v1, v38;
	v32 =	vld.idx.msk [tilespmem:v32+s5+$0x0], $0xffff;
	s8 =	spop (v2sf)  }
0x2a5: {  	vm4 =	vne.s32 v19, v23;
	[tilespmem:v12+s23+$0x0] =	vst.idx.msk vm1, v7;
	v12 =	vld [tilespmem:s3+$0xFFFFFFD0];
	v42, _, _ =	vpop (xrf2);
	s29 =	sadd.f32 s8, s7  }
0x2a6: {  	v6 =	vld [tilespmem:s0+$0x1900];
	[tilespmem:v13+s24+$0x0] =	vst.idx.msk vm1, v7;
	v7 =	vshll.u32 v27, $0x4;
	v13 =	vsub.f32 v33, v14;
	(v2sf) =	vpush v42, $0xF;
	s30 =	spop (v2sf)  }
0x2a7: {  	v8 =	vld [tilespmem:s1+$0x2F];
	vm1 =	vne.s32 v26, v30;
	v7 =	vor.u32 v1, v7;
	v10 =	vadd.f32 s29, v10;
	s7 =	sadd.f32 s30, s29  }
0x2a8: {  	vm2 =	vne.s32 v25, v34;
	v27 =	vld.idx.msk [tilespmem:v35+s5+$0x0], $0xffff;
	s31 =	spop (v2sf)  }
0x2a9: {  	v14 =	vsub.f32 v22, v9;
	v9 =	vld.idx.msk [tilespmem:v24+s5+$0x0], $0xffff;
	(xrf2) =	vadd.scan.msk.f32 $0xffff, v32;
	[tilespmem:v17+s23+$0x0] =	vst.idx.msk vm0, v10;
	v13 =	vadd.f32 s7, v13;
	s7 =	sadd.f32 s31, s7  }
0x2aa: {  	vm3 =	vne.s32 v36, v39;
	v12 =	vshll.u32 v12, $0x4;
	(v2sf) =	vpush v11, $0xF;
	v17 =	vld [tilespmem:s3+$0xFFFFFFF0];
	s9 =	spop (v2sf);
	[tilespmem:v18+s24+$0x0] =	vst.idx.msk vm0, v10  }
0x2ab: {  	v12 =	vor.u32 v1, v12;
	v10 =	vsub.f32 v37, v16;
	v16 =	vld [tilespmem:s1+$0x3F];
	[tilespmem:v19+s23+$0x0] =	vst.idx.msk vm4, v13;
	v18 =	vadd.f32 s7, v14;
	s7 =	sadd.f32 s9, s7  }
0x2ac: {  	vm15 =	vne.s32 v41, v61;
	s12 =	spop (v2sf);
	v14 =	vld.idx.msk [tilespmem:v7+s5+$0x0], $0xffff;
	[tilespmem:v23+s24+$0x0] =	vst.idx.msk vm4, v13  }
0x2ad: {  	s0 =	simm.s32 $0x1970;
	v5 =	vsub.f32 v21, v5;
	(xrf2) =	vadd.scan.msk.f32 $0xffff, v29;
	v7 =	vld [tilespmem:s3+$0x10];
	[tilespmem:v26+s23+$0x0] =	vst.idx.msk vm1, v18;
	v13 =	vadd.f32 s7, v10;
	s13 =	sadd.f32 s12, s7  }
0x2ae: {  	v2 =	vld [tilespmem:s0+$0xFFFFFFC0];
	v24 =	vsub.f32 v11, v3;
	v15 =	vsub.f32 v40, v15;
	(xrf2) =	vadd.scan.msk.f32 $0xffff, v31;
	s18 =	spop (v2sf);
	[tilespmem:v30+s24+$0x0] =	vst.idx.msk vm1, v18  }
0x2af: {  	(xrf2) =	vadd.scan.msk.f32 $0xffff, v27;
	vm0 =	vne.s32 v6, v8;
	v19 =	vld [tilespmem:s1+$0x4F];
	[tilespmem:v25+s23+$0x0] =	vst.idx.msk vm2, v13;
	v21 =	vadd.f32 s13, v5;
	s1 =	sadd.f32 s18, s13  }
0x2b0: {  	(xrf2) =	vadd.scan.msk.f32 $0xffff, v9;
	s3 =	simm.s32 $0xA0;
	v17 =	vshll.u32 v17, $0x4;
	v18 =	vld.idx.msk [tilespmem:v12+s5+$0x0], $0xffff;
	s28 =	spop (v2sf);
	v12 =	vsub.f32 v20, v4;
	[tilespmem:v34+s24+$0x0] =	vst.idx.msk vm2, v13  }
0x2b1: {  	v11 =	vld [tilespmem:s0+$0xFFFFFFD0];
	s26 =	sand.u32 $0x1FE0, s3;
	v17 =	vor.u32 v1, v17;
	vm2 =	vne.s32 v62, v16;
	[tilespmem:v36+s23+$0x0] =	vst.idx.msk vm3, v21;
	v13 =	vadd.f32 s1, v15;
	s1 =	sadd.f32 s28, s1  }
0x2b2: {  	v25 =	vld [tilespmem:s26+$0x900];
	s29 =	spop (v2sf);
	v4 =	vshll.u32 v7, $0x4;
	[tilespmem:v39+s24+$0x0] =	vst.idx.msk vm3, v21  }
0x2b3: {  	v10 =	vld [tilespmem:s0+$0xFFFFFFBF];
	v7, _, _ =	vpop (xrf2);
	(xrf2) =	vadd.scan.msk.f32 $0xffff, v14;
	v15 =	vsub.f32 v42, v28;
	[tilespmem:v41+s23+$0x0] =	vst.idx.msk vm15, v13;
	v23 =	vadd.f32 s1, v12;
	s1 =	sadd.f32 s29, s1  }
0x2b4: {  	v5 =	vld [tilespmem:s26+$0x1900];
	vm1 =	vne.s32 v63, v19;
	v21 =	vor.u32 v1, v4;
	[tilespmem:v61+s24+$0x0] =	vst.idx.msk vm15, v13  }
0x2b5: {  	v4 =	vld [tilespmem:s0+$0x2F];
	s30 =	spop (v2sf);
	[tilespmem:v6+s23+$0x0] =	vst.idx.msk vm0, v23;
	v26 =	vadd.f32 s1, v15  }
0x2b6: {  	v20 =	vld.idx.msk [tilespmem:v17+s5+$0x0], $0xffff;
	s1 =	sadd.f32 s30, s1;
	[tilespmem:v8+s24+$0x0] =	vst.idx.msk vm0, v23  }
0x2b7: {  	v12 =	vld [tilespmem:s0+$0xFFFFFFCF];
	v17, _, _ =	vpop (xrf2);
	v25 =	vshll.u32 v25, $0x4;
	(xrf2) =	vadd.scan.msk.f32 $0xffff, v18;
	[tilespmem:v62+s23+$0x0] =	vst.idx.msk vm2, v26  }
0x2b8: {  	v3 =	vsub.f32 v7, v32;
	v13 =	vld [tilespmem:s0+$0xFFFFFFE0];
	v22, _, _ =	vpop (xrf2);
	v24 =	vadd.f32 s1, v24;
	[tilespmem:v16+s24+$0x0] =	vst.idx.msk vm2, v26;
	v26 =	vor.u32 v1, v25  }
0x2b9: {  	s8 =	simm.s32 $0xA10;
	s31 =	spop (v2sf);
	v6 =	vsub.f32 v17, v29;
	v8 =	vsub.f32 v22, v31;
	v23, _, _ =	vpop (xrf2);
	v21 =	vld.idx.msk [tilespmem:v21+s5+$0x0], $0xffff  }
0x2ba: {  	s7 =	simm.s32 $0x2;
	s9 =	sadd.f32 s31, s1;
	vm0 =	vne.s32 v5, v4;
	s1 =	simm.s32 $0x1970;
	v15 =	vsub.f32 v23, v27;
	v16 =	vld [tilespmem:s0+$0xFFFFFFDF];
	v25, _, _ =	vpop (xrf2);
	[tilespmem:v63+s23+$0x0] =	vst.idx.msk vm1, v24  }
.LBB2_12:
0x2bb: {  	v27 =	vld [tilespmem:s8+$0x40];
	v9 =	vsub.f32 v25, v9;
	(xrf2) =	vadd.scan.msk.f32 $0xffff, v20;
	[tilespmem:v19+s24+$0x0] =	vst.idx.msk vm1, v24  }
0x2bc: {  	vm1 =	vne.s32 v2, v10;
	v19 =	vld [tilespmem:s0+$0xFFFFFFF0]  }
0x2bd: {  	v24 =	vld.idx.msk [tilespmem:v26+s5+$0x0], $0xffff;
	v26, _, _ =	vpop (xrf2)  }
0x2be: {  	v28 =	vld [tilespmem:s8+$0x20];
	v14 =	vsub.f32 v26, v14;
	(v2sf) =	vpush v26, $0xF  }
0x2bf: {  	v26 =	vld [tilespmem:s0+$0xFFFFFFEF];
	(xrf2) =	vadd.scan.msk.f32 $0xffff, v21  }
0x2c0: {  	v27 =	vshll.u32 v27, $0x4;
	v29 =	vld [tilespmem:s0+$0x0];
	v14 =	vadd.f32 s9, v14;
	(v2sf) =	vpush v25, $0xF  }
0x2c1: {  	v25 =	vld [tilespmem:s8+$0x0];
	v27 =	vor.u32 v1, v27;
	v30, _, _ =	vpop (xrf2)  }
0x2c2: {  	s0 =	sadd.s32 $0xA0, s0;
	v31 =	vld [tilespmem:s1+$0xFFFFFFFF];
	[tilespmem:v2+s23+$0x0] =	vst.idx.msk vm1, v14;
	v18 =	vsub.f32 v30, v18;
	(v2sf) =	vpush v30, $0xF  }
0x2c3: {  	v2 =	vld [tilespmem:s0+$0xFFFFFFC0];
	v30 =	vshll.u32 v28, $0x4;
	[tilespmem:v10+s24+$0x0] =	vst.idx.msk vm1, v14;
	(xrf2) =	vadd.scan.msk.f32 $0xffff, v24  }
0x2c4: {  	v10 =	vld [tilespmem:s8+$0xFFFFFFE0];
	v14 =	vor.u32 v1, v30;
	(v2sf) =	vpush v23, $0xF  }
0x2c5: {  	v23 =	vld [tilespmem:s1+$0x10];
	v28, _, _ =	vpop (xrf2)  }
0x2c6: {  	v25 =	vshll.u32 v25, $0x4;
	v27 =	vld.idx.msk [tilespmem:v27+s5+$0x0], $0xffff;
	v20 =	vsub.f32 v28, v20;
	(v2sf) =	vpush v28, $0xF  }
0x2c7: {  	v28 =	vld [tilespmem:s8+$0xFFFFFFC0];
	v25 =	vor.u32 v1, v25  }
0x2c8: {  	s7 =	sadd.s32 $0x2, s7;
	v30 =	vld [tilespmem:s1+$0xF];
	(v2sf) =	vpush v22, $0xF  }
0x2c9: {  	p0 =	slt.u32 s7, $0x30;
	v10 =	vshll.u32 v10, $0x4;
	v22 =	vld.idx.msk [tilespmem:v14+s5+$0x0], $0xffff;
	v14, _, _ =	vpop (xrf2)  }
0x2ca: {  	v32 =	vld [tilespmem:s8+$0xFFFFFFB0];
	v10 =	vor.u32 v1, v10;
	v21 =	vsub.f32 v14, v21;
	(v2sf) =	vpush v14, $0xF  }
0x2cb: {  	v33 =	vld [tilespmem:s1+$0x20]  }
0x2cc: {  	vm3 =	vne.s32 v11, v12;
	v14 =	vshll.u32 v28, $0x4;
	v25 =	vld.idx.msk [tilespmem:v25+s5+$0x0], $0xffff;
	(xrf2) =	vadd.scan.msk.f32 $0xffff, v27;
	(v2sf) =	vpush v17, $0xF  }
0x2cd: {  	v14 =	vor.u32 v1, v14;
	v28 =	vld [tilespmem:s1+$0x1F];
	s12 =	spop (v2sf);
	v17, _, _ =	vpop (xrf2)  }
0x2ce: {  	vm2 =	vne.s32 v13, v16;
	v34 =	vld [tilespmem:s8+$0xFFFFFFD0];
	s9 =	sadd.f32 s12, s9;
	v24 =	vsub.f32 v17, v24;
	(v2sf) =	vpush v17, $0xF  }
0x2cf: {  	vm1 =	vne.s32 v19, v26;
	v17 =	vshll.u32 v32, $0x4;
	v32 =	vld.idx.msk [tilespmem:v10+s5+$0x0], $0xffff;
	(xrf2) =	vadd.scan.msk.f32 $0xffff, v22;
	s12 =	spop (v2sf)  }
0x2d0: {  	v10 =	vor.u32 v1, v17;
	v17 =	vadd.f32 s9, v9;
	s9 =	sadd.f32 s12, s9;
	v35 =	vld [tilespmem:s1+$0x40];
	(v2sf) =	vpush v7, $0xF  }
0x2d1: {  	v36 =	vld [tilespmem:s8+$0xFFFFFFF0];
	s12 =	spop (v2sf)  }
0x2d2: {  	vm4 =	vne.s32 v29, v31;
	v9 =	vld.idx.msk [tilespmem:v14+s5+$0x0], $0xffff;
	(xrf2) =	vadd.scan.msk.f32 $0xffff, v25;
	[tilespmem:v11+s23+$0x0] =	vst.idx.msk vm3, v17;
	v7 =	vadd.f32 s9, v18;
	s9 =	sadd.f32 s12, s9  }
0x2d3: {  	v11 =	vshll.u32 v34, $0x4;
	[tilespmem:v12+s24+$0x0] =	vst.idx.msk vm3, v17;
	v34 =	vld [tilespmem:s1+$0x3F];
	s12 =	spop (v2sf)  }
0x2d4: {  	vm3 =	vne.s32 v23, v30;
	v11 =	vor.u32 v1, v11;
	[tilespmem:v13+s23+$0x0] =	vst.idx.msk vm2, v7;
	v12 =	vadd.f32 s9, v15;
	s9 =	sadd.f32 s12, s9;
	v37 =	vld [tilespmem:s1+$0x50]  }
0x2d5: {  	v14 =	vld.idx.msk [tilespmem:v10+s5+$0x0], $0xffff;
	(xrf2) =	vadd.scan.msk.f32 $0xffff, v32;
	[tilespmem:v16+s24+$0x0] =	vst.idx.msk vm2, v7;
	s12 =	spop (v2sf)  }
0x2d6: {  	vm2 =	vne.s32 v33, v28;
	v13 =	vld [tilespmem:s8+$0x10];
	v7, _, _ =	vpop (xrf2);
	[tilespmem:v19+s23+$0x0] =	vst.idx.msk vm1, v12;
	v15 =	vadd.f32 s9, v20;
	s9 =	sadd.f32 s12, s9  }
0x2d7: {  	v16 =	vshll.u32 v36, $0x4;
	v27 =	vsub.f32 v7, v27;
	[tilespmem:v26+s24+$0x0] =	vst.idx.msk vm1, v12;
	v19 =	vld [tilespmem:s1+$0x4F];
	s12 =	spop (v2sf);
	s1 =	smov.u32 s0  }
0x2d8: {  	s3 =	sadd.s32 $0xA0, s3;
	v12 =	vor.u32 v1, v16;
	v10 =	vld [tilespmem:s0+$0xFFFFFFBF];
	(xrf2) =	vadd.scan.msk.f32 $0xffff, v9;
	[tilespmem:v29+s23+$0x0] =	vst.idx.msk vm4, v15;
	v8 =	vadd.f32 s9, v8;
	s9 =	sadd.f32 s12, s9  }
0x2d9: {  	s12 =	sand.u32 $0x1FE0, s3;
	v18 =	vld.idx.msk [tilespmem:v11+s5+$0x0], $0xffff;
	v17, _, _ =	vpop (xrf2);
	[tilespmem:v31+s24+$0x0] =	vst.idx.msk vm4, v15;
	s13 =	spop (v2sf)  }
0x2da: {  	vm4 =	vne.s32 v35, v34;
	v15 =	vld [tilespmem:s12+$0x900];
	v11 =	vsub.f32 v17, v22;
	[tilespmem:v23+s23+$0x0] =	vst.idx.msk vm3, v8;
	v16 =	vadd.f32 s9, v21;
	s9 =	sadd.f32 s13, s9  }
0x2db: {  	v13 =	vshll.u32 v13, $0x4;
	v29 =	vld [tilespmem:s12+$0x1900];
	(xrf2) =	vadd.scan.msk.f32 $0xffff, v14;
	[tilespmem:v30+s24+$0x0] =	vst.idx.msk vm3, v8;
	s12 =	spop (v2sf)  }
0x2dc: {  	v21 =	vor.u32 v1, v13;
	v30 =	vld [tilespmem:s0+$0x2F];
	v22, _, _ =	vpop (xrf2);
	[tilespmem:v33+s23+$0x0] =	vst.idx.msk vm2, v16;
	v13 =	vadd.f32 s9, v6;
	s9 =	sadd.f32 s12, s9;
	vm1 =	vne.s32 v37, v19  }
0x2dd: {  	v6 =	vmov v11;
	v20 =	vld.idx.msk [tilespmem:v12+s5+$0x0], $0xffff;
	v8 =	vsub.f32 v22, v25;
	[tilespmem:v28+s24+$0x0] =	vst.idx.msk vm2, v16;
	s12 =	spop (v2sf)  }
.Ltmp5:
0x2de: {  	v11 =	vld [tilespmem:s0+$0xFFFFFFD0];
	[tilespmem:v5+s23+$0x0] =	vst.idx.msk vm0, v13;
	v25 =	vadd.f32 s9, v24;
	s9 =	sadd.f32 s12, s9;
	(pc) =	sbr.rel @p0 .LBB2_12-.Ltmp5, $4  }
0x2df: {  	v12 =	vld [tilespmem:s0+$0xFFFFFFCF];
	v16 =	vshll.u32 v15, $0x4;
	(xrf2) =	vadd.scan.msk.f32 $0xffff, v18;
	v23, _, _ =	vpop (xrf2);
	[tilespmem:v4+s24+$0x0] =	vst.idx.msk vm0, v13;
	s12 =	spop (v2sf)  }
0x2e0: {  	v13 =	vld [tilespmem:s0+$0xFFFFFFE0];
	v15 =	vsub.f32 v23, v32;
	v26 =	vor.u32 v1, v16;
	[tilespmem:v35+s23+$0x0] =	vst.idx.msk vm4, v25;
	v24 =	vadd.f32 s9, v3;
	s9 =	sadd.f32 s12, s9  }
0x2e1: {  	v3 =	vmov v27;
	v5 =	vmov v29;
	v21 =	vld.idx.msk [tilespmem:v21+s5+$0x0], $0xffff;
	vm0 =	vne.s32 v29, v30;
	[tilespmem:v34+s24+$0x0] =	vst.idx.msk vm4, v25  }
0x2e2: {  	s8 =	sadd.s32 $0xA0, s8;
	v4 =	vmov v30;
	v16 =	vld [tilespmem:s0+$0xFFFFFFDF];
	v25, _, _ =	vpop (xrf2);
	[tilespmem:v37+s23+$0x0] =	vst.idx.msk vm1, v24  }
0x2e3: {  	_ = 	snop  }
0x2e4: {  	(xrf2) =	vadd.scan.msk.f32 $0xffff, v20;
	_ =	sdelay $0x1  }
0x2e5: {  	v27, _, _ =	vpop (xrf2)  }
0x2e6: {  	v26 =	vld.idx.msk [tilespmem:v26+s5+$0x0], $0xffff;
	(v2sf) =	vpush v27, $0xF  }
0x2e7: {  	(xrf2) =	vadd.scan.msk.f32 $0xffff, v21  }
0x2e8: {  	(v2sf) =	vpush v25, $0xF  }
0x2e9: {  	v28, _, _ =	vpop (xrf2)  }
0x2ea: {  	(v2sf) =	vpush v28, $0xF  }
0x2eb: {  	(xrf2) =	vadd.scan.msk.f32 $0xffff, v26  }
0x2ec: {  	(v2sf) =	vpush v23, $0xF  }
0x2ed: {  	v53, _, _ =	vpop (xrf2)  }
0x2ee: {  	(v2sf) =	vpush v53, $0xF;
	_ =	sdelay $0x1  }
0x2ef: {  	(v2sf) =	vpush v22, $0xF  }
0x2f0: {  	v54, _, _ =	vpop (xrf2)  }
0x2f1: {  	v29 =	vld [tilespmem:s0+$0xFFFFFFF0];
	vm2 =	vne.s32 v2, v10;
	(v2sf) =	vpush v54, $0xF  }
0x2f2: {  	v30 =	vld [tilespmem:s0+$0xFFFFFFEF]  }
0x2f3: {  	v55 =	vld [tilespmem:s0+$0x0];
	vm3 =	vne.s32 v11, v12;
	v14 =	vsub.f32 v27, v14;
	(v2sf) =	vpush v17, $0xF  }
0x2f4: {  	v9 =	vsub.f32 v25, v9;
	v17 =	vld [tilespmem:s1+$0xFFFFFFFF];
	v56, _, _ =	vpop (xrf2);
	s8 =	spop (v2sf)  }
0x2f5: {  	v31 =	vld [tilespmem:s1+$0x10];
	vm4 =	vne.s32 v13, v16;
	v14 =	vadd.f32 s9, v14;
	(v2sf) =	vpush v56, $0xF;
	s0 =	sadd.f32 s8, s9  }
0x2f6: {  	[tilespmem:v19+s24+$0x0] =	vst.idx.msk vm1, v24;
	v57 =	vld [tilespmem:s1+$0xF];
	s3 =	spop (v2sf)  }
0x2f7: {  	v58 =	vld [tilespmem:s1+$0x20];
	vm10 =	vne.s32 v29, v30;
	[tilespmem:v2+s23+$0x0] =	vst.idx.msk vm2, v14;
	v2 =	vsub.f32 v28, v18;
	v9 =	vadd.f32 s0, v9;
	s0 =	sadd.f32 s3, s0  }
0x2f8: {  	[tilespmem:v10+s24+$0x0] =	vst.idx.msk vm2, v14;
	v10 =	vld [tilespmem:s1+$0x1F];
	s9 =	spop (v2sf)  }
0x2f9: {  	vm11 =	vne.s32 v55, v17;
	[tilespmem:v11+s23+$0x0] =	vst.idx.msk vm3, v9;
	v2 =	vadd.f32 s0, v2;
	s0 =	sadd.f32 s9, s0  }
0x2fa: {  	s12 =	spop (v2sf);
	[tilespmem:v12+s24+$0x0] =	vst.idx.msk vm3, v9  }
0x2fb: {  	vm12 =	vne.s32 v31, v57;
	v11 =	vld [tilespmem:s1+$0x40];
	v9 =	vsub.f32 v53, v20;
	[tilespmem:v13+s23+$0x0] =	vst.idx.msk vm4, v2;
	v12 =	vadd.f32 s0, v15;
	s0 =	sadd.f32 s12, s0  }
0x2fc: {  	v13 =	vld [tilespmem:s1+$0x3F];
	[tilespmem:v16+s24+$0x0] =	vst.idx.msk vm4, v2;
	s13 =	spop (v2sf)  }
0x2fd: {  	vm13 =	vne.s32 v58, v10;
	v2 =	vld [tilespmem:s1+$0x50];
	[tilespmem:v29+s23+$0x0] =	vst.idx.msk vm10, v12;
	v9 =	vadd.f32 s0, v9;
	s0 =	sadd.f32 s13, s0  }
0x2fe: {  	s18 =	spop (v2sf);
	[tilespmem:v30+s24+$0x0] =	vst.idx.msk vm10, v12;
	v12 =	vld [tilespmem:s1+$0x4F]  }
0x2ff: {  	v14 =	vsub.f32 v54, v21;
	[tilespmem:v55+s23+$0x0] =	vst.idx.msk vm11, v9;
	v8 =	vadd.f32 s0, v8;
	s0 =	sadd.f32 s18, s0  }
0x300: {  	s26 =	spop (v2sf);
	[tilespmem:v17+s24+$0x0] =	vst.idx.msk vm11, v9  }
0x301: {  	vm14 =	vne.s32 v11, v13;
	[tilespmem:v31+s23+$0x0] =	vst.idx.msk vm12, v8;
	v9 =	vadd.f32 s0, v14;
	s0 =	sadd.f32 s26, s0  }
0x302: {  	(v2sf) =	vpush v7, $0xF;
	s28 =	spop (v2sf);
	[tilespmem:v57+s24+$0x0] =	vst.idx.msk vm12, v8  }
0x303: {  	v14 =	vsub.f32 v56, v26;
	[tilespmem:v58+s23+$0x0] =	vst.idx.msk vm13, v9;
	v6 =	vadd.f32 s0, v6;
	s0 =	sadd.f32 s28, s0;
	vm15 =	vne.s32 v2, v12  }
0x304: {  	s29 =	spop (v2sf);
	[tilespmem:v10+s24+$0x0] =	vst.idx.msk vm13, v9  }
0x305: {  	[tilespmem:v5+s23+$0x0] =	vst.idx.msk vm0, v6;
	v5 =	vadd.f32 s0, v14;
	s0 =	sadd.f32 s29, s0  }
0x306: {  	[tilespmem:v4+s24+$0x0] =	vst.idx.msk vm0, v6  }
0x307: {  	[tilespmem:v11+s23+$0x0] =	vst.idx.msk vm14, v5;
	v3 =	vadd.f32 s0, v3  }
0x308: {  	[tilespmem:v13+s24+$0x0] =	vst.idx.msk vm14, v5  }
0x309: {  	[tilespmem:v2+s23+$0x0] =	vst.idx.msk vm15, v3  }
0x30a: {  	[tilespmem:v12+s24+$0x0] =	vst.idx.msk vm15, v3  }
0x30b: {  	v2 =	vld [tilespmem:$0x2820];
	_ =	sdelay $0x4  }
0x30c: {  	v2 =	vbroadcast v2, $0xF;
	_ =	sdelay $0x1  }
0x30d: {  	s30 =	spop (v2sf)  }
0x30e: {  	s0 =	sadd.f32 s30, s0;
	_ =	sdelay $0x1  }
0x30f: {  	v3 =	vmov s0  }
0x310: {  	s31 =	simm.s32 $0x4900;
	[tilespmem:v2+s24+$0x0] =	vst.idx.msk $0x1, v3  }
0x311: {  	s0 =	simm.s32 $0x8900;
	v2 =	vld [tilespmem:s31+$0x0]  }
0x312: {  	v3 =	vld [tilespmem:s0+$0x0];
	_ =	sdelay $0x3  }
0x313: {  	v4 =	vld [tilespmem:s31+$0xFFFFFF80]  }
0x314: {  	v2 =	vsub.f32 v2, v3;
	v3 =	vld [tilespmem:s0+$0xFFFFFF80];
	_ =	sdelay $0x1  }
0x315: {  	[tilespmem:s0+$0x0] =	vst v2;
	v2 =	vld [tilespmem:s0+$0x10]  }
0x316: {  	v5 =	vld [tilespmem:s31+$0x10];
	_ =	sdelay $0x1  }
0x317: {  	v3 =	vsub.f32 v4, v3;
	_ =	sdelay $0x1  }
0x318: {  	v6 =	vld [tilespmem:s0+$0xFFFFFF90];
	[tilespmem:s0+$0xFFFFFF80] =	vst v3  }
0x319: {  	v2 =	vsub.f32 v5, v2;
	v3 =	vld [tilespmem:s31+$0xFFFFFF90];
	_ =	sdelay $0x1  }
0x31a: {  	[tilespmem:s0+$0x10] =	vst v2;
	v2 =	vld [tilespmem:s0+$0x20]  }
0x31b: {  	v5 =	vld [tilespmem:s31+$0x20]  }
0x31c: {  	v7 =	vld [tilespmem:s0+$0xFFFFFFB0]  }
0x31d: {  	s3 =	simm.s32 $0x4A00;
	v8 =	vld [tilespmem:s0+$0xFFFFFFD0];
	v3 =	vsub.f32 v3, v6  }
0x31e: {  	v9 =	vld [tilespmem:s3+$0x0]  }
0x31f: {  	v4 =	vld [tilespmem:s0+$0xFFFFFFA0];
	[tilespmem:s0+$0xFFFFFF90] =	vst v3  }
0x320: {  	v2 =	vsub.f32 v5, v2;
	v3 =	vld [tilespmem:s31+$0xFFFFFFA0]  }
0x321: {  	v10 =	vld [tilespmem:s0+$0xFFFFFFE0]  }
0x322: {  	[tilespmem:s0+$0x20] =	vst v2;
	v2 =	vld [tilespmem:s0+$0x30]  }
0x323: {  	s1 =	simm.s32 $0x8A00;
	v5 =	vld [tilespmem:s31+$0x30]  }
0x324: {  	v12 =	vld [tilespmem:s1+$0xFFFFFF80]  }
0x325: {  	v3 =	vsub.f32 v3, v4;
	v4 =	vld [tilespmem:s1+$0x0]  }
0x326: {  	v14 =	vld [tilespmem:s1+$0xFFFFFF90]  }
0x327: {  	s7 =	simm.s32 $0x8B00;
	v15 =	vld [tilespmem:s1+$0xFFFFFFD0]  }
0x328: {  	v17 =	vld [tilespmem:s7+$0xFFFFFF80];
	v2 =	vsub.f32 v5, v2  }
0x329: {  	[tilespmem:s0+$0xFFFFFFA0] =	vst v3;
	v3 =	vld [tilespmem:s0+$0x40]  }
0x32a: {  	[tilespmem:s0+$0x30] =	vst v2;
	v4 =	vsub.f32 v9, v4;
	v9 =	vld [tilespmem:s3+$0xFFFFFF80]  }
0x32b: {  	s8 =	simm.s32 $0x4B00;
	v11 =	vld [tilespmem:s31+$0x40]  }
0x32c: {  	v18 =	vld [tilespmem:s8+$0xFFFFFF80]  }
0x32d: {  	v5 =	vld [tilespmem:s31+$0xFFFFFFB0]  }
0x32e: {  	v19 =	vld [tilespmem:s1+$0x50]  }
0x32f: {  	[tilespmem:s1+$0x0] =	vst v4;
	v4 =	vld [tilespmem:s1+$0x10];
	v9 =	vsub.f32 v9, v12  }
0x330: {  	v13 =	vld [tilespmem:s3+$0x10];
	v3 =	vsub.f32 v11, v3  }
0x331: {  	v11 =	vld [tilespmem:s0+$0x50];
	[tilespmem:s1+$0xFFFFFF80] =	vst v9  }
0x332: {  	[tilespmem:s0+$0x40] =	vst v3;
	v3 =	vsub.f32 v5, v7;
	v7 =	vld [tilespmem:s3+$0xFFFFFF90]  }
0x333: {  	v5 =	vld [tilespmem:s31+$0x50]  }
0x334: {  	v59 =	vld [tilespmem:s7+$0xFFFFFFA0]  }
0x335: {  	v6 =	vld [tilespmem:s0+$0xFFFFFFC0];
	v4 =	vsub.f32 v13, v4;
	[tilespmem:s0+$0xFFFFFFB0] =	vst v3  }
0x336: {  	v3 =	vld [tilespmem:s31+$0xFFFFFFC0]  }
0x337: {  	[tilespmem:s1+$0x10] =	vst v4;
	v4 =	vld [tilespmem:s1+$0x20]  }
0x338: {  	v7 =	vsub.f32 v7, v14;
	v5 =	vsub.f32 v5, v11;
	v11 =	vld [tilespmem:s3+$0x20]  }
0x339: {  	v60 =	vld [tilespmem:s1+$0x60];
	v17 =	vsub.f32 v18, v17  }
0x33a: {  	v12 =	vld [tilespmem:s1+$0xFFFFFFA0];
	[tilespmem:s1+$0xFFFFFF90] =	vst v7  }
0x33b: {  	[tilespmem:s7+$0xFFFFFF80] =	vst v17;
	v3 =	vsub.f32 v3, v6;
	v6 =	vld [tilespmem:s3+$0xFFFFFFA0]  }
0x33c: {  	v17 =	vld [tilespmem:s8+$0xFFFFFF90]  }
0x33d: {  	v2 =	vld [tilespmem:s0+$0xFFFFFFF0];
	[tilespmem:s0+$0xFFFFFFC0] =	vst v3;
	v3 =	vsub.f32 v11, v4  }
0x33e: {  	v9 =	vld [tilespmem:s1+$0xFFFFFFB0]  }
0x33f: {  	v7 =	vld [tilespmem:s1+$0x30];
	[tilespmem:s1+$0x20] =	vst v3  }
0x340: {  	v6 =	vsub.f32 v6, v12;
	v12 =	vld [tilespmem:s3+$0x30]  }
0x341: {  	v4 =	vld [tilespmem:s31+$0xFFFFFFD0]  }
0x342: {  	v13 =	vld [tilespmem:s0+$0x60]  }
0x343: {  	v14 =	vld [tilespmem:s1+$0xFFFFFFC0];
	[tilespmem:s0+$0x50] =	vst v5  }
0x344: {  	v5 =	vld [tilespmem:s31+$0x60]  }
0x345: {  	[tilespmem:s1+$0xFFFFFFA0] =	vst v6;
	v6 =	vld [tilespmem:s8+$0x0];
	v7 =	vsub.f32 v12, v7  }
0x346: {  	v4 =	vsub.f32 v4, v8;
	v8 =	vld [tilespmem:s7+$0x0]  }
0x347: {  	v12 =	vld [tilespmem:s1+$0x40];
	[tilespmem:s1+$0x30] =	vst v7  }
0x348: {  	v7 =	vld [tilespmem:s3+$0x40]  }
0x349: {  	v11 =	vld [tilespmem:s0+$0x70];
	v5 =	vsub.f32 v5, v13  }
0x34a: {  	v3 =	vld [tilespmem:s1+$0xFFFFFFE0]  }
0x34b: {  	[tilespmem:s0+$0x60] =	vst v5;
	v5 =	vld [tilespmem:s3+$0xFFFFFFB0];
	v6 =	vsub.f32 v6, v8  }
0x34c: {  	v8 =	vld [tilespmem:s7+$0xFFFFFF90]  }
0x34d: {  	[tilespmem:s7+$0x0] =	vst v6;
	v6 =	vld [tilespmem:s7+$0x10];
	v7 =	vsub.f32 v7, v12  }
0x34e: {  	v12 =	vld [tilespmem:s8+$0x10]  }
0x34f: {  	v13 =	vld [tilespmem:s31+$0x70];
	[tilespmem:s1+$0x40] =	vst v7  }
0x350: {  	v5 =	vsub.f32 v5, v9;
	v9 =	vld [tilespmem:s3+$0x50]  }
0x351: {  	[tilespmem:s0+$0xFFFFFFD0] =	vst v4;
	v4 =	vld [tilespmem:s1+$0xFFFFFFF0]  }
0x352: {  	v16 =	vld [tilespmem:s31+$0xFFFFFFE0];
	[tilespmem:s1+$0xFFFFFFB0] =	vst v5;
	v8 =	vsub.f32 v17, v8  }
0x353: {  	v5 =	vsub.f32 v12, v6;
	v12 =	vld [tilespmem:s3+$0xFFFFFFC0]  }
0x354: {  	[tilespmem:s7+$0xFFFFFF90] =	vst v8;
	v8 =	vld [tilespmem:s7+$0xFFFFFFE0]  }
0x355: {  	v7 =	vld [tilespmem:s7+$0xFFFFFFB0];
	[tilespmem:s7+$0x10] =	vst v5;
	v5 =	vsub.f32 v9, v19  }
0x356: {  	v9 =	vld [tilespmem:s7+$0x20]  }
0x357: {  	v17 =	vld [tilespmem:s8+$0x20];
	[tilespmem:s1+$0x50] =	vst v5  }
0x358: {  	v12 =	vsub.f32 v12, v14;
	v14 =	vld [tilespmem:s3+$0x60]  }
0x359: {  	v61 =	vld [tilespmem:s8+$0xFFFFFFA0]  }
0x35a: {  	v6 =	vld [tilespmem:s7+$0xFFFFFFC0];
	[tilespmem:s1+$0xFFFFFFC0] =	vst v12  }
0x35b: {  	v12 =	vld [tilespmem:s3+$0xFFFFFFD0]  }
0x35c: {  	v5 =	vld [tilespmem:s7+$0xFFFFFFD0];
	v9 =	vsub.f32 v17, v9  }
0x35d: {  	v17 =	vld [tilespmem:s1+$0x70];
	v14 =	vsub.f32 v14, v60  }
0x35e: {  	[tilespmem:s7+$0x20] =	vst v9;
	v9 =	vsub.f32 v16, v10;
	v16 =	vld [tilespmem:s7+$0x30]  }
0x35f: {  	v10 =	vsub.f32 v61, v59;
	v62 =	vld [tilespmem:s8+$0x30];
	[tilespmem:s1+$0x60] =	vst v14  }
0x360: {  	[tilespmem:s0+$0xFFFFFFE0] =	vst v9;
	v9 =	vsub.f32 v12, v15;
	v63 =	vld [tilespmem:s3+$0x70]  }
0x361: {  	[tilespmem:s7+$0xFFFFFFA0] =	vst v10;
	v10 =	vld [tilespmem:s31+$0xFFFFFFF0]  }
0x362: {  	v14 =	vld [tilespmem:s8+$0xFFFFFFB0];
	[tilespmem:s1+$0xFFFFFFD0] =	vst v9  }
0x363: {  	v12 =	vsub.f32 v13, v11;
	v11 =	vld [tilespmem:s3+$0xFFFFFFE0]  }
0x364: {  	v9 =	vld [tilespmem:s7+$0xFFFFFFF0];
	v15 =	vsub.f32 v62, v16  }
0x365: {  	s9 =	simm.s32 $0x4;
	s12 =	simm.s32 $0x4C00;
	s13 =	simm.s32 $0x8B00;
	[tilespmem:s0+$0x70] =	vst v12;
	v12 =	vld [tilespmem:s7+$0x40];
	v13 =	vsub.f32 v63, v17  }
.LBB2_14:
0x366: {  	v16 =	vld [tilespmem:s12+$0x0];
	[tilespmem:s7+$0x30] =	vst v15;
	s13 =	sadd.s32 $0x100, s13;
	v10 =	vsub.f32 v10, v2;
	v2 =	vmov v4  }
0x367: {  	v15 =	vld [tilespmem:s13+$0x0];
	v14 =	vsub.f32 v14, v7;
	[tilespmem:s1+$0x70] =	vst v13  }
0x368: {  	s9 =	sadd.s32 $0x2, s9;
	v7 =	vld [tilespmem:s8+$0x40];
	v11 =	vsub.f32 v11, v3;
	[tilespmem:s0+$0xFFFFFFF0] =	vst v10;
	v3 =	vmov v8;
	s0 =	smov.u32 s1;
	s1 =	smov.u32 s7  }
0x369: {  	p0 =	slt.u32 s9, $0x7E;
	s7 =	smov.u32 s13;
	v8 =	vld [tilespmem:s13+$0xFFFFFF80];
	[tilespmem:s1+$0xFFFFFFB0] =	vst v14;
	v4 =	vmov v9  }
0x36a: {  	v9 =	vld [tilespmem:s12+$0xFFFFFF80];
	[tilespmem:s0+$0xFFFFFFE0] =	vst v11  }
0x36b: {  	v10 =	vld [tilespmem:s13+$0xFFFFFF90]  }
0x36c: {  	v11 =	vld [tilespmem:s13+$0xFFFFFFA0];
	v13 =	vsub.f32 v16, v15  }
0x36d: {  	v7 =	vsub.f32 v7, v12;
	v12 =	vld [tilespmem:s1+$0x50]  }
0x36e: {  	[tilespmem:s13+$0x0] =	vst v13;
	v13 =	vld [tilespmem:s13+$0x10]  }
0x36f: {  	v8 =	vsub.f32 v9, v8;
	v9 =	vld [tilespmem:s12+$0x10];
	[tilespmem:s1+$0x40] =	vst v7  }
0x370: {  	v14 =	vld [tilespmem:s8+$0x50]  }
0x371: {  	[tilespmem:s13+$0xFFFFFF80] =	vst v8;
	v7 =	vld [tilespmem:s13+$0xFFFFFFB0]  }
0x372: {  	v8 =	vld [tilespmem:s12+$0xFFFFFF90]  }
0x373: {  	v15 =	vld [tilespmem:s8+$0xFFFFFFC0]  }
0x374: {  	v16 =	vld [tilespmem:s13+$0xFFFFFFC0];
	v9 =	vsub.f32 v9, v13  }
0x375: {  	v12 =	vsub.f32 v14, v12;
	v13 =	vld [tilespmem:s1+$0x60]  }
0x376: {  	[tilespmem:s13+$0x10] =	vst v9;
	v9 =	vld [tilespmem:s13+$0x20]  }
0x377: {  	v8 =	vsub.f32 v8, v10;
	v10 =	vld [tilespmem:s12+$0x20];
	[tilespmem:s1+$0x50] =	vst v12  }
0x378: {  	v12 =	vsub.f32 v15, v6;
	v14 =	vld [tilespmem:s8+$0x60]  }
0x379: {  	[tilespmem:s13+$0xFFFFFF90] =	vst v8;
	v15 =	vld [tilespmem:s13+$0xFFFFFFD0];
	v6 =	vmov v16  }
0x37a: {  	v16 =	vld [tilespmem:s12+$0xFFFFFFA0];
	[tilespmem:s1+$0xFFFFFFC0] =	vst v12  }
0x37b: {  	v12 =	vld [tilespmem:s8+$0xFFFFFFD0]  }
0x37c: {  	v8 =	vld [tilespmem:s13+$0xFFFFFFE0];
	v9 =	vsub.f32 v10, v9  }
0x37d: {  	v10 =	vsub.f32 v14, v13;
	v13 =	vld [tilespmem:s1+$0x70]  }
0x37e: {  	[tilespmem:s13+$0x20] =	vst v9;
	v17 =	vld [tilespmem:s13+$0x30]  }
0x37f: {  	v9 =	vsub.f32 v16, v11;
	v16 =	vld [tilespmem:s12+$0x30];
	[tilespmem:s1+$0x60] =	vst v10  }
0x380: {  	v11 =	vsub.f32 v12, v5;
	v18 =	vld [tilespmem:s8+$0x70];
	v5 =	vmov v15  }
.Ltmp6:
0x381: {  	[tilespmem:s13+$0xFFFFFFA0] =	vst v9;
	v10 =	vld [tilespmem:s3+$0xFFFFFFF0];
	s3 =	smov.u32 s8;
	s8 =	smov.u32 s12;
	(pc) =	sbr.rel @p0 .LBB2_14-.Ltmp6, $4  }
0x382: {  	v14 =	vld [tilespmem:s12+$0xFFFFFFB0];
	[tilespmem:s1+$0xFFFFFFD0] =	vst v11  }
0x383: {  	v11 =	vld [tilespmem:s3+$0xFFFFFFE0]  }
0x384: {  	v9 =	vld [tilespmem:s13+$0xFFFFFFF0];
	v15 =	vsub.f32 v16, v17  }
0x385: {  	s12 =	sadd.s32 $0x100, s12;
	v12 =	vld [tilespmem:s13+$0x40];
	v13 =	vsub.f32 v18, v13  }
0x386: {  	_ = 	snop  }
0x387: {  	[tilespmem:s7+$0x30] =	vst v15;
	v7 =	vsub.f32 v14, v7  }
0x388: {  	v57 =	vld [tilespmem:s8+$0x40]  }
0x389: {  	[tilespmem:s7+$0xFFFFFFB0] =	vst v7  }
0x38a: {  	v7 =	vld [tilespmem:s8+$0xFFFFFFC0];
	_ =	sdelay $0x2  }
0x38b: {  	v12 =	vsub.f32 v57, v12;
	_ =	sdelay $0x1  }
0x38c: {  	v58 =	vld [tilespmem:s7+$0x50];
	[tilespmem:s7+$0x40] =	vst v12;
	v6 =	vsub.f32 v7, v6  }
0x38d: {  	v59 =	vld [tilespmem:s8+$0x50]  }
0x38e: {  	[tilespmem:s7+$0xFFFFFFC0] =	vst v6  }
0x38f: {  	v6 =	vld [tilespmem:s8+$0xFFFFFFD0];
	_ =	sdelay $0x2  }
0x390: {  	v7 =	vsub.f32 v59, v58;
	_ =	sdelay $0x1  }
0x391: {  	v60 =	vld [tilespmem:s7+$0x60];
	[tilespmem:s7+$0x50] =	vst v7;
	v5 =	vsub.f32 v6, v5  }
0x392: {  	v61 =	vld [tilespmem:s8+$0x60]  }
0x393: {  	[tilespmem:s7+$0xFFFFFFD0] =	vst v5  }
0x394: {  	v5 =	vld [tilespmem:s8+$0xFFFFFFE0];
	_ =	sdelay $0x2  }
0x395: {  	v6 =	vsub.f32 v61, v60  }
0x396: {  	v3 =	vsub.f32 v11, v3  }
0x397: {  	v62 =	vld [tilespmem:s7+$0x70];
	[tilespmem:s7+$0x60] =	vst v6;
	v5 =	vsub.f32 v5, v8  }
0x398: {  	[tilespmem:s1+$0xFFFFFFE0] =	vst v3;
	v3 =	vld [tilespmem:s8+$0x70]  }
0x399: {  	v63 =	vld [tilespmem:s3+$0xFFFFFFF0];
	[tilespmem:s7+$0xFFFFFFE0] =	vst v5  }
0x39a: {  	v5 =	vld [tilespmem:s8+$0xFFFFFFF0];
	_ =	sdelay $0x1  }
0x39b: {  	v2 =	vsub.f32 v10, v2  }
0x39c: {  	[tilespmem:s1+$0x70] =	vst v13;
	v3 =	vsub.f32 v3, v62  }
0x39d: {  	[tilespmem:s0+$0xFFFFFFF0] =	vst v2;
	v2 =	vsub.f32 v63, v4  }
0x39e: {  	[tilespmem:s7+$0x70] =	vst v3;
	v3 =	vsub.f32 v5, v9  }
0x39f: {  	[tilespmem:s1+$0xFFFFFFF0] =	vst v2  }
0x3a0: {  	s26 =	simm.s32 $0x80;
	[tilespmem:s7+$0xFFFFFFF0] =	vst v3  }
0x3a1: {  	s28 =	simm.s32 $0x400;
	s29 =	simm.s32 $0x4;
	s0 =	rddreg [dreg:$0x8]  }
0x3a2: {  	[hbm4b:s0+s26] =	stream.strided.scatter [tilespmem:s23], [sflag:$0x4], $0x4000, s28, s26, $0x38;
	[tilespmem:$0xC880] =	vst v63  }
0x3a3: {  	_ =	swait.ge [sflag:s29], $0x4000  }
0x3a4: {  	s30 =	rddreg [dreg:$0xa]  }
0x3a5: {  	s31 =	rddreg [dreg:$0x9];
	s3 =	sadd.s32 $0x1, s30  }
0x3a6: {  	p0 =	sne.s32 s3, s31  }
.Ltmp7:
0x3a7: {  	_ = 	snop;
	(pc) =	sbr.rel @p0 .LBB2_1-.Ltmp7, $3  }
0x3a8: {  	_ =	sdelay $0x1  }
0x3a9: {  	[sflag:s29] =	ssyncset.done $0x0  }
0x3aa: {  	[sflag:s29] =	ssyncadd.s32 $0xFFFFC000  }
0x3ab: {  	_ =	sfence.sel $0x180000  }
0x3ac: {  	[bflag:$0x0] =	sbarrier.arrive $0xFFFF  }
0x3ad: {  	_ =	strace $0x90000047  }
0x3ae: {  	s0 =	stileid.u32;
	[bflag:$0x2] =	sbarrier.arrive $0xFFFF  }
0x3af: {  	p0 =	sne.s32 s0, $0x0;
	s0 =	rddreg [dreg:$0x4]  }
0x3b0: {  	s0 =	sadd.s32 @!p0 $0x100000, s0  }
0x3b1: {  	[sflag:s0] =	ssyncadd.tile.s32 @!p0 $0x1;
	_ =	shalt  }
.Lfunc_end2:
_tile_overlayer_lowered:
.L_overlay_start_2:
0x3b2: {  	(tag) =	ssettag $0x2  }
0x3b3: {  	s0 =	rddreg [dreg:$0x0];
	s2 =	stileid.u32  }
0x3b4: {  	s1 =	rddreg [dreg:$0x1];
	p0 =	sne.s32 s2, $0x0  }
0x3b5: {  	s3 =	rddreg [dreg:$0x2];
	[bflag:$0x3] =	sbarrier.arrive $0xFFFF;
	s2 =	simm.s32 @!p0 $0x1C04  }
0x3b6: {  	[timem:s3], [sflag:s2] =	dma.local @!p0 [hbm:s0], s1  }
0x3b7: {  	s0 =	simm.s32 @!p0 $0x4  }
0x3b8: {  	_ =	swait.ge @!p0 [sflag:s0], s1  }
0x3b9: {  	s1 =	ssub.s32 @!p0 $0x0, s1;
	[sflag:s0] =	ssyncset.done @!p0 $0x0  }
0x3ba: {  	[sflag:s0] =	ssyncadd.s32 @!p0 s1  }
0x3bb: {  	[bflag:$0x3] =	sbarrier.arrive $0xFFFF  }
0x3bc: {  	_ =	shalt  }

</sc_bundles>
